<compile_context>
chip_gen: v7x
topology: tpu7x:2x2x1
jax: 0.10.2.dev20260603
libtpu: 0.0.44.dev20260713+nightly
codegen_flags: <defaults>
</compile_context>

<pallas_src>
import functools

import jax
import jax.numpy as jnp
from jax import lax
from jax.experimental import pallas as pl
from jax.experimental.pallas import tpu as pltpu
from jax.experimental.pallas import tpu_sc as plsc

NC = 2
NS = 16
L = 16
NW = NC * NS
CB = 128


def _build_sc_gather(B, K, ENT, REL, D):
    Bw = B // NW
    BKw = Bw * K
    D2 = 2 * D
    mesh = plsc.VectorSubcoreMesh(core_axis_name="c", subcore_axis_name="s",
                                  num_cores=NC, num_subcores=NS)
    n_full, rem = divmod(BKw, 128)
    c_sizes = [128] * n_full + ([rem] if rem else [])
    nch = len(c_sizes)

    el_out = jax.ShapeDtypeStruct((B, D), jnp.float32)
    el2_out = jax.ShapeDtypeStruct((B, D2), jnp.float32)
    pair_out = jax.ShapeDtypeStruct((B * K, D), jnp.float32)
    pair2_out = jax.ShapeDtypeStruct((B * K, D2), jnp.float32)

    @functools.partial(
        pl.kernel,
        out_type=(el_out, el_out, el2_out, el2_out, pair_out, pair2_out),
        mesh=mesh,
        scratch_types=(
            [pltpu.VMEM((Bw,), jnp.int32),
             pltpu.VMEM((Bw,), jnp.int32),
             pltpu.VMEM((BKw,), jnp.int32)]
            + [pltpu.VMEM((Bw,), jnp.int32) for _ in range(4)]
            + [pltpu.VMEM((n,), jnp.int32) for n in c_sizes] * 2
            + [pltpu.VMEM((Bw, D), jnp.float32) for _ in range(2)]
            + [pltpu.VMEM((Bw, D2), jnp.float32) for _ in range(2)]
            + [pltpu.VMEM((n, D), jnp.float32) for n in c_sizes]
            + [pltpu.VMEM((n, D2), jnp.float32) for n in c_sizes]
            + [pltpu.SemaphoreType.DMA]
        ),
        compiler_params=pltpu.CompilerParams(use_tc_tiling_on_sc=False),
    )
    def sc_gather(in_lab_h, pos_lab_h, neg_lab_h, in_ent_h, out_ent_h,
                  relmap_h, ga_h, gb_h, armi_h, brmp_h, gc_h, crmn_h,
                  *scratch):
        it = iter(scratch)

        def take(n):
            return [next(it) for _ in range(n)]

        lin_v, lpos_v, lneg_v = take(3)
        ia_v, ib_v, irma_v, irmb_v = take(4)
        ic_vs = take(nch)
        icr_vs = take(nch)
        ra_v, rb_v, rarmi_v, rbrmp_v = take(4)
        rc_vs = take(nch)
        rcr_vs = take(nch)
        sem = take(1)[0]

        wid = lax.axis_index("s") * NC + lax.axis_index("c")
        base = wid * Bw

        pltpu.sync_copy(in_lab_h.at[pl.ds(base, Bw)], lin_v)
        pltpu.sync_copy(pos_lab_h.at[pl.ds(base, Bw)], lpos_v)
        pltpu.sync_copy(neg_lab_h.at[pl.ds(base * K, BKw)], lneg_v)

        entc = jnp.int32(ENT)
        rel_hi = jnp.int32(REL - 1)
        relc = jnp.int32(REL)
        iota = lax.iota(jnp.int32, L)

        def orig(lab):
            return jnp.where(lab < entc, lab, lab - entc)

        def relclip(o, t):
            spread = (base + t * L + iota) & jnp.int32(511)
            return jnp.where(o <= rel_hi, o, spread)

        for t in range(Bw // L):
            sl = pl.ds(t * L, L)
            oin = orig(lin_v[sl])
            opos = orig(lpos_v[sl])
            ia_v[sl] = oin
            ib_v[sl] = opos
            irma_v[sl] = relclip(oin, t)
            irmb_v[sl] = relc + relclip(opos, t)
        for t in range(BKw // L):
            ch, off = divmod(t * L, 128)
            on = orig(lneg_v[pl.ds(t * L, L)])
            ic_vs[ch][pl.ds(off, L)] = on
            icr_vs[ch][pl.ds(off, L)] = relc + relclip(on, t)

        copies = [
            pltpu.async_copy(in_ent_h.at[ia_v], ra_v, sem),
            pltpu.async_copy(out_ent_h.at[ib_v], rb_v, sem),
            pltpu.async_copy(relmap_h.at[irma_v], rarmi_v, sem),
            pltpu.async_copy(relmap_h.at[irmb_v], rbrmp_v, sem),
        ]
        for ic, icr, rc, rcr in zip(ic_vs, icr_vs, rc_vs, rcr_vs):
            copies.append(pltpu.async_copy(out_ent_h.at[ic], rc, sem))
            copies.append(pltpu.async_copy(relmap_h.at[icr], rcr, sem))
        for c in copies:
            c.wait()

        for rv, oh in ((ra_v, ga_h), (rb_v, gb_h), (rarmi_v, armi_h),
                       (rbrmp_v, brmp_h)):
            pltpu.sync_copy(rv, oh.at[pl.ds(base, Bw), :])
        for rvs, oh in ((rc_vs, gc_h), (rcr_vs, crmn_h)):
            off = 0
            for n, rv in zip(c_sizes, rvs):
                pltpu.sync_copy(rv, oh.at[pl.ds(base * K + off, n), :])
                off += n

    return sc_gather


def _tc_body(K, ENT, D,
             il_ref, pl_ref, nl_ref, ga_ref, gb_ref, armi_ref, brmp_ref,
             gc_ref, crmn_ref, out_ref):
    entc = jnp.int32(ENT)

    def proj(e, m):
        nrm = jnp.sqrt(jnp.sum(m * m, axis=-1, keepdims=True))
        mn = m / (nrm + 1e-8)
        return e - jnp.sum(e * mn, axis=-1, keepdims=True) * mn

    il = il_ref[...]
    lp = pl_ref[...]
    ei = il < entc
    ep = lp < entc

    a_ent = ga_ref[...]
    b_ent = gb_ref[...]
    a_rel = armi_ref[:, :D]
    m_in = armi_ref[:, D:]
    b_rel = brmp_ref[:, :D]
    m_pos = brmp_ref[:, D:]

    in_emb = jnp.where(ei, jnp.where(ep, a_ent, proj(a_ent, m_pos)), a_rel)
    out_emb = jnp.where(ei, jnp.where(ep, b_ent, b_rel),
                        jnp.where(ep, proj(b_ent, m_in), b_rel))

    acc = jax.nn.log_sigmoid(jnp.sum(in_emb * out_emb, axis=-1, keepdims=True))

    n = il.shape[0]
    gc3 = gc_ref[...].reshape(n, K, D)
    crmn3 = crmn_ref[...].reshape(n, K, 2 * D)
    for k in range(K):
        nl = nl_ref[:, k:k + 1]
        en = nl < entc
        c_ent = gc3[:, k, :]
        c_rel = crmn3[:, k, :D]
        m_neg = crmn3[:, k, D:]
        in_neg = jnp.where(ei, jnp.where(en, a_ent, proj(a_ent, m_neg)), a_rel)
        neg_emb = jnp.where(ei, jnp.where(en, c_ent, c_rel),
                            jnp.where(en, proj(c_ent, m_in), c_rel))
        acc = acc + jax.nn.log_sigmoid(
            -jnp.sum(in_neg * neg_emb, axis=-1, keepdims=True))

    out_ref[...] = -acc


def kernel(input_labels, pos_labels, neg_labels, in_embed_ent, out_embed_ent,
           in_embed_rel, out_embed_rel, in_embed_map, out_embed_map):
    B = input_labels.shape[0]
    K = neg_labels.shape[1]
    ENT, D = in_embed_ent.shape
    REL = in_embed_rel.shape[0]

    il = input_labels.astype(jnp.int32)
    lp = pos_labels.astype(jnp.int32)
    nl = neg_labels.astype(jnp.int32)

    relmap = jnp.concatenate(
        [jnp.concatenate([in_embed_rel, out_embed_map], axis=1),
         jnp.concatenate([out_embed_rel, in_embed_map], axis=1)], axis=0)

    sc_gather = _build_sc_gather(B, K, ENT, REL, D)
    ga, gb, armi, brmp, gc, crmn = sc_gather(
        il, lp, nl.reshape(B * K), in_embed_ent, out_embed_ent, relmap)

    nl_pad = jnp.zeros((B, 128), jnp.int32).at[:, :K].set(nl)

    body = functools.partial(_tc_body, K, ENT, D)
    el_spec = pl.BlockSpec((CB, D), lambda i: (i, 0))
    el2_spec = pl.BlockSpec((CB, 2 * D), lambda i: (i, 0))
    pair_spec = pl.BlockSpec((CB * K, D), lambda i: (i, 0))
    pair2_spec = pl.BlockSpec((CB * K, 2 * D), lambda i: (i, 0))
    lab_spec = pl.BlockSpec((CB, 1), lambda i: (i, 0))
    out = pl.pallas_call(
        body,
        grid=(B // CB,),
        in_specs=[
            lab_spec, lab_spec,
            pl.BlockSpec((CB, 128), lambda i: (i, 0)),
            el_spec, el_spec, el2_spec, el2_spec,
            pair_spec, pair2_spec,
        ],
        out_specs=pl.BlockSpec((CB, 1), lambda i: (i, 0)),
        out_shape=jax.ShapeDtypeStruct((B, 1), jnp.float32),
    )(il.reshape(B, 1), lp.reshape(B, 1), nl_pad, ga, gb, armi, brmp,
      gc, crmn)
    return out.reshape(B)

# --- scband reference (transcript-rebuilt; emitter-appended) ---
"""Pipeline reference for scband-embedding-model-original-87033217286744 (READ-ONLY COPY).

The authoritative reference and input builder live on the scoring server;
editing this copy changes nothing except your own understanding.
"""

import jax, jax.numpy as jnp
import numpy as np

ENT = 100000
REL = 1000
D = 64
B = 1024
K = 10


def setup_inputs(seed: int = 0) -> dict:
    key = jax.random.key(seed)
    ks = jax.random.split(key, 10)
    initrange = 0.5 / D

    def tbl(k, n):
        return jax.random.uniform(k, (n, D), minval=-initrange, maxval=initrange, dtype=jnp.float32)

    return {
        "input_labels": jax.random.randint(ks[0], (B,), 0, ENT + REL),
        "pos_labels": jax.random.randint(ks[1], (B,), 0, ENT + REL),
        "neg_labels": jax.random.randint(ks[2], (B, K), 0, ENT + REL),
        "in_embed_ent": tbl(ks[3], ENT),
        "out_embed_ent": tbl(ks[4], ENT),
        "in_embed_rel": tbl(ks[5], REL),
        "out_embed_rel": tbl(ks[6], REL),
        "in_embed_map": tbl(ks[7], REL),
        "out_embed_map": tbl(ks[8], REL),
    }


def _map(e, m):
    # TransH-style hyperplane projection (self.map not shown in source; assumed)
    mn = m / (jnp.linalg.norm(m, axis=-1, keepdims=True) + 1e-8)
    return e - jnp.sum(e * mn, axis=-1, keepdims=True) * mn


def reference(input_labels, pos_labels, neg_labels, in_embed_ent, out_embed_ent,
              in_embed_rel, out_embed_rel, in_embed_map, out_embed_map):
    ent_size = in_embed_ent.shape[0]
    # ent_dic membership == label < ent_size; reverse_dictionary/get_original_id
    # maps a joint-vocab label to its per-table original id (vectorized here)
    is_ent_in = input_labels < ent_size
    is_ent_pos = pos_labels < ent_size
    is_ent_neg = neg_labels < ent_size
    oin = jnp.where(is_ent_in, input_labels, input_labels - ent_size)
    opos = jnp.where(is_ent_pos, pos_labels, pos_labels - ent_size)
    oneg = jnp.where(is_ent_neg, neg_labels, neg_labels - ent_size)

    e_in_ent = jnp.take(in_embed_ent, oin, axis=0)
    e_in_rel = jnp.take(in_embed_rel, jnp.clip(oin, 0, in_embed_rel.shape[0] - 1), axis=0)
    e_pos_ent_out = jnp.take(out_embed_ent, opos, axis=0)
    e_pos_rel_out = jnp.take(out_embed_rel, jnp.clip(opos, 0, out_embed_rel.shape[0] - 1), axis=0)
    m_pos = jnp.take(in_embed_map, jnp.clip(opos, 0, in_embed_map.shape[0] - 1), axis=0)
    m_in_out = jnp.take(out_embed_map, jnp.clip(oin, 0, out_embed_map.shape[0] - 1), axis=0)

    # positive pair embeddings for the four (input in ent) x (pos in ent) cases
    in_ee = e_in_ent;                        out_ee = e_pos_ent_out
    in_er = _map(e_in_ent, m_pos);           out_er = e_pos_rel_out
    in_re = e_in_rel;                        out_re = _map(e_pos_ent_out, m_in_out)
    in_rr = e_in_rel;                        out_rr = e_pos_rel_out
    ei = is_ent_in[:, None]
    ep = is_ent_pos[:, None]
    in_emb = jnp.where(ei, jnp.where(ep, in_ee, in_er), jnp.where(ep, in_re, in_rr))
    out_emb = jnp.where(ei, jnp.where(ep, out_ee, out_er), jnp.where(ep, out_re, out_rr))

    # negatives
    e_neg_ent_out = jnp.take(out_embed_ent, oneg, axis=0)
    e_neg_rel_out = jnp.take(out_embed_rel, jnp.clip(oneg, 0, out_embed_rel.shape[0] - 1), axis=0)
    m_neg = jnp.take(in_embed_map, jnp.clip(oneg, 0, in_embed_map.shape[0] - 1), axis=0)
    in_b = jnp.broadcast_to(e_in_ent[:, None, :], e_neg_ent_out.shape)
    in_rb = jnp.broadcast_to(e_in_rel[:, None, :], e_neg_ent_out.shape)
    m_in_b = jnp.broadcast_to(m_in_out[:, None, :], e_neg_ent_out.shape)
    in_ee_n = in_b;               neg_ee = e_neg_ent_out
    in_er_n = _map(in_b, m_neg);  neg_er = e_neg_rel_out
    in_re_n = in_rb;              neg_re = _map(e_neg_ent_out, m_in_b)
    in_rr_n = in_rb;              neg_rr = e_neg_rel_out
    ein = is_ent_in[:, None, None]
    en = is_ent_neg[:, :, None]
    in_neg = jnp.where(ein, jnp.where(en, in_ee_n, in_er_n), jnp.where(en, in_re_n, in_rr_n))
    neg_emb = jnp.where(ein, jnp.where(en, neg_ee, neg_er), jnp.where(en, neg_re, neg_rr))

    log_pos = jax.nn.log_sigmoid(jnp.sum(in_emb * out_emb, axis=-1))
    log_neg = jnp.sum(jax.nn.log_sigmoid(-jnp.sum(in_neg * neg_emb, axis=-1)), axis=-1)
    return -(log_pos + log_neg)


if False:  # reference __main__ guard neutralized (emitter)
    out = reference(**setup_inputs())
    print(out.shape, out.dtype)

if __name__ == "__main__":
    import jax
    _d = setup_inputs()
    print(jax.jit(kernel)(*tuple(_d.values())))

</pallas_src>

<mosaic_0001>
#map = affine_map<(d0, d1) -> (0)>
#map1 = affine_map<(d0, d1) -> (0, 0)>
module attributes {stable_mosaic.version = 14 : i64} {
  func.func @sc_gather(%arg0: i32, %arg1: i32, %arg2: memref<1024xi32, #tpu.memory_space<hbm>>, %arg3: memref<1024xi32, #tpu.memory_space<hbm>>, %arg4: memref<10240xi32, #tpu.memory_space<hbm>>, %arg5: memref<100000x64xf32, #tpu.memory_space<hbm>>, %arg6: memref<100000x64xf32, #tpu.memory_space<hbm>>, %arg7: memref<2000x128xf32, #tpu.memory_space<hbm>>, %arg8: memref<1024x64xf32, #tpu.memory_space<hbm>>, %arg9: memref<1024x64xf32, #tpu.memory_space<hbm>>, %arg10: memref<1024x128xf32, #tpu.memory_space<hbm>>, %arg11: memref<1024x128xf32, #tpu.memory_space<hbm>>, %arg12: memref<10240x64xf32, #tpu.memory_space<hbm>>, %arg13: memref<10240x128xf32, #tpu.memory_space<hbm>>, %arg14: memref<32xi32, #tpu.memory_space<vmem>>, %arg15: memref<32xi32, #tpu.memory_space<vmem>>, %arg16: memref<320xi32, #tpu.memory_space<vmem>>, %arg17: memref<32xi32, #tpu.memory_space<vmem>>, %arg18: memref<32xi32, #tpu.memory_space<vmem>>, %arg19: memref<32xi32, #tpu.memory_space<vmem>>, %arg20: memref<32xi32, #tpu.memory_space<vmem>>, %arg21: memref<128xi32, #tpu.memory_space<vmem>>, %arg22: memref<128xi32, #tpu.memory_space<vmem>>, %arg23: memref<64xi32, #tpu.memory_space<vmem>>, %arg24: memref<128xi32, #tpu.memory_space<vmem>>, %arg25: memref<128xi32, #tpu.memory_space<vmem>>, %arg26: memref<64xi32, #tpu.memory_space<vmem>>, %arg27: memref<32x64xf32, #tpu.memory_space<vmem>>, %arg28: memref<32x64xf32, #tpu.memory_space<vmem>>, %arg29: memref<32x128xf32, #tpu.memory_space<vmem>>, %arg30: memref<32x128xf32, #tpu.memory_space<vmem>>, %arg31: memref<128x64xf32, #tpu.memory_space<vmem>>, %arg32: memref<128x64xf32, #tpu.memory_space<vmem>>, %arg33: memref<64x64xf32, #tpu.memory_space<vmem>>, %arg34: memref<128x128xf32, #tpu.memory_space<vmem>>, %arg35: memref<128x128xf32, #tpu.memory_space<vmem>>, %arg36: memref<64x128xf32, #tpu.memory_space<vmem>>, %arg37: memref<!tpu.dma_semaphore, #tpu.memory_space<semaphore_mem>>) attributes {dimension_semantics = [#tpu.dimension_semantics<core_parallel>, #tpu.dimension_semantics<subcore_parallel>], iteration_bounds = array<i64: 2, 16>, scalar_prefetch = 0 : i64, scratch_operands = 24 : i64, tpu.core_type = #tpu.core_type<sc_vector_subcore>, window_params = [{transform_indices = #map}, {transform_indices = #map}, {transform_indices = #map}, {transform_indices = #map1}, {transform_indices = #map1}, {transform_indices = #map1}, {transform_indices = #map1}, {transform_indices = #map1}, {transform_indices = #map1}, {transform_indices = #map1}, {transform_indices = #map1}, {transform_indices = #map1}]} {
    %mul3A = arith.constant 2 : i32
    %mul3A_0 = arith.muli %arg1, %mul3A : i32
    %add3A = arith.addi %mul3A_0, %arg0 : i32
    %mul3A_1 = arith.constant 32 : i32
    %mul3A_2 = arith.muli %add3A, %mul3A_1 : i32
    "tpu.region"() ({
      %run_scoped3A = tpu.sem_alloc : memref<!tpu.dma_semaphore, #tpu.memory_space<semaphore_mem>>
      %dma_start3A_842 = tpu.memref_slice %arg2[%mul3A_2] : memref<1024xi32, #tpu.memory_space<hbm>> -> memref<32xi32, #tpu.memory_space<hbm>>
      %dma_start3A_843 = tpu.memref_slice %arg2[%mul3A_2] : memref<1024xi32, #tpu.memory_space<hbm>> -> memref<32xi32, #tpu.memory_space<hbm>>
      tpu.enqueue_dma source(%dma_start3A_843 : memref<32xi32, #tpu.memory_space<hbm>>) target(%arg14 : memref<32xi32, #tpu.memory_space<vmem>>) target_semaphore(%run_scoped3A : memref<!tpu.dma_semaphore, #tpu.memory_space<semaphore_mem>>)
      %dma_wait3A_844 = tpu.memref_slice %arg2[%mul3A_2] : memref<1024xi32, #tpu.memory_space<hbm>> -> memref<32xi32, #tpu.memory_space<hbm>>
      %dma_wait3A_845 = tpu.memref_slice %arg2[%mul3A_2] : memref<1024xi32, #tpu.memory_space<hbm>> -> memref<32xi32, #tpu.memory_space<hbm>>
      tpu.wait_dma2 semaphore(%run_scoped3A : memref<!tpu.dma_semaphore, #tpu.memory_space<semaphore_mem>>) src(%dma_wait3A_845 : memref<32xi32, #tpu.memory_space<hbm>>) dst(%arg14 : memref<32xi32, #tpu.memory_space<vmem>>)
      tpu.yield
    }) : () -> ()
    "tpu.region"() ({
      %run_scoped3A = tpu.sem_alloc : memref<!tpu.dma_semaphore, #tpu.memory_space<semaphore_mem>>
      %dma_start3A_842 = tpu.memref_slice %arg3[%mul3A_2] : memref<1024xi32, #tpu.memory_space<hbm>> -> memref<32xi32, #tpu.memory_space<hbm>>
      %dma_start3A_843 = tpu.memref_slice %arg3[%mul3A_2] : memref<1024xi32, #tpu.memory_space<hbm>> -> memref<32xi32, #tpu.memory_space<hbm>>
      tpu.enqueue_dma source(%dma_start3A_843 : memref<32xi32, #tpu.memory_space<hbm>>) target(%arg15 : memref<32xi32, #tpu.memory_space<vmem>>) target_semaphore(%run_scoped3A : memref<!tpu.dma_semaphore, #tpu.memory_space<semaphore_mem>>)
      %dma_wait3A_844 = tpu.memref_slice %arg3[%mul3A_2] : memref<1024xi32, #tpu.memory_space<hbm>> -> memref<32xi32, #tpu.memory_space<hbm>>
      %dma_wait3A_845 = tpu.memref_slice %arg3[%mul3A_2] : memref<1024xi32, #tpu.memory_space<hbm>> -> memref<32xi32, #tpu.memory_space<hbm>>
      tpu.wait_dma2 semaphore(%run_scoped3A : memref<!tpu.dma_semaphore, #tpu.memory_space<semaphore_mem>>) src(%dma_wait3A_845 : memref<32xi32, #tpu.memory_space<hbm>>) dst(%arg15 : memref<32xi32, #tpu.memory_space<vmem>>)
      tpu.yield
    }) : () -> ()
    %mul3A_3 = arith.constant 10 : i32
    %mul3A_4 = arith.muli %mul3A_2, %mul3A_3 : i32
    "tpu.region"() ({
      %run_scoped3A = tpu.sem_alloc : memref<!tpu.dma_semaphore, #tpu.memory_space<semaphore_mem>>
      %dma_start3A_842 = tpu.memref_slice %arg4[%mul3A_4] : memref<10240xi32, #tpu.memory_space<hbm>> -> memref<320xi32, #tpu.memory_space<hbm>>
      %dma_start3A_843 = tpu.memref_slice %arg4[%mul3A_4] : memref<10240xi32, #tpu.memory_space<hbm>> -> memref<320xi32, #tpu.memory_space<hbm>>
      tpu.enqueue_dma source(%dma_start3A_843 : memref<320xi32, #tpu.memory_space<hbm>>) target(%arg16 : memref<320xi32, #tpu.memory_space<vmem>>) target_semaphore(%run_scoped3A : memref<!tpu.dma_semaphore, #tpu.memory_space<semaphore_mem>>)
      %dma_wait3A_844 = tpu.memref_slice %arg4[%mul3A_4] : memref<10240xi32, #tpu.memory_space<hbm>> -> memref<320xi32, #tpu.memory_space<hbm>>
      %dma_wait3A_845 = tpu.memref_slice %arg4[%mul3A_4] : memref<10240xi32, #tpu.memory_space<hbm>> -> memref<320xi32, #tpu.memory_space<hbm>>
      tpu.wait_dma2 semaphore(%run_scoped3A : memref<!tpu.dma_semaphore, #tpu.memory_space<semaphore_mem>>) src(%dma_wait3A_845 : memref<320xi32, #tpu.memory_space<hbm>>) dst(%arg16 : memref<320xi32, #tpu.memory_space<vmem>>)
      tpu.yield
    }) : () -> ()
    %iota3A = tpu.iota {dimensions = array<i32: 0>} : vector<16xi32>
    %get3A = arith.constant 0 : index
    %get3A_5 = tpu.vector_load %arg14[%get3A] {strides = array<i32>} : memref<32xi32, #tpu.memory_space<vmem>>, vector<16xi32>,
    %get3A_6 = vector.shape_cast %get3A_5 : vector<16xi32> to vector<16xi32>
    %lt3A = arith.constant 100000 : i32
    %lt3A_7 = vector.broadcast %lt3A : i32 to vector<16xi32>
    %lt3A_8 = arith.cmpi slt, %get3A_6, %lt3A_7 : vector<16xi32>
    %sub3A = arith.constant 100000 : i32
    %sub3A_9 = vector.broadcast %sub3A : i32 to vector<16xi32>
    %sub3A_10 = arith.subi %get3A_6, %sub3A_9 : vector<16xi32>
    %select_n3A = arith.select %lt3A_8, %get3A_6, %sub3A_10 : vector<16xi1>, vector<16xi32>
    %get3A_11 = arith.constant 0 : index
    %get3A_12 = tpu.vector_load %arg15[%get3A_11] {strides = array<i32>} : memref<32xi32, #tpu.memory_space<vmem>>, vector<16xi32>,
    %get3A_13 = vector.shape_cast %get3A_12 : vector<16xi32> to vector<16xi32>
    %lt3A_14 = arith.constant 100000 : i32
    %lt3A_15 = vector.broadcast %lt3A_14 : i32 to vector<16xi32>
    %lt3A_16 = arith.cmpi slt, %get3A_13, %lt3A_15 : vector<16xi32>
    %sub3A_17 = arith.constant 100000 : i32
    %sub3A_18 = vector.broadcast %sub3A_17 : i32 to vector<16xi32>
    %sub3A_19 = arith.subi %get3A_13, %sub3A_18 : vector<16xi32>
    %select_n3A_20 = arith.select %lt3A_16, %get3A_13, %sub3A_19 : vector<16xi1>, vector<16xi32>
    %swap3A = arith.constant 0 : index
    %swap3A_21 = tpu.vector_load %arg17[%swap3A] {strides = array<i32>} : memref<32xi32, #tpu.memory_space<vmem>>, vector<16xi32>,
    %swap3A_22 = vector.shape_cast %swap3A_21 : vector<16xi32> to vector<16xi32>
    %swap3A_23 = vector.shape_cast %select_n3A : vector<16xi32> to vector<16xi32>
    tpu.vector_store %arg17[%swap3A], %swap3A_23 {strides = array<i32>} : memref<32xi32, #tpu.memory_space<vmem>>, vector<16xi32>,
    %swap3A_24 = arith.constant 0 : index
    %swap3A_25 = tpu.vector_load %arg18[%swap3A_24] {strides = array<i32>} : memref<32xi32, #tpu.memory_space<vmem>>, vector<16xi32>,
    %swap3A_26 = vector.shape_cast %swap3A_25 : vector<16xi32> to vector<16xi32>
    %swap3A_27 = vector.shape_cast %select_n3A_20 : vector<16xi32> to vector<16xi32>
    tpu.vector_store %arg18[%swap3A_24], %swap3A_27 {strides = array<i32>} : memref<32xi32, #tpu.memory_space<vmem>>, vector<16xi32>,
    %add3A_28 = arith.constant 0 : i32
    %add3A_29 = arith.addi %mul3A_2, %add3A_28 : i32
    %add3A_30 = vector.broadcast %add3A_29 : i32 to vector<16xi32>
    %add3A_31 = arith.addi %add3A_30, %iota3A : vector<16xi32>
    %and3A = arith.constant 511 : i32
    %and3A_32 = vector.broadcast %and3A : i32 to vector<16xi32>
    %and3A_33 = arith.andi %add3A_31, %and3A_32 : vector<16xi32>
    %le3A = arith.constant 999 : i32
    %le3A_34 = vector.broadcast %le3A : i32 to vector<16xi32>
    %le3A_35 = arith.cmpi sle, %select_n3A, %le3A_34 : vector<16xi32>
    %select_n3A_36 = arith.select %le3A_35, %select_n3A, %and3A_33 : vector<16xi1>, vector<16xi32>
    %swap3A_37 = arith.constant 0 : index
    %swap3A_38 = tpu.vector_load %arg19[%swap3A_37] {strides = array<i32>} : memref<32xi32, #tpu.memory_space<vmem>>, vector<16xi32>,
    %swap3A_39 = vector.shape_cast %swap3A_38 : vector<16xi32> to vector<16xi32>
    %swap3A_40 = vector.shape_cast %select_n3A_36 : vector<16xi32> to vector<16xi32>
    tpu.vector_store %arg19[%swap3A_37], %swap3A_40 {strides = array<i32>} : memref<32xi32, #tpu.memory_space<vmem>>, vector<16xi32>,
    %add3A_41 = arith.constant 0 : i32
    %add3A_42 = arith.addi %mul3A_2, %add3A_41 : i32
    %add3A_43 = vector.broadcast %add3A_42 : i32 to vector<16xi32>
    %add3A_44 = arith.addi %add3A_43, %iota3A : vector<16xi32>
    %and3A_45 = arith.constant 511 : i32
    %and3A_46 = vector.broadcast %and3A_45 : i32 to vector<16xi32>
    %and3A_47 = arith.andi %add3A_44, %and3A_46 : vector<16xi32>
    %le3A_48 = arith.constant 999 : i32
    %le3A_49 = vector.broadcast %le3A_48 : i32 to vector<16xi32>
    %le3A_50 = arith.cmpi sle, %select_n3A_20, %le3A_49 : vector<16xi32>
    %select_n3A_51 = arith.select %le3A_50, %select_n3A_20, %and3A_47 : vector<16xi1>, vector<16xi32>
    %add3A_52 = arith.constant 1000 : i32
    %add3A_53 = vector.broadcast %add3A_52 : i32 to vector<16xi32>
    %add3A_54 = arith.addi %add3A_53, %select_n3A_51 : vector<16xi32>
    %swap3A_55 = arith.constant 0 : index
    %swap3A_56 = tpu.vector_load %arg20[%swap3A_55] {strides = array<i32>} : memref<32xi32, #tpu.memory_space<vmem>>, vector<16xi32>,
    %swap3A_57 = vector.shape_cast %swap3A_56 : vector<16xi32> to vector<16xi32>
    %swap3A_58 = vector.shape_cast %add3A_54 : vector<16xi32> to vector<16xi32>
    tpu.vector_store %arg20[%swap3A_55], %swap3A_58 {strides = array<i32>} : memref<32xi32, #tpu.memory_space<vmem>>, vector<16xi32>,
    %get3A_59 = arith.constant 16 : index
    %get3A_60 = tpu.vector_load %arg14[%get3A_59] {strides = array<i32>} : memref<32xi32, #tpu.memory_space<vmem>>, vector<16xi32>,
    %get3A_61 = vector.shape_cast %get3A_60 : vector<16xi32> to vector<16xi32>
    %lt3A_62 = arith.constant 100000 : i32
    %lt3A_63 = vector.broadcast %lt3A_62 : i32 to vector<16xi32>
    %lt3A_64 = arith.cmpi slt, %get3A_61, %lt3A_63 : vector<16xi32>
    %sub3A_65 = arith.constant 100000 : i32
    %sub3A_66 = vector.broadcast %sub3A_65 : i32 to vector<16xi32>
    %sub3A_67 = arith.subi %get3A_61, %sub3A_66 : vector<16xi32>
    %select_n3A_68 = arith.select %lt3A_64, %get3A_61, %sub3A_67 : vector<16xi1>, vector<16xi32>
    %get3A_69 = arith.constant 16 : index
    %get3A_70 = tpu.vector_load %arg15[%get3A_69] {strides = array<i32>} : memref<32xi32, #tpu.memory_space<vmem>>, vector<16xi32>,
    %get3A_71 = vector.shape_cast %get3A_70 : vector<16xi32> to vector<16xi32>
    %lt3A_72 = arith.constant 100000 : i32
    %lt3A_73 = vector.broadcast %lt3A_72 : i32 to vector<16xi32>
    %lt3A_74 = arith.cmpi slt, %get3A_71, %lt3A_73 : vector<16xi32>
    %sub3A_75 = arith.constant 100000 : i32
    %sub3A_76 = vector.broadcast %sub3A_75 : i32 to vector<16xi32>
    %sub3A_77 = arith.subi %get3A_71, %sub3A_76 : vector<16xi32>
    %select_n3A_78 = arith.select %lt3A_74, %get3A_71, %sub3A_77 : vector<16xi1>, vector<16xi32>
    %swap3A_79 = arith.constant 16 : index
    %swap3A_80 = tpu.vector_load %arg17[%swap3A_79] {strides = array<i32>} : memref<32xi32, #tpu.memory_space<vmem>>, vector<16xi32>,
    %swap3A_81 = vector.shape_cast %swap3A_80 : vector<16xi32> to vector<16xi32>
    %swap3A_82 = vector.shape_cast %select_n3A_68 : vector<16xi32> to vector<16xi32>
    tpu.vector_store %arg17[%swap3A_79], %swap3A_82 {strides = array<i32>} : memref<32xi32, #tpu.memory_space<vmem>>, vector<16xi32>,
    %swap3A_83 = arith.constant 16 : index
    %swap3A_84 = tpu.vector_load %arg18[%swap3A_83] {strides = array<i32>} : memref<32xi32, #tpu.memory_space<vmem>>, vector<16xi32>,
    %swap3A_85 = vector.shape_cast %swap3A_84 : vector<16xi32> to vector<16xi32>
    %swap3A_86 = vector.shape_cast %select_n3A_78 : vector<16xi32> to vector<16xi32>
    tpu.vector_store %arg18[%swap3A_83], %swap3A_86 {strides = array<i32>} : memref<32xi32, #tpu.memory_space<vmem>>, vector<16xi32>,
    %add3A_87 = arith.constant 16 : i32
    %add3A_88 = arith.addi %mul3A_2, %add3A_87 : i32
    %add3A_89 = vector.broadcast %add3A_88 : i32 to vector<16xi32>
    %add3A_90 = arith.addi %add3A_89, %iota3A : vector<16xi32>
    %and3A_91 = arith.constant 511 : i32
    %and3A_92 = vector.broadcast %and3A_91 : i32 to vector<16xi32>
    %and3A_93 = arith.andi %add3A_90, %and3A_92 : vector<16xi32>
    %le3A_94 = arith.constant 999 : i32
    %le3A_95 = vector.broadcast %le3A_94 : i32 to vector<16xi32>
    %le3A_96 = arith.cmpi sle, %select_n3A_68, %le3A_95 : vector<16xi32>
    %select_n3A_97 = arith.select %le3A_96, %select_n3A_68, %and3A_93 : vector<16xi1>, vector<16xi32>
    %swap3A_98 = arith.constant 16 : index
    %swap3A_99 = tpu.vector_load %arg19[%swap3A_98] {strides = array<i32>} : memref<32xi32, #tpu.memory_space<vmem>>, vector<16xi32>,
    %swap3A_100 = vector.shape_cast %swap3A_99 : vector<16xi32> to vector<16xi32>
    %swap3A_101 = vector.shape_cast %select_n3A_97 : vector<16xi32> to vector<16xi32>
    tpu.vector_store %arg19[%swap3A_98], %swap3A_101 {strides = array<i32>} : memref<32xi32, #tpu.memory_space<vmem>>, vector<16xi32>,
    %add3A_102 = arith.constant 16 : i32
    %add3A_103 = arith.addi %mul3A_2, %add3A_102 : i32
    %add3A_104 = vector.broadcast %add3A_103 : i32 to vector<16xi32>
    %add3A_105 = arith.addi %add3A_104, %iota3A : vector<16xi32>
    %and3A_106 = arith.constant 511 : i32
    %and3A_107 = vector.broadcast %and3A_106 : i32 to vector<16xi32>
    %and3A_108 = arith.andi %add3A_105, %and3A_107 : vector<16xi32>
    %le3A_109 = arith.constant 999 : i32
    %le3A_110 = vector.broadcast %le3A_109 : i32 to vector<16xi32>
    %le3A_111 = arith.cmpi sle, %select_n3A_78, %le3A_110 : vector<16xi32>
    %select_n3A_112 = arith.select %le3A_111, %select_n3A_78, %and3A_108 : vector<16xi1>, vector<16xi32>
    %add3A_113 = arith.constant 1000 : i32
    %add3A_114 = vector.broadcast %add3A_113 : i32 to vector<16xi32>
    %add3A_115 = arith.addi %add3A_114, %select_n3A_112 : vector<16xi32>
    %swap3A_116 = arith.constant 16 : index
    %swap3A_117 = tpu.vector_load %arg20[%swap3A_116] {strides = array<i32>} : memref<32xi32, #tpu.memory_space<vmem>>, vector<16xi32>,
    %swap3A_118 = vector.shape_cast %swap3A_117 : vector<16xi32> to vector<16xi32>
    %swap3A_119 = vector.shape_cast %add3A_115 : vector<16xi32> to vector<16xi32>
    tpu.vector_store %arg20[%swap3A_116], %swap3A_119 {strides = array<i32>} : memref<32xi32, #tpu.memory_space<vmem>>, vector<16xi32>,
    %get3A_120 = arith.constant 0 : index
    %get3A_121 = tpu.vector_load %arg16[%get3A_120] {strides = array<i32>} : memref<320xi32, #tpu.memory_space<vmem>>, vector<16xi32>,
    %get3A_122 = vector.shape_cast %get3A_121 : vector<16xi32> to vector<16xi32>
    %lt3A_123 = arith.constant 100000 : i32
    %lt3A_124 = vector.broadcast %lt3A_123 : i32 to vector<16xi32>
    %lt3A_125 = arith.cmpi slt, %get3A_122, %lt3A_124 : vector<16xi32>
    %sub3A_126 = arith.constant 100000 : i32
    %sub3A_127 = vector.broadcast %sub3A_126 : i32 to vector<16xi32>
    %sub3A_128 = arith.subi %get3A_122, %sub3A_127 : vector<16xi32>
    %select_n3A_129 = arith.select %lt3A_125, %get3A_122, %sub3A_128 : vector<16xi1>, vector<16xi32>
    %swap3A_130 = arith.constant 0 : index
    %swap3A_131 = tpu.vector_load %arg21[%swap3A_130] {strides = array<i32>} : memref<128xi32, #tpu.memory_space<vmem>>, vector<16xi32>,
    %swap3A_132 = vector.shape_cast %swap3A_131 : vector<16xi32> to vector<16xi32>
    %swap3A_133 = vector.shape_cast %select_n3A_129 : vector<16xi32> to vector<16xi32>
    tpu.vector_store %arg21[%swap3A_130], %swap3A_133 {strides = array<i32>} : memref<128xi32, #tpu.memory_space<vmem>>, vector<16xi32>,
    %add3A_134 = arith.constant 0 : i32
    %add3A_135 = arith.addi %mul3A_2, %add3A_134 : i32
    %add3A_136 = vector.broadcast %add3A_135 : i32 to vector<16xi32>
    %add3A_137 = arith.addi %add3A_136, %iota3A : vector<16xi32>
    %and3A_138 = arith.constant 511 : i32
    %and3A_139 = vector.broadcast %and3A_138 : i32 to vector<16xi32>
    %and3A_140 = arith.andi %add3A_137, %and3A_139 : vector<16xi32>
    %le3A_141 = arith.constant 999 : i32
    %le3A_142 = vector.broadcast %le3A_141 : i32 to vector<16xi32>
    %le3A_143 = arith.cmpi sle, %select_n3A_129, %le3A_142 : vector<16xi32>
    %select_n3A_144 = arith.select %le3A_143, %select_n3A_129, %and3A_140 : vector<16xi1>, vector<16xi32>
    %add3A_145 = arith.constant 1000 : i32
    %add3A_146 = vector.broadcast %add3A_145 : i32 to vector<16xi32>
    %add3A_147 = arith.addi %add3A_146, %select_n3A_144 : vector<16xi32>
    %swap3A_148 = arith.constant 0 : index
    %swap3A_149 = tpu.vector_load %arg24[%swap3A_148] {strides = array<i32>} : memref<128xi32, #tpu.memory_space<vmem>>, vector<16xi32>,
    %swap3A_150 = vector.shape_cast %swap3A_149 : vector<16xi32> to vector<16xi32>
    %swap3A_151 = vector.shape_cast %add3A_147 : vector<16xi32> to vector<16xi32>
    tpu.vector_store %arg24[%swap3A_148], %swap3A_151 {strides = array<i32>} : memref<128xi32, #tpu.memory_space<vmem>>, vector<16xi32>,
    %get3A_152 = arith.constant 16 : index
    %get3A_153 = tpu.vector_load %arg16[%get3A_152] {strides = array<i32>} : memref<320xi32, #tpu.memory_space<vmem>>, vector<16xi32>,
    %get3A_154 = vector.shape_cast %get3A_153 : vector<16xi32> to vector<16xi32>
    %lt3A_155 = arith.constant 100000 : i32
    %lt3A_156 = vector.broadcast %lt3A_155 : i32 to vector<16xi32>
    %lt3A_157 = arith.cmpi slt, %get3A_154, %lt3A_156 : vector<16xi32>
    %sub3A_158 = arith.constant 100000 : i32
    %sub3A_159 = vector.broadcast %sub3A_158 : i32 to vector<16xi32>
    %sub3A_160 = arith.subi %get3A_154, %sub3A_159 : vector<16xi32>
    %select_n3A_161 = arith.select %lt3A_157, %get3A_154, %sub3A_160 : vector<16xi1>, vector<16xi32>
    %swap3A_162 = arith.constant 16 : index
    %swap3A_163 = tpu.vector_load %arg21[%swap3A_162] {strides = array<i32>} : memref<128xi32, #tpu.memory_space<vmem>>, vector<16xi32>,
    %swap3A_164 = vector.shape_cast %swap3A_163 : vector<16xi32> to vector<16xi32>
    %swap3A_165 = vector.shape_cast %select_n3A_161 : vector<16xi32> to vector<16xi32>
    tpu.vector_store %arg21[%swap3A_162], %swap3A_165 {strides = array<i32>} : memref<128xi32, #tpu.memory_space<vmem>>, vector<16xi32>,
    %add3A_166 = arith.constant 16 : i32
    %add3A_167 = arith.addi %mul3A_2, %add3A_166 : i32
    %add3A_168 = vector.broadcast %add3A_167 : i32 to vector<16xi32>
    %add3A_169 = arith.addi %add3A_168, %iota3A : vector<16xi32>
    %and3A_170 = arith.constant 511 : i32
    %and3A_171 = vector.broadcast %and3A_170 : i32 to vector<16xi32>
    %and3A_172 = arith.andi %add3A_169, %and3A_171 : vector<16xi32>
    %le3A_173 = arith.constant 999 : i32
    %le3A_174 = vector.broadcast %le3A_173 : i32 to vector<16xi32>
    %le3A_175 = arith.cmpi sle, %select_n3A_161, %le3A_174 : vector<16xi32>
    %select_n3A_176 = arith.select %le3A_175, %select_n3A_161, %and3A_172 : vector<16xi1>, vector<16xi32>
    %add3A_177 = arith.constant 1000 : i32
    %add3A_178 = vector.broadcast %add3A_177 : i32 to vector<16xi32>
    %add3A_179 = arith.addi %add3A_178, %select_n3A_176 : vector<16xi32>
    %swap3A_180 = arith.constant 16 : index
    %swap3A_181 = tpu.vector_load %arg24[%swap3A_180] {strides = array<i32>} : memref<128xi32, #tpu.memory_space<vmem>>, vector<16xi32>,
    %swap3A_182 = vector.shape_cast %swap3A_181 : vector<16xi32> to vector<16xi32>
    %swap3A_183 = vector.shape_cast %add3A_179 : vector<16xi32> to vector<16xi32>
    tpu.vector_store %arg24[%swap3A_180], %swap3A_183 {strides = array<i32>} : memref<128xi32, #tpu.memory_space<vmem>>, vector<16xi32>,
    %get3A_184 = arith.constant 32 : index
    %get3A_185 = tpu.vector_load %arg16[%get3A_184] {strides = array<i32>} : memref<320xi32, #tpu.memory_space<vmem>>, vector<16xi32>,
    %get3A_186 = vector.shape_cast %get3A_185 : vector<16xi32> to vector<16xi32>
    %lt3A_187 = arith.constant 100000 : i32
    %lt3A_188 = vector.broadcast %lt3A_187 : i32 to vector<16xi32>
    %lt3A_189 = arith.cmpi slt, %get3A_186, %lt3A_188 : vector<16xi32>
    %sub3A_190 = arith.constant 100000 : i32
    %sub3A_191 = vector.broadcast %sub3A_190 : i32 to vector<16xi32>
    %sub3A_192 = arith.subi %get3A_186, %sub3A_191 : vector<16xi32>
    %select_n3A_193 = arith.select %lt3A_189, %get3A_186, %sub3A_192 : vector<16xi1>, vector<16xi32>
    %swap3A_194 = arith.constant 32 : index
    %swap3A_195 = tpu.vector_load %arg21[%swap3A_194] {strides = array<i32>} : memref<128xi32, #tpu.memory_space<vmem>>, vector<16xi32>,
    %swap3A_196 = vector.shape_cast %swap3A_195 : vector<16xi32> to vector<16xi32>
    %swap3A_197 = vector.shape_cast %select_n3A_193 : vector<16xi32> to vector<16xi32>
    tpu.vector_store %arg21[%swap3A_194], %swap3A_197 {strides = array<i32>} : memref<128xi32, #tpu.memory_space<vmem>>, vector<16xi32>,
    %add3A_198 = arith.constant 32 : i32
    %add3A_199 = arith.addi %mul3A_2, %add3A_198 : i32
    %add3A_200 = vector.broadcast %add3A_199 : i32 to vector<16xi32>
    %add3A_201 = arith.addi %add3A_200, %iota3A : vector<16xi32>
    %and3A_202 = arith.constant 511 : i32
    %and3A_203 = vector.broadcast %and3A_202 : i32 to vector<16xi32>
    %and3A_204 = arith.andi %add3A_201, %and3A_203 : vector<16xi32>
    %le3A_205 = arith.constant 999 : i32
    %le3A_206 = vector.broadcast %le3A_205 : i32 to vector<16xi32>
    %le3A_207 = arith.cmpi sle, %select_n3A_193, %le3A_206 : vector<16xi32>
    %select_n3A_208 = arith.select %le3A_207, %select_n3A_193, %and3A_204 : vector<16xi1>, vector<16xi32>
    %add3A_209 = arith.constant 1000 : i32
    %add3A_210 = vector.broadcast %add3A_209 : i32 to vector<16xi32>
    %add3A_211 = arith.addi %add3A_210, %select_n3A_208 : vector<16xi32>
    %swap3A_212 = arith.constant 32 : index
    %swap3A_213 = tpu.vector_load %arg24[%swap3A_212] {strides = array<i32>} : memref<128xi32, #tpu.memory_space<vmem>>, vector<16xi32>,
    %swap3A_214 = vector.shape_cast %swap3A_213 : vector<16xi32> to vector<16xi32>
    %swap3A_215 = vector.shape_cast %add3A_211 : vector<16xi32> to vector<16xi32>
    tpu.vector_store %arg24[%swap3A_212], %swap3A_215 {strides = array<i32>} : memref<128xi32, #tpu.memory_space<vmem>>, vector<16xi32>,
    %get3A_216 = arith.constant 48 : index
    %get3A_217 = tpu.vector_load %arg16[%get3A_216] {strides = array<i32>} : memref<320xi32, #tpu.memory_space<vmem>>, vector<16xi32>,
    %get3A_218 = vector.shape_cast %get3A_217 : vector<16xi32> to vector<16xi32>
    %lt3A_219 = arith.constant 100000 : i32
    %lt3A_220 = vector.broadcast %lt3A_219 : i32 to vector<16xi32>
    %lt3A_221 = arith.cmpi slt, %get3A_218, %lt3A_220 : vector<16xi32>
    %sub3A_222 = arith.constant 100000 : i32
    %sub3A_223 = vector.broadcast %sub3A_222 : i32 to vector<16xi32>
    %sub3A_224 = arith.subi %get3A_218, %sub3A_223 : vector<16xi32>
    %select_n3A_225 = arith.select %lt3A_221, %get3A_218, %sub3A_224 : vector<16xi1>, vector<16xi32>
    %swap3A_226 = arith.constant 48 : index
    %swap3A_227 = tpu.vector_load %arg21[%swap3A_226] {strides = array<i32>} : memref<128xi32, #tpu.memory_space<vmem>>, vector<16xi32>,
    %swap3A_228 = vector.shape_cast %swap3A_227 : vector<16xi32> to vector<16xi32>
    %swap3A_229 = vector.shape_cast %select_n3A_225 : vector<16xi32> to vector<16xi32>
    tpu.vector_store %arg21[%swap3A_226], %swap3A_229 {strides = array<i32>} : memref<128xi32, #tpu.memory_space<vmem>>, vector<16xi32>,
    %add3A_230 = arith.constant 48 : i32
    %add3A_231 = arith.addi %mul3A_2, %add3A_230 : i32
    %add3A_232 = vector.broadcast %add3A_231 : i32 to vector<16xi32>
    %add3A_233 = arith.addi %add3A_232, %iota3A : vector<16xi32>
    %and3A_234 = arith.constant 511 : i32
    %and3A_235 = vector.broadcast %and3A_234 : i32 to vector<16xi32>
    %and3A_236 = arith.andi %add3A_233, %and3A_235 : vector<16xi32>
    %le3A_237 = arith.constant 999 : i32
    %le3A_238 = vector.broadcast %le3A_237 : i32 to vector<16xi32>
    %le3A_239 = arith.cmpi sle, %select_n3A_225, %le3A_238 : vector<16xi32>
    %select_n3A_240 = arith.select %le3A_239, %select_n3A_225, %and3A_236 : vector<16xi1>, vector<16xi32>
    %add3A_241 = arith.constant 1000 : i32
    %add3A_242 = vector.broadcast %add3A_241 : i32 to vector<16xi32>
    %add3A_243 = arith.addi %add3A_242, %select_n3A_240 : vector<16xi32>
    %swap3A_244 = arith.constant 48 : index
    %swap3A_245 = tpu.vector_load %arg24[%swap3A_244] {strides = array<i32>} : memref<128xi32, #tpu.memory_space<vmem>>, vector<16xi32>,
    %swap3A_246 = vector.shape_cast %swap3A_245 : vector<16xi32> to vector<16xi32>
    %swap3A_247 = vector.shape_cast %add3A_243 : vector<16xi32> to vector<16xi32>
    tpu.vector_store %arg24[%swap3A_244], %swap3A_247 {strides = array<i32>} : memref<128xi32, #tpu.memory_space<vmem>>, vector<16xi32>,
    %get3A_248 = arith.constant 64 : index
    %get3A_249 = tpu.vector_load %arg16[%get3A_248] {strides = array<i32>} : memref<320xi32, #tpu.memory_space<vmem>>, vector<16xi32>,
    %get3A_250 = vector.shape_cast %get3A_249 : vector<16xi32> to vector<16xi32>
    %lt3A_251 = arith.constant 100000 : i32
    %lt3A_252 = vector.broadcast %lt3A_251 : i32 to vector<16xi32>
    %lt3A_253 = arith.cmpi slt, %get3A_250, %lt3A_252 : vector<16xi32>
    %sub3A_254 = arith.constant 100000 : i32
    %sub3A_255 = vector.broadcast %sub3A_254 : i32 to vector<16xi32>
    %sub3A_256 = arith.subi %get3A_250, %sub3A_255 : vector<16xi32>
    %select_n3A_257 = arith.select %lt3A_253, %get3A_250, %sub3A_256 : vector<16xi1>, vector<16xi32>
    %swap3A_258 = arith.constant 64 : index
    %swap3A_259 = tpu.vector_load %arg21[%swap3A_258] {strides = array<i32>} : memref<128xi32, #tpu.memory_space<vmem>>, vector<16xi32>,
    %swap3A_260 = vector.shape_cast %swap3A_259 : vector<16xi32> to vector<16xi32>
    %swap3A_261 = vector.shape_cast %select_n3A_257 : vector<16xi32> to vector<16xi32>
    tpu.vector_store %arg21[%swap3A_258], %swap3A_261 {strides = array<i32>} : memref<128xi32, #tpu.memory_space<vmem>>, vector<16xi32>,
    %add3A_262 = arith.constant 64 : i32
    %add3A_263 = arith.addi %mul3A_2, %add3A_262 : i32
    %add3A_264 = vector.broadcast %add3A_263 : i32 to vector<16xi32>
    %add3A_265 = arith.addi %add3A_264, %iota3A : vector<16xi32>
    %and3A_266 = arith.constant 511 : i32
    %and3A_267 = vector.broadcast %and3A_266 : i32 to vector<16xi32>
    %and3A_268 = arith.andi %add3A_265, %and3A_267 : vector<16xi32>
    %le3A_269 = arith.constant 999 : i32
    %le3A_270 = vector.broadcast %le3A_269 : i32 to vector<16xi32>
    %le3A_271 = arith.cmpi sle, %select_n3A_257, %le3A_270 : vector<16xi32>
    %select_n3A_272 = arith.select %le3A_271, %select_n3A_257, %and3A_268 : vector<16xi1>, vector<16xi32>
    %add3A_273 = arith.constant 1000 : i32
    %add3A_274 = vector.broadcast %add3A_273 : i32 to vector<16xi32>
    %add3A_275 = arith.addi %add3A_274, %select_n3A_272 : vector<16xi32>
    %swap3A_276 = arith.constant 64 : index
    %swap3A_277 = tpu.vector_load %arg24[%swap3A_276] {strides = array<i32>} : memref<128xi32, #tpu.memory_space<vmem>>, vector<16xi32>,
    %swap3A_278 = vector.shape_cast %swap3A_277 : vector<16xi32> to vector<16xi32>
    %swap3A_279 = vector.shape_cast %add3A_275 : vector<16xi32> to vector<16xi32>
    tpu.vector_store %arg24[%swap3A_276], %swap3A_279 {strides = array<i32>} : memref<128xi32, #tpu.memory_space<vmem>>, vector<16xi32>,
    %get3A_280 = arith.constant 80 : index
    %get3A_281 = tpu.vector_load %arg16[%get3A_280] {strides = array<i32>} : memref<320xi32, #tpu.memory_space<vmem>>, vector<16xi32>,
    %get3A_282 = vector.shape_cast %get3A_281 : vector<16xi32> to vector<16xi32>
    %lt3A_283 = arith.constant 100000 : i32
    %lt3A_284 = vector.broadcast %lt3A_283 : i32 to vector<16xi32>
    %lt3A_285 = arith.cmpi slt, %get3A_282, %lt3A_284 : vector<16xi32>
    %sub3A_286 = arith.constant 100000 : i32
    %sub3A_287 = vector.broadcast %sub3A_286 : i32 to vector<16xi32>
    %sub3A_288 = arith.subi %get3A_282, %sub3A_287 : vector<16xi32>
    %select_n3A_289 = arith.select %lt3A_285, %get3A_282, %sub3A_288 : vector<16xi1>, vector<16xi32>
    %swap3A_290 = arith.constant 80 : index
    %swap3A_291 = tpu.vector_load %arg21[%swap3A_290] {strides = array<i32>} : memref<128xi32, #tpu.memory_space<vmem>>, vector<16xi32>,
    %swap3A_292 = vector.shape_cast %swap3A_291 : vector<16xi32> to vector<16xi32>
    %swap3A_293 = vector.shape_cast %select_n3A_289 : vector<16xi32> to vector<16xi32>
    tpu.vector_store %arg21[%swap3A_290], %swap3A_293 {strides = array<i32>} : memref<128xi32, #tpu.memory_space<vmem>>, vector<16xi32>,
    %add3A_294 = arith.constant 80 : i32
    %add3A_295 = arith.addi %mul3A_2, %add3A_294 : i32
    %add3A_296 = vector.broadcast %add3A_295 : i32 to vector<16xi32>
    %add3A_297 = arith.addi %add3A_296, %iota3A : vector<16xi32>
    %and3A_298 = arith.constant 511 : i32
    %and3A_299 = vector.broadcast %and3A_298 : i32 to vector<16xi32>
    %and3A_300 = arith.andi %add3A_297, %and3A_299 : vector<16xi32>
    %le3A_301 = arith.constant 999 : i32
    %le3A_302 = vector.broadcast %le3A_301 : i32 to vector<16xi32>
    %le3A_303 = arith.cmpi sle, %select_n3A_289, %le3A_302 : vector<16xi32>
    %select_n3A_304 = arith.select %le3A_303, %select_n3A_289, %and3A_300 : vector<16xi1>, vector<16xi32>
    %add3A_305 = arith.constant 1000 : i32
    %add3A_306 = vector.broadcast %add3A_305 : i32 to vector<16xi32>
    %add3A_307 = arith.addi %add3A_306, %select_n3A_304 : vector<16xi32>
    %swap3A_308 = arith.constant 80 : index
    %swap3A_309 = tpu.vector_load %arg24[%swap3A_308] {strides = array<i32>} : memref<128xi32, #tpu.memory_space<vmem>>, vector<16xi32>,
    %swap3A_310 = vector.shape_cast %swap3A_309 : vector<16xi32> to vector<16xi32>
    %swap3A_311 = vector.shape_cast %add3A_307 : vector<16xi32> to vector<16xi32>
    tpu.vector_store %arg24[%swap3A_308], %swap3A_311 {strides = array<i32>} : memref<128xi32, #tpu.memory_space<vmem>>, vector<16xi32>,
    %get3A_312 = arith.constant 96 : index
    %get3A_313 = tpu.vector_load %arg16[%get3A_312] {strides = array<i32>} : memref<320xi32, #tpu.memory_space<vmem>>, vector<16xi32>,
    %get3A_314 = vector.shape_cast %get3A_313 : vector<16xi32> to vector<16xi32>
    %lt3A_315 = arith.constant 100000 : i32
    %lt3A_316 = vector.broadcast %lt3A_315 : i32 to vector<16xi32>
    %lt3A_317 = arith.cmpi slt, %get3A_314, %lt3A_316 : vector<16xi32>
    %sub3A_318 = arith.constant 100000 : i32
    %sub3A_319 = vector.broadcast %sub3A_318 : i32 to vector<16xi32>
    %sub3A_320 = arith.subi %get3A_314, %sub3A_319 : vector<16xi32>
    %select_n3A_321 = arith.select %lt3A_317, %get3A_314, %sub3A_320 : vector<16xi1>, vector<16xi32>
    %swap3A_322 = arith.constant 96 : index
    %swap3A_323 = tpu.vector_load %arg21[%swap3A_322] {strides = array<i32>} : memref<128xi32, #tpu.memory_space<vmem>>, vector<16xi32>,
    %swap3A_324 = vector.shape_cast %swap3A_323 : vector<16xi32> to vector<16xi32>
    %swap3A_325 = vector.shape_cast %select_n3A_321 : vector<16xi32> to vector<16xi32>
    tpu.vector_store %arg21[%swap3A_322], %swap3A_325 {strides = array<i32>} : memref<128xi32, #tpu.memory_space<vmem>>, vector<16xi32>,
    %add3A_326 = arith.constant 96 : i32
    %add3A_327 = arith.addi %mul3A_2, %add3A_326 : i32
    %add3A_328 = vector.broadcast %add3A_327 : i32 to vector<16xi32>
    %add3A_329 = arith.addi %add3A_328, %iota3A : vector<16xi32>
    %and3A_330 = arith.constant 511 : i32
    %and3A_331 = vector.broadcast %and3A_330 : i32 to vector<16xi32>
    %and3A_332 = arith.andi %add3A_329, %and3A_331 : vector<16xi32>
    %le3A_333 = arith.constant 999 : i32
    %le3A_334 = vector.broadcast %le3A_333 : i32 to vector<16xi32>
    %le3A_335 = arith.cmpi sle, %select_n3A_321, %le3A_334 : vector<16xi32>
    %select_n3A_336 = arith.select %le3A_335, %select_n3A_321, %and3A_332 : vector<16xi1>, vector<16xi32>
    %add3A_337 = arith.constant 1000 : i32
    %add3A_338 = vector.broadcast %add3A_337 : i32 to vector<16xi32>
    %add3A_339 = arith.addi %add3A_338, %select_n3A_336 : vector<16xi32>
    %swap3A_340 = arith.constant 96 : index
    %swap3A_341 = tpu.vector_load %arg24[%swap3A_340] {strides = array<i32>} : memref<128xi32, #tpu.memory_space<vmem>>, vector<16xi32>,
    %swap3A_342 = vector.shape_cast %swap3A_341 : vector<16xi32> to vector<16xi32>
    %swap3A_343 = vector.shape_cast %add3A_339 : vector<16xi32> to vector<16xi32>
    tpu.vector_store %arg24[%swap3A_340], %swap3A_343 {strides = array<i32>} : memref<128xi32, #tpu.memory_space<vmem>>, vector<16xi32>,
    %get3A_344 = arith.constant 112 : index
    %get3A_345 = tpu.vector_load %arg16[%get3A_344] {strides = array<i32>} : memref<320xi32, #tpu.memory_space<vmem>>, vector<16xi32>,
    %get3A_346 = vector.shape_cast %get3A_345 : vector<16xi32> to vector<16xi32>
    %lt3A_347 = arith.constant 100000 : i32
    %lt3A_348 = vector.broadcast %lt3A_347 : i32 to vector<16xi32>
    %lt3A_349 = arith.cmpi slt, %get3A_346, %lt3A_348 : vector<16xi32>
    %sub3A_350 = arith.constant 100000 : i32
    %sub3A_351 = vector.broadcast %sub3A_350 : i32 to vector<16xi32>
    %sub3A_352 = arith.subi %get3A_346, %sub3A_351 : vector<16xi32>
    %select_n3A_353 = arith.select %lt3A_349, %get3A_346, %sub3A_352 : vector<16xi1>, vector<16xi32>
    %swap3A_354 = arith.constant 112 : index
    %swap3A_355 = tpu.vector_load %arg21[%swap3A_354] {strides = array<i32>} : memref<128xi32, #tpu.memory_space<vmem>>, vector<16xi32>,
    %swap3A_356 = vector.shape_cast %swap3A_355 : vector<16xi32> to vector<16xi32>
    %swap3A_357 = vector.shape_cast %select_n3A_353 : vector<16xi32> to vector<16xi32>
    tpu.vector_store %arg21[%swap3A_354], %swap3A_357 {strides = array<i32>} : memref<128xi32, #tpu.memory_space<vmem>>, vector<16xi32>,
    %add3A_358 = arith.constant 112 : i32
    %add3A_359 = arith.addi %mul3A_2, %add3A_358 : i32
    %add3A_360 = vector.broadcast %add3A_359 : i32 to vector<16xi32>
    %add3A_361 = arith.addi %add3A_360, %iota3A : vector<16xi32>
    %and3A_362 = arith.constant 511 : i32
    %and3A_363 = vector.broadcast %and3A_362 : i32 to vector<16xi32>
    %and3A_364 = arith.andi %add3A_361, %and3A_363 : vector<16xi32>
    %le3A_365 = arith.constant 999 : i32
    %le3A_366 = vector.broadcast %le3A_365 : i32 to vector<16xi32>
    %le3A_367 = arith.cmpi sle, %select_n3A_353, %le3A_366 : vector<16xi32>
    %select_n3A_368 = arith.select %le3A_367, %select_n3A_353, %and3A_364 : vector<16xi1>, vector<16xi32>
    %add3A_369 = arith.constant 1000 : i32
    %add3A_370 = vector.broadcast %add3A_369 : i32 to vector<16xi32>
    %add3A_371 = arith.addi %add3A_370, %select_n3A_368 : vector<16xi32>
    %swap3A_372 = arith.constant 112 : index
    %swap3A_373 = tpu.vector_load %arg24[%swap3A_372] {strides = array<i32>} : memref<128xi32, #tpu.memory_space<vmem>>, vector<16xi32>,
    %swap3A_374 = vector.shape_cast %swap3A_373 : vector<16xi32> to vector<16xi32>
    %swap3A_375 = vector.shape_cast %add3A_371 : vector<16xi32> to vector<16xi32>
    tpu.vector_store %arg24[%swap3A_372], %swap3A_375 {strides = array<i32>} : memref<128xi32, #tpu.memory_space<vmem>>, vector<16xi32>,
    %get3A_376 = arith.constant 128 : index
    %get3A_377 = tpu.vector_load %arg16[%get3A_376] {strides = array<i32>} : memref<320xi32, #tpu.memory_space<vmem>>, vector<16xi32>,
    %get3A_378 = vector.shape_cast %get3A_377 : vector<16xi32> to vector<16xi32>
    %lt3A_379 = arith.constant 100000 : i32
    %lt3A_380 = vector.broadcast %lt3A_379 : i32 to vector<16xi32>
    %lt3A_381 = arith.cmpi slt, %get3A_378, %lt3A_380 : vector<16xi32>
    %sub3A_382 = arith.constant 100000 : i32
    %sub3A_383 = vector.broadcast %sub3A_382 : i32 to vector<16xi32>
    %sub3A_384 = arith.subi %get3A_378, %sub3A_383 : vector<16xi32>
    %select_n3A_385 = arith.select %lt3A_381, %get3A_378, %sub3A_384 : vector<16xi1>, vector<16xi32>
    %swap3A_386 = arith.constant 0 : index
    %swap3A_387 = tpu.vector_load %arg22[%swap3A_386] {strides = array<i32>} : memref<128xi32, #tpu.memory_space<vmem>>, vector<16xi32>,
    %swap3A_388 = vector.shape_cast %swap3A_387 : vector<16xi32> to vector<16xi32>
    %swap3A_389 = vector.shape_cast %select_n3A_385 : vector<16xi32> to vector<16xi32>
    tpu.vector_store %arg22[%swap3A_386], %swap3A_389 {strides = array<i32>} : memref<128xi32, #tpu.memory_space<vmem>>, vector<16xi32>,
    %add3A_390 = arith.constant 128 : i32
    %add3A_391 = arith.addi %mul3A_2, %add3A_390 : i32
    %add3A_392 = vector.broadcast %add3A_391 : i32 to vector<16xi32>
    %add3A_393 = arith.addi %add3A_392, %iota3A : vector<16xi32>
    %and3A_394 = arith.constant 511 : i32
    %and3A_395 = vector.broadcast %and3A_394 : i32 to vector<16xi32>
    %and3A_396 = arith.andi %add3A_393, %and3A_395 : vector<16xi32>
    %le3A_397 = arith.constant 999 : i32
    %le3A_398 = vector.broadcast %le3A_397 : i32 to vector<16xi32>
    %le3A_399 = arith.cmpi sle, %select_n3A_385, %le3A_398 : vector<16xi32>
    %select_n3A_400 = arith.select %le3A_399, %select_n3A_385, %and3A_396 : vector<16xi1>, vector<16xi32>
    %add3A_401 = arith.constant 1000 : i32
    %add3A_402 = vector.broadcast %add3A_401 : i32 to vector<16xi32>
    %add3A_403 = arith.addi %add3A_402, %select_n3A_400 : vector<16xi32>
    %swap3A_404 = arith.constant 0 : index
    %swap3A_405 = tpu.vector_load %arg25[%swap3A_404] {strides = array<i32>} : memref<128xi32, #tpu.memory_space<vmem>>, vector<16xi32>,
    %swap3A_406 = vector.shape_cast %swap3A_405 : vector<16xi32> to vector<16xi32>
    %swap3A_407 = vector.shape_cast %add3A_403 : vector<16xi32> to vector<16xi32>
    tpu.vector_store %arg25[%swap3A_404], %swap3A_407 {strides = array<i32>} : memref<128xi32, #tpu.memory_space<vmem>>, vector<16xi32>,
    %get3A_408 = arith.constant 144 : index
    %get3A_409 = tpu.vector_load %arg16[%get3A_408] {strides = array<i32>} : memref<320xi32, #tpu.memory_space<vmem>>, vector<16xi32>,
    %get3A_410 = vector.shape_cast %get3A_409 : vector<16xi32> to vector<16xi32>
    %lt3A_411 = arith.constant 100000 : i32
    %lt3A_412 = vector.broadcast %lt3A_411 : i32 to vector<16xi32>
    %lt3A_413 = arith.cmpi slt, %get3A_410, %lt3A_412 : vector<16xi32>
    %sub3A_414 = arith.constant 100000 : i32
    %sub3A_415 = vector.broadcast %sub3A_414 : i32 to vector<16xi32>
    %sub3A_416 = arith.subi %get3A_410, %sub3A_415 : vector<16xi32>
    %select_n3A_417 = arith.select %lt3A_413, %get3A_410, %sub3A_416 : vector<16xi1>, vector<16xi32>
    %swap3A_418 = arith.constant 16 : index
    %swap3A_419 = tpu.vector_load %arg22[%swap3A_418] {strides = array<i32>} : memref<128xi32, #tpu.memory_space<vmem>>, vector<16xi32>,
    %swap3A_420 = vector.shape_cast %swap3A_419 : vector<16xi32> to vector<16xi32>
    %swap3A_421 = vector.shape_cast %select_n3A_417 : vector<16xi32> to vector<16xi32>
    tpu.vector_store %arg22[%swap3A_418], %swap3A_421 {strides = array<i32>} : memref<128xi32, #tpu.memory_space<vmem>>, vector<16xi32>,
    %add3A_422 = arith.constant 144 : i32
    %add3A_423 = arith.addi %mul3A_2, %add3A_422 : i32
    %add3A_424 = vector.broadcast %add3A_423 : i32 to vector<16xi32>
    %add3A_425 = arith.addi %add3A_424, %iota3A : vector<16xi32>
    %and3A_426 = arith.constant 511 : i32
    %and3A_427 = vector.broadcast %and3A_426 : i32 to vector<16xi32>
    %and3A_428 = arith.andi %add3A_425, %and3A_427 : vector<16xi32>
    %le3A_429 = arith.constant 999 : i32
    %le3A_430 = vector.broadcast %le3A_429 : i32 to vector<16xi32>
    %le3A_431 = arith.cmpi sle, %select_n3A_417, %le3A_430 : vector<16xi32>
    %select_n3A_432 = arith.select %le3A_431, %select_n3A_417, %and3A_428 : vector<16xi1>, vector<16xi32>
    %add3A_433 = arith.constant 1000 : i32
    %add3A_434 = vector.broadcast %add3A_433 : i32 to vector<16xi32>
    %add3A_435 = arith.addi %add3A_434, %select_n3A_432 : vector<16xi32>
    %swap3A_436 = arith.constant 16 : index
    %swap3A_437 = tpu.vector_load %arg25[%swap3A_436] {strides = array<i32>} : memref<128xi32, #tpu.memory_space<vmem>>, vector<16xi32>,
    %swap3A_438 = vector.shape_cast %swap3A_437 : vector<16xi32> to vector<16xi32>
    %swap3A_439 = vector.shape_cast %add3A_435 : vector<16xi32> to vector<16xi32>
    tpu.vector_store %arg25[%swap3A_436], %swap3A_439 {strides = array<i32>} : memref<128xi32, #tpu.memory_space<vmem>>, vector<16xi32>,
    %get3A_440 = arith.constant 160 : index
    %get3A_441 = tpu.vector_load %arg16[%get3A_440] {strides = array<i32>} : memref<320xi32, #tpu.memory_space<vmem>>, vector<16xi32>,
    %get3A_442 = vector.shape_cast %get3A_441 : vector<16xi32> to vector<16xi32>
    %lt3A_443 = arith.constant 100000 : i32
    %lt3A_444 = vector.broadcast %lt3A_443 : i32 to vector<16xi32>
    %lt3A_445 = arith.cmpi slt, %get3A_442, %lt3A_444 : vector<16xi32>
    %sub3A_446 = arith.constant 100000 : i32
    %sub3A_447 = vector.broadcast %sub3A_446 : i32 to vector<16xi32>
    %sub3A_448 = arith.subi %get3A_442, %sub3A_447 : vector<16xi32>
    %select_n3A_449 = arith.select %lt3A_445, %get3A_442, %sub3A_448 : vector<16xi1>, vector<16xi32>
    %swap3A_450 = arith.constant 32 : index
    %swap3A_451 = tpu.vector_load %arg22[%swap3A_450] {strides = array<i32>} : memref<128xi32, #tpu.memory_space<vmem>>, vector<16xi32>,
    %swap3A_452 = vector.shape_cast %swap3A_451 : vector<16xi32> to vector<16xi32>
    %swap3A_453 = vector.shape_cast %select_n3A_449 : vector<16xi32> to vector<16xi32>
    tpu.vector_store %arg22[%swap3A_450], %swap3A_453 {strides = array<i32>} : memref<128xi32, #tpu.memory_space<vmem>>, vector<16xi32>,
    %add3A_454 = arith.constant 160 : i32
    %add3A_455 = arith.addi %mul3A_2, %add3A_454 : i32
    %add3A_456 = vector.broadcast %add3A_455 : i32 to vector<16xi32>
    %add3A_457 = arith.addi %add3A_456, %iota3A : vector<16xi32>
    %and3A_458 = arith.constant 511 : i32
    %and3A_459 = vector.broadcast %and3A_458 : i32 to vector<16xi32>
    %and3A_460 = arith.andi %add3A_457, %and3A_459 : vector<16xi32>
    %le3A_461 = arith.constant 999 : i32
    %le3A_462 = vector.broadcast %le3A_461 : i32 to vector<16xi32>
    %le3A_463 = arith.cmpi sle, %select_n3A_449, %le3A_462 : vector<16xi32>
    %select_n3A_464 = arith.select %le3A_463, %select_n3A_449, %and3A_460 : vector<16xi1>, vector<16xi32>
    %add3A_465 = arith.constant 1000 : i32
    %add3A_466 = vector.broadcast %add3A_465 : i32 to vector<16xi32>
    %add3A_467 = arith.addi %add3A_466, %select_n3A_464 : vector<16xi32>
    %swap3A_468 = arith.constant 32 : index
    %swap3A_469 = tpu.vector_load %arg25[%swap3A_468] {strides = array<i32>} : memref<128xi32, #tpu.memory_space<vmem>>, vector<16xi32>,
    %swap3A_470 = vector.shape_cast %swap3A_469 : vector<16xi32> to vector<16xi32>
    %swap3A_471 = vector.shape_cast %add3A_467 : vector<16xi32> to vector<16xi32>
    tpu.vector_store %arg25[%swap3A_468], %swap3A_471 {strides = array<i32>} : memref<128xi32, #tpu.memory_space<vmem>>, vector<16xi32>,
    %get3A_472 = arith.constant 176 : index
    %get3A_473 = tpu.vector_load %arg16[%get3A_472] {strides = array<i32>} : memref<320xi32, #tpu.memory_space<vmem>>, vector<16xi32>,
    %get3A_474 = vector.shape_cast %get3A_473 : vector<16xi32> to vector<16xi32>
    %lt3A_475 = arith.constant 100000 : i32
    %lt3A_476 = vector.broadcast %lt3A_475 : i32 to vector<16xi32>
    %lt3A_477 = arith.cmpi slt, %get3A_474, %lt3A_476 : vector<16xi32>
    %sub3A_478 = arith.constant 100000 : i32
    %sub3A_479 = vector.broadcast %sub3A_478 : i32 to vector<16xi32>
    %sub3A_480 = arith.subi %get3A_474, %sub3A_479 : vector<16xi32>
    %select_n3A_481 = arith.select %lt3A_477, %get3A_474, %sub3A_480 : vector<16xi1>, vector<16xi32>
    %swap3A_482 = arith.constant 48 : index
    %swap3A_483 = tpu.vector_load %arg22[%swap3A_482] {strides = array<i32>} : memref<128xi32, #tpu.memory_space<vmem>>, vector<16xi32>,
    %swap3A_484 = vector.shape_cast %swap3A_483 : vector<16xi32> to vector<16xi32>
    %swap3A_485 = vector.shape_cast %select_n3A_481 : vector<16xi32> to vector<16xi32>
    tpu.vector_store %arg22[%swap3A_482], %swap3A_485 {strides = array<i32>} : memref<128xi32, #tpu.memory_space<vmem>>, vector<16xi32>,
    %add3A_486 = arith.constant 176 : i32
    %add3A_487 = arith.addi %mul3A_2, %add3A_486 : i32
    %add3A_488 = vector.broadcast %add3A_487 : i32 to vector<16xi32>
    %add3A_489 = arith.addi %add3A_488, %iota3A : vector<16xi32>
    %and3A_490 = arith.constant 511 : i32
    %and3A_491 = vector.broadcast %and3A_490 : i32 to vector<16xi32>
    %and3A_492 = arith.andi %add3A_489, %and3A_491 : vector<16xi32>
    %le3A_493 = arith.constant 999 : i32
    %le3A_494 = vector.broadcast %le3A_493 : i32 to vector<16xi32>
    %le3A_495 = arith.cmpi sle, %select_n3A_481, %le3A_494 : vector<16xi32>
    %select_n3A_496 = arith.select %le3A_495, %select_n3A_481, %and3A_492 : vector<16xi1>, vector<16xi32>
    %add3A_497 = arith.constant 1000 : i32
    %add3A_498 = vector.broadcast %add3A_497 : i32 to vector<16xi32>
    %add3A_499 = arith.addi %add3A_498, %select_n3A_496 : vector<16xi32>
    %swap3A_500 = arith.constant 48 : index
    %swap3A_501 = tpu.vector_load %arg25[%swap3A_500] {strides = array<i32>} : memref<128xi32, #tpu.memory_space<vmem>>, vector<16xi32>,
    %swap3A_502 = vector.shape_cast %swap3A_501 : vector<16xi32> to vector<16xi32>
    %swap3A_503 = vector.shape_cast %add3A_499 : vector<16xi32> to vector<16xi32>
    tpu.vector_store %arg25[%swap3A_500], %swap3A_503 {strides = array<i32>} : memref<128xi32, #tpu.memory_space<vmem>>, vector<16xi32>,
    %get3A_504 = arith.constant 192 : index
    %get3A_505 = tpu.vector_load %arg16[%get3A_504] {strides = array<i32>} : memref<320xi32, #tpu.memory_space<vmem>>, vector<16xi32>,
    %get3A_506 = vector.shape_cast %get3A_505 : vector<16xi32> to vector<16xi32>
    %lt3A_507 = arith.constant 100000 : i32
    %lt3A_508 = vector.broadcast %lt3A_507 : i32 to vector<16xi32>
    %lt3A_509 = arith.cmpi slt, %get3A_506, %lt3A_508 : vector<16xi32>
    %sub3A_510 = arith.constant 100000 : i32
    %sub3A_511 = vector.broadcast %sub3A_510 : i32 to vector<16xi32>
    %sub3A_512 = arith.subi %get3A_506, %sub3A_511 : vector<16xi32>
    %select_n3A_513 = arith.select %lt3A_509, %get3A_506, %sub3A_512 : vector<16xi1>, vector<16xi32>
    %swap3A_514 = arith.constant 64 : index
    %swap3A_515 = tpu.vector_load %arg22[%swap3A_514] {strides = array<i32>} : memref<128xi32, #tpu.memory_space<vmem>>, vector<16xi32>,
    %swap3A_516 = vector.shape_cast %swap3A_515 : vector<16xi32> to vector<16xi32>
    %swap3A_517 = vector.shape_cast %select_n3A_513 : vector<16xi32> to vector<16xi32>
    tpu.vector_store %arg22[%swap3A_514], %swap3A_517 {strides = array<i32>} : memref<128xi32, #tpu.memory_space<vmem>>, vector<16xi32>,
    %add3A_518 = arith.constant 192 : i32
    %add3A_519 = arith.addi %mul3A_2, %add3A_518 : i32
    %add3A_520 = vector.broadcast %add3A_519 : i32 to vector<16xi32>
    %add3A_521 = arith.addi %add3A_520, %iota3A : vector<16xi32>
    %and3A_522 = arith.constant 511 : i32
    %and3A_523 = vector.broadcast %and3A_522 : i32 to vector<16xi32>
    %and3A_524 = arith.andi %add3A_521, %and3A_523 : vector<16xi32>
    %le3A_525 = arith.constant 999 : i32
    %le3A_526 = vector.broadcast %le3A_525 : i32 to vector<16xi32>
    %le3A_527 = arith.cmpi sle, %select_n3A_513, %le3A_526 : vector<16xi32>
    %select_n3A_528 = arith.select %le3A_527, %select_n3A_513, %and3A_524 : vector<16xi1>, vector<16xi32>
    %add3A_529 = arith.constant 1000 : i32
    %add3A_530 = vector.broadcast %add3A_529 : i32 to vector<16xi32>
    %add3A_531 = arith.addi %add3A_530, %select_n3A_528 : vector<16xi32>
    %swap3A_532 = arith.constant 64 : index
    %swap3A_533 = tpu.vector_load %arg25[%swap3A_532] {strides = array<i32>} : memref<128xi32, #tpu.memory_space<vmem>>, vector<16xi32>,
    %swap3A_534 = vector.shape_cast %swap3A_533 : vector<16xi32> to vector<16xi32>
    %swap3A_535 = vector.shape_cast %add3A_531 : vector<16xi32> to vector<16xi32>
    tpu.vector_store %arg25[%swap3A_532], %swap3A_535 {strides = array<i32>} : memref<128xi32, #tpu.memory_space<vmem>>, vector<16xi32>,
    %get3A_536 = arith.constant 208 : index
    %get3A_537 = tpu.vector_load %arg16[%get3A_536] {strides = array<i32>} : memref<320xi32, #tpu.memory_space<vmem>>, vector<16xi32>,
    %get3A_538 = vector.shape_cast %get3A_537 : vector<16xi32> to vector<16xi32>
    %lt3A_539 = arith.constant 100000 : i32
    %lt3A_540 = vector.broadcast %lt3A_539 : i32 to vector<16xi32>
    %lt3A_541 = arith.cmpi slt, %get3A_538, %lt3A_540 : vector<16xi32>
    %sub3A_542 = arith.constant 100000 : i32
    %sub3A_543 = vector.broadcast %sub3A_542 : i32 to vector<16xi32>
    %sub3A_544 = arith.subi %get3A_538, %sub3A_543 : vector<16xi32>
    %select_n3A_545 = arith.select %lt3A_541, %get3A_538, %sub3A_544 : vector<16xi1>, vector<16xi32>
    %swap3A_546 = arith.constant 80 : index
    %swap3A_547 = tpu.vector_load %arg22[%swap3A_546] {strides = array<i32>} : memref<128xi32, #tpu.memory_space<vmem>>, vector<16xi32>,
    %swap3A_548 = vector.shape_cast %swap3A_547 : vector<16xi32> to vector<16xi32>
    %swap3A_549 = vector.shape_cast %select_n3A_545 : vector<16xi32> to vector<16xi32>
    tpu.vector_store %arg22[%swap3A_546], %swap3A_549 {strides = array<i32>} : memref<128xi32, #tpu.memory_space<vmem>>, vector<16xi32>,
    %add3A_550 = arith.constant 208 : i32
    %add3A_551 = arith.addi %mul3A_2, %add3A_550 : i32
    %add3A_552 = vector.broadcast %add3A_551 : i32 to vector<16xi32>
    %add3A_553 = arith.addi %add3A_552, %iota3A : vector<16xi32>
    %and3A_554 = arith.constant 511 : i32
    %and3A_555 = vector.broadcast %and3A_554 : i32 to vector<16xi32>
    %and3A_556 = arith.andi %add3A_553, %and3A_555 : vector<16xi32>
    %le3A_557 = arith.constant 999 : i32
    %le3A_558 = vector.broadcast %le3A_557 : i32 to vector<16xi32>
    %le3A_559 = arith.cmpi sle, %select_n3A_545, %le3A_558 : vector<16xi32>
    %select_n3A_560 = arith.select %le3A_559, %select_n3A_545, %and3A_556 : vector<16xi1>, vector<16xi32>
    %add3A_561 = arith.constant 1000 : i32
    %add3A_562 = vector.broadcast %add3A_561 : i32 to vector<16xi32>
    %add3A_563 = arith.addi %add3A_562, %select_n3A_560 : vector<16xi32>
    %swap3A_564 = arith.constant 80 : index
    %swap3A_565 = tpu.vector_load %arg25[%swap3A_564] {strides = array<i32>} : memref<128xi32, #tpu.memory_space<vmem>>, vector<16xi32>,
    %swap3A_566 = vector.shape_cast %swap3A_565 : vector<16xi32> to vector<16xi32>
    %swap3A_567 = vector.shape_cast %add3A_563 : vector<16xi32> to vector<16xi32>
    tpu.vector_store %arg25[%swap3A_564], %swap3A_567 {strides = array<i32>} : memref<128xi32, #tpu.memory_space<vmem>>, vector<16xi32>,
    %get3A_568 = arith.constant 224 : index
    %get3A_569 = tpu.vector_load %arg16[%get3A_568] {strides = array<i32>} : memref<320xi32, #tpu.memory_space<vmem>>, vector<16xi32>,
    %get3A_570 = vector.shape_cast %get3A_569 : vector<16xi32> to vector<16xi32>
    %lt3A_571 = arith.constant 100000 : i32
    %lt3A_572 = vector.broadcast %lt3A_571 : i32 to vector<16xi32>
    %lt3A_573 = arith.cmpi slt, %get3A_570, %lt3A_572 : vector<16xi32>
    %sub3A_574 = arith.constant 100000 : i32
    %sub3A_575 = vector.broadcast %sub3A_574 : i32 to vector<16xi32>
    %sub3A_576 = arith.subi %get3A_570, %sub3A_575 : vector<16xi32>
    %select_n3A_577 = arith.select %lt3A_573, %get3A_570, %sub3A_576 : vector<16xi1>, vector<16xi32>
    %swap3A_578 = arith.constant 96 : index
    %swap3A_579 = tpu.vector_load %arg22[%swap3A_578] {strides = array<i32>} : memref<128xi32, #tpu.memory_space<vmem>>, vector<16xi32>,
    %swap3A_580 = vector.shape_cast %swap3A_579 : vector<16xi32> to vector<16xi32>
    %swap3A_581 = vector.shape_cast %select_n3A_577 : vector<16xi32> to vector<16xi32>
    tpu.vector_store %arg22[%swap3A_578], %swap3A_581 {strides = array<i32>} : memref<128xi32, #tpu.memory_space<vmem>>, vector<16xi32>,
    %add3A_582 = arith.constant 224 : i32
    %add3A_583 = arith.addi %mul3A_2, %add3A_582 : i32
    %add3A_584 = vector.broadcast %add3A_583 : i32 to vector<16xi32>
    %add3A_585 = arith.addi %add3A_584, %iota3A : vector<16xi32>
    %and3A_586 = arith.constant 511 : i32
    %and3A_587 = vector.broadcast %and3A_586 : i32 to vector<16xi32>
    %and3A_588 = arith.andi %add3A_585, %and3A_587 : vector<16xi32>
    %le3A_589 = arith.constant 999 : i32
    %le3A_590 = vector.broadcast %le3A_589 : i32 to vector<16xi32>
    %le3A_591 = arith.cmpi sle, %select_n3A_577, %le3A_590 : vector<16xi32>
    %select_n3A_592 = arith.select %le3A_591, %select_n3A_577, %and3A_588 : vector<16xi1>, vector<16xi32>
    %add3A_593 = arith.constant 1000 : i32
    %add3A_594 = vector.broadcast %add3A_593 : i32 to vector<16xi32>
    %add3A_595 = arith.addi %add3A_594, %select_n3A_592 : vector<16xi32>
    %swap3A_596 = arith.constant 96 : index
    %swap3A_597 = tpu.vector_load %arg25[%swap3A_596] {strides = array<i32>} : memref<128xi32, #tpu.memory_space<vmem>>, vector<16xi32>,
    %swap3A_598 = vector.shape_cast %swap3A_597 : vector<16xi32> to vector<16xi32>
    %swap3A_599 = vector.shape_cast %add3A_595 : vector<16xi32> to vector<16xi32>
    tpu.vector_store %arg25[%swap3A_596], %swap3A_599 {strides = array<i32>} : memref<128xi32, #tpu.memory_space<vmem>>, vector<16xi32>,
    %get3A_600 = arith.constant 240 : index
    %get3A_601 = tpu.vector_load %arg16[%get3A_600] {strides = array<i32>} : memref<320xi32, #tpu.memory_space<vmem>>, vector<16xi32>,
    %get3A_602 = vector.shape_cast %get3A_601 : vector<16xi32> to vector<16xi32>
    %lt3A_603 = arith.constant 100000 : i32
    %lt3A_604 = vector.broadcast %lt3A_603 : i32 to vector<16xi32>
    %lt3A_605 = arith.cmpi slt, %get3A_602, %lt3A_604 : vector<16xi32>
    %sub3A_606 = arith.constant 100000 : i32
    %sub3A_607 = vector.broadcast %sub3A_606 : i32 to vector<16xi32>
    %sub3A_608 = arith.subi %get3A_602, %sub3A_607 : vector<16xi32>
    %select_n3A_609 = arith.select %lt3A_605, %get3A_602, %sub3A_608 : vector<16xi1>, vector<16xi32>
    %swap3A_610 = arith.constant 112 : index
    %swap3A_611 = tpu.vector_load %arg22[%swap3A_610] {strides = array<i32>} : memref<128xi32, #tpu.memory_space<vmem>>, vector<16xi32>,
    %swap3A_612 = vector.shape_cast %swap3A_611 : vector<16xi32> to vector<16xi32>
    %swap3A_613 = vector.shape_cast %select_n3A_609 : vector<16xi32> to vector<16xi32>
    tpu.vector_store %arg22[%swap3A_610], %swap3A_613 {strides = array<i32>} : memref<128xi32, #tpu.memory_space<vmem>>, vector<16xi32>,
    %add3A_614 = arith.constant 240 : i32
    %add3A_615 = arith.addi %mul3A_2, %add3A_614 : i32
    %add3A_616 = vector.broadcast %add3A_615 : i32 to vector<16xi32>
    %add3A_617 = arith.addi %add3A_616, %iota3A : vector<16xi32>
    %and3A_618 = arith.constant 511 : i32
    %and3A_619 = vector.broadcast %and3A_618 : i32 to vector<16xi32>
    %and3A_620 = arith.andi %add3A_617, %and3A_619 : vector<16xi32>
    %le3A_621 = arith.constant 999 : i32
    %le3A_622 = vector.broadcast %le3A_621 : i32 to vector<16xi32>
    %le3A_623 = arith.cmpi sle, %select_n3A_609, %le3A_622 : vector<16xi32>
    %select_n3A_624 = arith.select %le3A_623, %select_n3A_609, %and3A_620 : vector<16xi1>, vector<16xi32>
    %add3A_625 = arith.constant 1000 : i32
    %add3A_626 = vector.broadcast %add3A_625 : i32 to vector<16xi32>
    %add3A_627 = arith.addi %add3A_626, %select_n3A_624 : vector<16xi32>
    %swap3A_628 = arith.constant 112 : index
    %swap3A_629 = tpu.vector_load %arg25[%swap3A_628] {strides = array<i32>} : memref<128xi32, #tpu.memory_space<vmem>>, vector<16xi32>,
    %swap3A_630 = vector.shape_cast %swap3A_629 : vector<16xi32> to vector<16xi32>
    %swap3A_631 = vector.shape_cast %add3A_627 : vector<16xi32> to vector<16xi32>
    tpu.vector_store %arg25[%swap3A_628], %swap3A_631 {strides = array<i32>} : memref<128xi32, #tpu.memory_space<vmem>>, vector<16xi32>,
    %get3A_632 = arith.constant 256 : index
    %get3A_633 = tpu.vector_load %arg16[%get3A_632] {strides = array<i32>} : memref<320xi32, #tpu.memory_space<vmem>>, vector<16xi32>,
    %get3A_634 = vector.shape_cast %get3A_633 : vector<16xi32> to vector<16xi32>
    %lt3A_635 = arith.constant 100000 : i32
    %lt3A_636 = vector.broadcast %lt3A_635 : i32 to vector<16xi32>
    %lt3A_637 = arith.cmpi slt, %get3A_634, %lt3A_636 : vector<16xi32>
    %sub3A_638 = arith.constant 100000 : i32
    %sub3A_639 = vector.broadcast %sub3A_638 : i32 to vector<16xi32>
    %sub3A_640 = arith.subi %get3A_634, %sub3A_639 : vector<16xi32>
    %select_n3A_641 = arith.select %lt3A_637, %get3A_634, %sub3A_640 : vector<16xi1>, vector<16xi32>
    %swap3A_642 = arith.constant 0 : index
    %swap3A_643 = tpu.vector_load %arg23[%swap3A_642] {strides = array<i32>} : memref<64xi32, #tpu.memory_space<vmem>>, vector<16xi32>,
    %swap3A_644 = vector.shape_cast %swap3A_643 : vector<16xi32> to vector<16xi32>
    %swap3A_645 = vector.shape_cast %select_n3A_641 : vector<16xi32> to vector<16xi32>
    tpu.vector_store %arg23[%swap3A_642], %swap3A_645 {strides = array<i32>} : memref<64xi32, #tpu.memory_space<vmem>>, vector<16xi32>,
    %add3A_646 = arith.constant 256 : i32
    %add3A_647 = arith.addi %mul3A_2, %add3A_646 : i32
    %add3A_648 = vector.broadcast %add3A_647 : i32 to vector<16xi32>
    %add3A_649 = arith.addi %add3A_648, %iota3A : vector<16xi32>
    %and3A_650 = arith.constant 511 : i32
    %and3A_651 = vector.broadcast %and3A_650 : i32 to vector<16xi32>
    %and3A_652 = arith.andi %add3A_649, %and3A_651 : vector<16xi32>
    %le3A_653 = arith.constant 999 : i32
    %le3A_654 = vector.broadcast %le3A_653 : i32 to vector<16xi32>
    %le3A_655 = arith.cmpi sle, %select_n3A_641, %le3A_654 : vector<16xi32>
    %select_n3A_656 = arith.select %le3A_655, %select_n3A_641, %and3A_652 : vector<16xi1>, vector<16xi32>
    %add3A_657 = arith.constant 1000 : i32
    %add3A_658 = vector.broadcast %add3A_657 : i32 to vector<16xi32>
    %add3A_659 = arith.addi %add3A_658, %select_n3A_656 : vector<16xi32>
    %swap3A_660 = arith.constant 0 : index
    %swap3A_661 = tpu.vector_load %arg26[%swap3A_660] {strides = array<i32>} : memref<64xi32, #tpu.memory_space<vmem>>, vector<16xi32>,
    %swap3A_662 = vector.shape_cast %swap3A_661 : vector<16xi32> to vector<16xi32>
    %swap3A_663 = vector.shape_cast %add3A_659 : vector<16xi32> to vector<16xi32>
    tpu.vector_store %arg26[%swap3A_660], %swap3A_663 {strides = array<i32>} : memref<64xi32, #tpu.memory_space<vmem>>, vector<16xi32>,
    %get3A_664 = arith.constant 272 : index
    %get3A_665 = tpu.vector_load %arg16[%get3A_664] {strides = array<i32>} : memref<320xi32, #tpu.memory_space<vmem>>, vector<16xi32>,
    %get3A_666 = vector.shape_cast %get3A_665 : vector<16xi32> to vector<16xi32>
    %lt3A_667 = arith.constant 100000 : i32
    %lt3A_668 = vector.broadcast %lt3A_667 : i32 to vector<16xi32>
    %lt3A_669 = arith.cmpi slt, %get3A_666, %lt3A_668 : vector<16xi32>
    %sub3A_670 = arith.constant 100000 : i32
    %sub3A_671 = vector.broadcast %sub3A_670 : i32 to vector<16xi32>
    %sub3A_672 = arith.subi %get3A_666, %sub3A_671 : vector<16xi32>
    %select_n3A_673 = arith.select %lt3A_669, %get3A_666, %sub3A_672 : vector<16xi1>, vector<16xi32>
    %swap3A_674 = arith.constant 16 : index
    %swap3A_675 = tpu.vector_load %arg23[%swap3A_674] {strides = array<i32>} : memref<64xi32, #tpu.memory_space<vmem>>, vector<16xi32>,
    %swap3A_676 = vector.shape_cast %swap3A_675 : vector<16xi32> to vector<16xi32>
    %swap3A_677 = vector.shape_cast %select_n3A_673 : vector<16xi32> to vector<16xi32>
    tpu.vector_store %arg23[%swap3A_674], %swap3A_677 {strides = array<i32>} : memref<64xi32, #tpu.memory_space<vmem>>, vector<16xi32>,
    %add3A_678 = arith.constant 272 : i32
    %add3A_679 = arith.addi %mul3A_2, %add3A_678 : i32
    %add3A_680 = vector.broadcast %add3A_679 : i32 to vector<16xi32>
    %add3A_681 = arith.addi %add3A_680, %iota3A : vector<16xi32>
    %and3A_682 = arith.constant 511 : i32
    %and3A_683 = vector.broadcast %and3A_682 : i32 to vector<16xi32>
    %and3A_684 = arith.andi %add3A_681, %and3A_683 : vector<16xi32>
    %le3A_685 = arith.constant 999 : i32
    %le3A_686 = vector.broadcast %le3A_685 : i32 to vector<16xi32>
    %le3A_687 = arith.cmpi sle, %select_n3A_673, %le3A_686 : vector<16xi32>
    %select_n3A_688 = arith.select %le3A_687, %select_n3A_673, %and3A_684 : vector<16xi1>, vector<16xi32>
    %add3A_689 = arith.constant 1000 : i32
    %add3A_690 = vector.broadcast %add3A_689 : i32 to vector<16xi32>
    %add3A_691 = arith.addi %add3A_690, %select_n3A_688 : vector<16xi32>
    %swap3A_692 = arith.constant 16 : index
    %swap3A_693 = tpu.vector_load %arg26[%swap3A_692] {strides = array<i32>} : memref<64xi32, #tpu.memory_space<vmem>>, vector<16xi32>,
    %swap3A_694 = vector.shape_cast %swap3A_693 : vector<16xi32> to vector<16xi32>
    %swap3A_695 = vector.shape_cast %add3A_691 : vector<16xi32> to vector<16xi32>
    tpu.vector_store %arg26[%swap3A_692], %swap3A_695 {strides = array<i32>} : memref<64xi32, #tpu.memory_space<vmem>>, vector<16xi32>,
    %get3A_696 = arith.constant 288 : index
    %get3A_697 = tpu.vector_load %arg16[%get3A_696] {strides = array<i32>} : memref<320xi32, #tpu.memory_space<vmem>>, vector<16xi32>,
    %get3A_698 = vector.shape_cast %get3A_697 : vector<16xi32> to vector<16xi32>
    %lt3A_699 = arith.constant 100000 : i32
    %lt3A_700 = vector.broadcast %lt3A_699 : i32 to vector<16xi32>
    %lt3A_701 = arith.cmpi slt, %get3A_698, %lt3A_700 : vector<16xi32>
    %sub3A_702 = arith.constant 100000 : i32
    %sub3A_703 = vector.broadcast %sub3A_702 : i32 to vector<16xi32>
    %sub3A_704 = arith.subi %get3A_698, %sub3A_703 : vector<16xi32>
    %select_n3A_705 = arith.select %lt3A_701, %get3A_698, %sub3A_704 : vector<16xi1>, vector<16xi32>
    %swap3A_706 = arith.constant 32 : index
    %swap3A_707 = tpu.vector_load %arg23[%swap3A_706] {strides = array<i32>} : memref<64xi32, #tpu.memory_space<vmem>>, vector<16xi32>,
    %swap3A_708 = vector.shape_cast %swap3A_707 : vector<16xi32> to vector<16xi32>
    %swap3A_709 = vector.shape_cast %select_n3A_705 : vector<16xi32> to vector<16xi32>
    tpu.vector_store %arg23[%swap3A_706], %swap3A_709 {strides = array<i32>} : memref<64xi32, #tpu.memory_space<vmem>>, vector<16xi32>,
    %add3A_710 = arith.constant 288 : i32
    %add3A_711 = arith.addi %mul3A_2, %add3A_710 : i32
    %add3A_712 = vector.broadcast %add3A_711 : i32 to vector<16xi32>
    %add3A_713 = arith.addi %add3A_712, %iota3A : vector<16xi32>
    %and3A_714 = arith.constant 511 : i32
    %and3A_715 = vector.broadcast %and3A_714 : i32 to vector<16xi32>
    %and3A_716 = arith.andi %add3A_713, %and3A_715 : vector<16xi32>
    %le3A_717 = arith.constant 999 : i32
    %le3A_718 = vector.broadcast %le3A_717 : i32 to vector<16xi32>
    %le3A_719 = arith.cmpi sle, %select_n3A_705, %le3A_718 : vector<16xi32>
    %select_n3A_720 = arith.select %le3A_719, %select_n3A_705, %and3A_716 : vector<16xi1>, vector<16xi32>
    %add3A_721 = arith.constant 1000 : i32
    %add3A_722 = vector.broadcast %add3A_721 : i32 to vector<16xi32>
    %add3A_723 = arith.addi %add3A_722, %select_n3A_720 : vector<16xi32>
    %swap3A_724 = arith.constant 32 : index
    %swap3A_725 = tpu.vector_load %arg26[%swap3A_724] {strides = array<i32>} : memref<64xi32, #tpu.memory_space<vmem>>, vector<16xi32>,
    %swap3A_726 = vector.shape_cast %swap3A_725 : vector<16xi32> to vector<16xi32>
    %swap3A_727 = vector.shape_cast %add3A_723 : vector<16xi32> to vector<16xi32>
    tpu.vector_store %arg26[%swap3A_724], %swap3A_727 {strides = array<i32>} : memref<64xi32, #tpu.memory_space<vmem>>, vector<16xi32>,
    %get3A_728 = arith.constant 304 : index
    %get3A_729 = tpu.vector_load %arg16[%get3A_728] {strides = array<i32>} : memref<320xi32, #tpu.memory_space<vmem>>, vector<16xi32>,
    %get3A_730 = vector.shape_cast %get3A_729 : vector<16xi32> to vector<16xi32>
    %lt3A_731 = arith.constant 100000 : i32
    %lt3A_732 = vector.broadcast %lt3A_731 : i32 to vector<16xi32>
    %lt3A_733 = arith.cmpi slt, %get3A_730, %lt3A_732 : vector<16xi32>
    %sub3A_734 = arith.constant 100000 : i32
    %sub3A_735 = vector.broadcast %sub3A_734 : i32 to vector<16xi32>
    %sub3A_736 = arith.subi %get3A_730, %sub3A_735 : vector<16xi32>
    %select_n3A_737 = arith.select %lt3A_733, %get3A_730, %sub3A_736 : vector<16xi1>, vector<16xi32>
    %swap3A_738 = arith.constant 48 : index
    %swap3A_739 = tpu.vector_load %arg23[%swap3A_738] {strides = array<i32>} : memref<64xi32, #tpu.memory_space<vmem>>, vector<16xi32>,
    %swap3A_740 = vector.shape_cast %swap3A_739 : vector<16xi32> to vector<16xi32>
    %swap3A_741 = vector.shape_cast %select_n3A_737 : vector<16xi32> to vector<16xi32>
    tpu.vector_store %arg23[%swap3A_738], %swap3A_741 {strides = array<i32>} : memref<64xi32, #tpu.memory_space<vmem>>, vector<16xi32>,
    %add3A_742 = arith.constant 304 : i32
    %add3A_743 = arith.addi %mul3A_2, %add3A_742 : i32
    %add3A_744 = vector.broadcast %add3A_743 : i32 to vector<16xi32>
    %add3A_745 = arith.addi %add3A_744, %iota3A : vector<16xi32>
    %and3A_746 = arith.constant 511 : i32
    %and3A_747 = vector.broadcast %and3A_746 : i32 to vector<16xi32>
    %and3A_748 = arith.andi %add3A_745, %and3A_747 : vector<16xi32>
    %le3A_749 = arith.constant 999 : i32
    %le3A_750 = vector.broadcast %le3A_749 : i32 to vector<16xi32>
    %le3A_751 = arith.cmpi sle, %select_n3A_737, %le3A_750 : vector<16xi32>
    %select_n3A_752 = arith.select %le3A_751, %select_n3A_737, %and3A_748 : vector<16xi1>, vector<16xi32>
    %add3A_753 = arith.constant 1000 : i32
    %add3A_754 = vector.broadcast %add3A_753 : i32 to vector<16xi32>
    %add3A_755 = arith.addi %add3A_754, %select_n3A_752 : vector<16xi32>
    %swap3A_756 = arith.constant 48 : index
    %swap3A_757 = tpu.vector_load %arg26[%swap3A_756] {strides = array<i32>} : memref<64xi32, #tpu.memory_space<vmem>>, vector<16xi32>,
    %swap3A_758 = vector.shape_cast %swap3A_757 : vector<16xi32> to vector<16xi32>
    %swap3A_759 = vector.shape_cast %add3A_755 : vector<16xi32> to vector<16xi32>
    tpu.vector_store %arg26[%swap3A_756], %swap3A_759 {strides = array<i32>} : memref<64xi32, #tpu.memory_space<vmem>>, vector<16xi32>,
    %dma_start3A = arith.constant 0 : i32
    %dma_start3A_760 = arith.constant 0 : i32
    %dma_start3A_761 = tpu.memref_slice %arg5[%dma_start3A, %dma_start3A_760] : memref<100000x64xf32, #tpu.memory_space<hbm>> -> memref<100000x64xf32, #tpu.memory_space<hbm>>
    tpu.enqueue_indirect_dma source(%dma_start3A_761 : memref<100000x64xf32, #tpu.memory_space<hbm>>) target(%arg27 : memref<32x64xf32, #tpu.memory_space<vmem>>) offsets(%arg17 : memref<32xi32, #tpu.memory_space<vmem>>) semaphore(%arg37 : memref<!tpu.dma_semaphore, #tpu.memory_space<semaphore_mem>>)
    %dma_start3A_762 = arith.constant 0 : i32
    %dma_start3A_763 = arith.constant 0 : i32
    %dma_start3A_764 = tpu.memref_slice %arg6[%dma_start3A_762, %dma_start3A_763] : memref<100000x64xf32, #tpu.memory_space<hbm>> -> memref<100000x64xf32, #tpu.memory_space<hbm>>
    tpu.enqueue_indirect_dma source(%dma_start3A_764 : memref<100000x64xf32, #tpu.memory_space<hbm>>) target(%arg28 : memref<32x64xf32, #tpu.memory_space<vmem>>) offsets(%arg18 : memref<32xi32, #tpu.memory_space<vmem>>) semaphore(%arg37 : memref<!tpu.dma_semaphore, #tpu.memory_space<semaphore_mem>>)
    %dma_start3A_765 = arith.constant 0 : i32
    %dma_start3A_766 = arith.constant 0 : i32
    %dma_start3A_767 = tpu.memref_slice %arg7[%dma_start3A_765, %dma_start3A_766] : memref<2000x128xf32, #tpu.memory_space<hbm>> -> memref<2000x128xf32, #tpu.memory_space<hbm>>
    tpu.enqueue_indirect_dma source(%dma_start3A_767 : memref<2000x128xf32, #tpu.memory_space<hbm>>) target(%arg29 : memref<32x128xf32, #tpu.memory_space<vmem>>) offsets(%arg19 : memref<32xi32, #tpu.memory_space<vmem>>) semaphore(%arg37 : memref<!tpu.dma_semaphore, #tpu.memory_space<semaphore_mem>>)
    %dma_start3A_768 = arith.constant 0 : i32
    %dma_start3A_769 = arith.constant 0 : i32
    %dma_start3A_770 = tpu.memref_slice %arg7[%dma_start3A_768, %dma_start3A_769] : memref<2000x128xf32, #tpu.memory_space<hbm>> -> memref<2000x128xf32, #tpu.memory_space<hbm>>
    tpu.enqueue_indirect_dma source(%dma_start3A_770 : memref<2000x128xf32, #tpu.memory_space<hbm>>) target(%arg30 : memref<32x128xf32, #tpu.memory_space<vmem>>) offsets(%arg20 : memref<32xi32, #tpu.memory_space<vmem>>) semaphore(%arg37 : memref<!tpu.dma_semaphore, #tpu.memory_space<semaphore_mem>>)
    %dma_start3A_771 = arith.constant 0 : i32
    %dma_start3A_772 = arith.constant 0 : i32
    %dma_start3A_773 = tpu.memref_slice %arg6[%dma_start3A_771, %dma_start3A_772] : memref<100000x64xf32, #tpu.memory_space<hbm>> -> memref<100000x64xf32, #tpu.memory_space<hbm>>
    tpu.enqueue_indirect_dma source(%dma_start3A_773 : memref<100000x64xf32, #tpu.memory_space<hbm>>) target(%arg31 : memref<128x64xf32, #tpu.memory_space<vmem>>) offsets(%arg21 : memref<128xi32, #tpu.memory_space<vmem>>) semaphore(%arg37 : memref<!tpu.dma_semaphore, #tpu.memory_space<semaphore_mem>>)
    %dma_start3A_774 = arith.constant 0 : i32
    %dma_start3A_775 = arith.constant 0 : i32
    %dma_start3A_776 = tpu.memref_slice %arg7[%dma_start3A_774, %dma_start3A_775] : memref<2000x128xf32, #tpu.memory_space<hbm>> -> memref<2000x128xf32, #tpu.memory_space<hbm>>
    tpu.enqueue_indirect_dma source(%dma_start3A_776 : memref<2000x128xf32, #tpu.memory_space<hbm>>) target(%arg34 : memref<128x128xf32, #tpu.memory_space<vmem>>) offsets(%arg24 : memref<128xi32, #tpu.memory_space<vmem>>) semaphore(%arg37 : memref<!tpu.dma_semaphore, #tpu.memory_space<semaphore_mem>>)
    %dma_start3A_777 = arith.constant 0 : i32
    %dma_start3A_778 = arith.constant 0 : i32
    %dma_start3A_779 = tpu.memref_slice %arg6[%dma_start3A_777, %dma_start3A_778] : memref<100000x64xf32, #tpu.memory_space<hbm>> -> memref<100000x64xf32, #tpu.memory_space<hbm>>
    tpu.enqueue_indirect_dma source(%dma_start3A_779 : memref<100000x64xf32, #tpu.memory_space<hbm>>) target(%arg32 : memref<128x64xf32, #tpu.memory_space<vmem>>) offsets(%arg22 : memref<128xi32, #tpu.memory_space<vmem>>) semaphore(%arg37 : memref<!tpu.dma_semaphore, #tpu.memory_space<semaphore_mem>>)
    %dma_start3A_780 = arith.constant 0 : i32
    %dma_start3A_781 = arith.constant 0 : i32
    %dma_start3A_782 = tpu.memref_slice %arg7[%dma_start3A_780, %dma_start3A_781] : memref<2000x128xf32, #tpu.memory_space<hbm>> -> memref<2000x128xf32, #tpu.memory_space<hbm>>
    tpu.enqueue_indirect_dma source(%dma_start3A_782 : memref<2000x128xf32, #tpu.memory_space<hbm>>) target(%arg35 : memref<128x128xf32, #tpu.memory_space<vmem>>) offsets(%arg25 : memref<128xi32, #tpu.memory_space<vmem>>) semaphore(%arg37 : memref<!tpu.dma_semaphore, #tpu.memory_space<semaphore_mem>>)
    %dma_start3A_783 = arith.constant 0 : i32
    %dma_start3A_784 = arith.constant 0 : i32
    %dma_start3A_785 = tpu.memref_slice %arg6[%dma_start3A_783, %dma_start3A_784] : memref<100000x64xf32, #tpu.memory_space<hbm>> -> memref<100000x64xf32, #tpu.memory_space<hbm>>
    tpu.enqueue_indirect_dma source(%dma_start3A_785 : memref<100000x64xf32, #tpu.memory_space<hbm>>) target(%arg33 : memref<64x64xf32, #tpu.memory_space<vmem>>) offsets(%arg23 : memref<64xi32, #tpu.memory_space<vmem>>) semaphore(%arg37 : memref<!tpu.dma_semaphore, #tpu.memory_space<semaphore_mem>>)
    %dma_start3A_786 = arith.constant 0 : i32
    %dma_start3A_787 = arith.constant 0 : i32
    %dma_start3A_788 = tpu.memref_slice %arg7[%dma_start3A_786, %dma_start3A_787] : memref<2000x128xf32, #tpu.memory_space<hbm>> -> memref<2000x128xf32, #tpu.memory_space<hbm>>
    tpu.enqueue_indirect_dma source(%dma_start3A_788 : memref<2000x128xf32, #tpu.memory_space<hbm>>) target(%arg36 : memref<64x128xf32, #tpu.memory_space<vmem>>) offsets(%arg26 : memref<64xi32, #tpu.memory_space<vmem>>) semaphore(%arg37 : memref<!tpu.dma_semaphore, #tpu.memory_space<semaphore_mem>>)
    %dma_wait3A = arith.constant 0 : i32
    %dma_wait3A_789 = arith.constant 0 : i32
    %dma_wait3A_790 = tpu.memref_slice %arg5[%dma_wait3A, %dma_wait3A_789] : memref<100000x64xf32, #tpu.memory_space<hbm>> -> memref<100000x64xf32, #tpu.memory_space<hbm>>
    tpu.wait_indirect_dma semaphore(%arg37 : memref<!tpu.dma_semaphore, #tpu.memory_space<semaphore_mem>>) src(%dma_wait3A_790 : memref<100000x64xf32, #tpu.memory_space<hbm>>) dst(%arg27 : memref<32x64xf32, #tpu.memory_space<vmem>>)
    %dma_wait3A_791 = arith.constant 0 : i32
    %dma_wait3A_792 = arith.constant 0 : i32
    %dma_wait3A_793 = tpu.memref_slice %arg6[%dma_wait3A_791, %dma_wait3A_792] : memref<100000x64xf32, #tpu.memory_space<hbm>> -> memref<100000x64xf32, #tpu.memory_space<hbm>>
    tpu.wait_indirect_dma semaphore(%arg37 : memref<!tpu.dma_semaphore, #tpu.memory_space<semaphore_mem>>) src(%dma_wait3A_793 : memref<100000x64xf32, #tpu.memory_space<hbm>>) dst(%arg28 : memref<32x64xf32, #tpu.memory_space<vmem>>)
    %dma_wait3A_794 = arith.constant 0 : i32
    %dma_wait3A_795 = arith.constant 0 : i32
    %dma_wait3A_796 = tpu.memref_slice %arg7[%dma_wait3A_794, %dma_wait3A_795] : memref<2000x128xf32, #tpu.memory_space<hbm>> -> memref<2000x128xf32, #tpu.memory_space<hbm>>
    tpu.wait_indirect_dma semaphore(%arg37 : memref<!tpu.dma_semaphore, #tpu.memory_space<semaphore_mem>>) src(%dma_wait3A_796 : memref<2000x128xf32, #tpu.memory_space<hbm>>) dst(%arg29 : memref<32x128xf32, #tpu.memory_space<vmem>>)
    %dma_wait3A_797 = arith.constant 0 : i32
    %dma_wait3A_798 = arith.constant 0 : i32
    %dma_wait3A_799 = tpu.memref_slice %arg7[%dma_wait3A_797, %dma_wait3A_798] : memref<2000x128xf32, #tpu.memory_space<hbm>> -> memref<2000x128xf32, #tpu.memory_space<hbm>>
    tpu.wait_indirect_dma semaphore(%arg37 : memref<!tpu.dma_semaphore, #tpu.memory_space<semaphore_mem>>) src(%dma_wait3A_799 : memref<2000x128xf32, #tpu.memory_space<hbm>>) dst(%arg30 : memref<32x128xf32, #tpu.memory_space<vmem>>)
    %dma_wait3A_800 = arith.constant 0 : i32
    %dma_wait3A_801 = arith.constant 0 : i32
    %dma_wait3A_802 = tpu.memref_slice %arg6[%dma_wait3A_800, %dma_wait3A_801] : memref<100000x64xf32, #tpu.memory_space<hbm>> -> memref<100000x64xf32, #tpu.memory_space<hbm>>
    tpu.wait_indirect_dma semaphore(%arg37 : memref<!tpu.dma_semaphore, #tpu.memory_space<semaphore_mem>>) src(%dma_wait3A_802 : memref<100000x64xf32, #tpu.memory_space<hbm>>) dst(%arg31 : memref<128x64xf32, #tpu.memory_space<vmem>>)
    %dma_wait3A_803 = arith.constant 0 : i32
    %dma_wait3A_804 = arith.constant 0 : i32
    %dma_wait3A_805 = tpu.memref_slice %arg7[%dma_wait3A_803, %dma_wait3A_804] : memref<2000x128xf32, #tpu.memory_space<hbm>> -> memref<2000x128xf32, #tpu.memory_space<hbm>>
    tpu.wait_indirect_dma semaphore(%arg37 : memref<!tpu.dma_semaphore, #tpu.memory_space<semaphore_mem>>) src(%dma_wait3A_805 : memref<2000x128xf32, #tpu.memory_space<hbm>>) dst(%arg34 : memref<128x128xf32, #tpu.memory_space<vmem>>)
    %dma_wait3A_806 = arith.constant 0 : i32
    %dma_wait3A_807 = arith.constant 0 : i32
    %dma_wait3A_808 = tpu.memref_slice %arg6[%dma_wait3A_806, %dma_wait3A_807] : memref<100000x64xf32, #tpu.memory_space<hbm>> -> memref<100000x64xf32, #tpu.memory_space<hbm>>
    tpu.wait_indirect_dma semaphore(%arg37 : memref<!tpu.dma_semaphore, #tpu.memory_space<semaphore_mem>>) src(%dma_wait3A_808 : memref<100000x64xf32, #tpu.memory_space<hbm>>) dst(%arg32 : memref<128x64xf32, #tpu.memory_space<vmem>>)
    %dma_wait3A_809 = arith.constant 0 : i32
    %dma_wait3A_810 = arith.constant 0 : i32
    %dma_wait3A_811 = tpu.memref_slice %arg7[%dma_wait3A_809, %dma_wait3A_810] : memref<2000x128xf32, #tpu.memory_space<hbm>> -> memref<2000x128xf32, #tpu.memory_space<hbm>>
    tpu.wait_indirect_dma semaphore(%arg37 : memref<!tpu.dma_semaphore, #tpu.memory_space<semaphore_mem>>) src(%dma_wait3A_811 : memref<2000x128xf32, #tpu.memory_space<hbm>>) dst(%arg35 : memref<128x128xf32, #tpu.memory_space<vmem>>)
    %dma_wait3A_812 = arith.constant 0 : i32
    %dma_wait3A_813 = arith.constant 0 : i32
    %dma_wait3A_814 = tpu.memref_slice %arg6[%dma_wait3A_812, %dma_wait3A_813] : memref<100000x64xf32, #tpu.memory_space<hbm>> -> memref<100000x64xf32, #tpu.memory_space<hbm>>
    tpu.wait_indirect_dma semaphore(%arg37 : memref<!tpu.dma_semaphore, #tpu.memory_space<semaphore_mem>>) src(%dma_wait3A_814 : memref<100000x64xf32, #tpu.memory_space<hbm>>) dst(%arg33 : memref<64x64xf32, #tpu.memory_space<vmem>>)
    %dma_wait3A_815 = arith.constant 0 : i32
    %dma_wait3A_816 = arith.constant 0 : i32
    %dma_wait3A_817 = tpu.memref_slice %arg7[%dma_wait3A_815, %dma_wait3A_816] : memref<2000x128xf32, #tpu.memory_space<hbm>> -> memref<2000x128xf32, #tpu.memory_space<hbm>>
    tpu.wait_indirect_dma semaphore(%arg37 : memref<!tpu.dma_semaphore, #tpu.memory_space<semaphore_mem>>) src(%dma_wait3A_817 : memref<2000x128xf32, #tpu.memory_space<hbm>>) dst(%arg36 : memref<64x128xf32, #tpu.memory_space<vmem>>)
    "tpu.region"() ({
      %run_scoped3A = tpu.sem_alloc : memref<!tpu.dma_semaphore, #tpu.memory_space<semaphore_mem>>
      %dma_start3A_842 = arith.constant 0 : i32
      %dma_start3A_843 = tpu.memref_slice %arg8[%mul3A_2, %dma_start3A_842] : memref<1024x64xf32, #tpu.memory_space<hbm>> -> memref<32x64xf32, #tpu.memory_space<hbm>>
      %dma_start3A_844 = arith.constant 0 : i32
      %dma_start3A_845 = tpu.memref_slice %arg8[%mul3A_2, %dma_start3A_844] : memref<1024x64xf32, #tpu.memory_space<hbm>> -> memref<32x64xf32, #tpu.memory_space<hbm>>
      tpu.enqueue_dma source(%arg27 : memref<32x64xf32, #tpu.memory_space<vmem>>) target(%dma_start3A_845 : memref<32x64xf32, #tpu.memory_space<hbm>>) target_semaphore(%run_scoped3A : memref<!tpu.dma_semaphore, #tpu.memory_space<semaphore_mem>>)
      %dma_wait3A_846 = arith.constant 0 : i32
      %dma_wait3A_847 = tpu.memref_slice %arg8[%mul3A_2, %dma_wait3A_846] : memref<1024x64xf32, #tpu.memory_space<hbm>> -> memref<32x64xf32, #tpu.memory_space<hbm>>
      %dma_wait3A_848 = arith.constant 0 : i32
      %dma_wait3A_849 = tpu.memref_slice %arg8[%mul3A_2, %dma_wait3A_848] : memref<1024x64xf32, #tpu.memory_space<hbm>> -> memref<32x64xf32, #tpu.memory_space<hbm>>
      tpu.wait_dma2 semaphore(%run_scoped3A : memref<!tpu.dma_semaphore, #tpu.memory_space<semaphore_mem>>) src(%arg27 : memref<32x64xf32, #tpu.memory_space<vmem>>) dst(%dma_wait3A_849 : memref<32x64xf32, #tpu.memory_space<hbm>>)
      tpu.yield
    }) : () -> ()
    "tpu.region"() ({
      %run_scoped3A = tpu.sem_alloc : memref<!tpu.dma_semaphore, #tpu.memory_space<semaphore_mem>>
      %dma_start3A_842 = arith.constant 0 : i32
      %dma_start3A_843 = tpu.memref_slice %arg9[%mul3A_2, %dma_start3A_842] : memref<1024x64xf32, #tpu.memory_space<hbm>> -> memref<32x64xf32, #tpu.memory_space<hbm>>
      %dma_start3A_844 = arith.constant 0 : i32
      %dma_start3A_845 = tpu.memref_slice %arg9[%mul3A_2, %dma_start3A_844] : memref<1024x64xf32, #tpu.memory_space<hbm>> -> memref<32x64xf32, #tpu.memory_space<hbm>>
      tpu.enqueue_dma source(%arg28 : memref<32x64xf32, #tpu.memory_space<vmem>>) target(%dma_start3A_845 : memref<32x64xf32, #tpu.memory_space<hbm>>) target_semaphore(%run_scoped3A : memref<!tpu.dma_semaphore, #tpu.memory_space<semaphore_mem>>)
      %dma_wait3A_846 = arith.constant 0 : i32
      %dma_wait3A_847 = tpu.memref_slice %arg9[%mul3A_2, %dma_wait3A_846] : memref<1024x64xf32, #tpu.memory_space<hbm>> -> memref<32x64xf32, #tpu.memory_space<hbm>>
      %dma_wait3A_848 = arith.constant 0 : i32
      %dma_wait3A_849 = tpu.memref_slice %arg9[%mul3A_2, %dma_wait3A_848] : memref<1024x64xf32, #tpu.memory_space<hbm>> -> memref<32x64xf32, #tpu.memory_space<hbm>>
      tpu.wait_dma2 semaphore(%run_scoped3A : memref<!tpu.dma_semaphore, #tpu.memory_space<semaphore_mem>>) src(%arg28 : memref<32x64xf32, #tpu.memory_space<vmem>>) dst(%dma_wait3A_849 : memref<32x64xf32, #tpu.memory_space<hbm>>)
      tpu.yield
    }) : () -> ()
    "tpu.region"() ({
      %run_scoped3A = tpu.sem_alloc : memref<!tpu.dma_semaphore, #tpu.memory_space<semaphore_mem>>
      %dma_start3A_842 = arith.constant 0 : i32
      %dma_start3A_843 = tpu.memref_slice %arg10[%mul3A_2, %dma_start3A_842] : memref<1024x128xf32, #tpu.memory_space<hbm>> -> memref<32x128xf32, #tpu.memory_space<hbm>>
      %dma_start3A_844 = arith.constant 0 : i32
      %dma_start3A_845 = tpu.memref_slice %arg10[%mul3A_2, %dma_start3A_844] : memref<1024x128xf32, #tpu.memory_space<hbm>> -> memref<32x128xf32, #tpu.memory_space<hbm>>
      tpu.enqueue_dma source(%arg29 : memref<32x128xf32, #tpu.memory_space<vmem>>) target(%dma_start3A_845 : memref<32x128xf32, #tpu.memory_space<hbm>>) target_semaphore(%run_scoped3A : memref<!tpu.dma_semaphore, #tpu.memory_space<semaphore_mem>>)
      %dma_wait3A_846 = arith.constant 0 : i32
      %dma_wait3A_847 = tpu.memref_slice %arg10[%mul3A_2, %dma_wait3A_846] : memref<1024x128xf32, #tpu.memory_space<hbm>> -> memref<32x128xf32, #tpu.memory_space<hbm>>
      %dma_wait3A_848 = arith.constant 0 : i32
      %dma_wait3A_849 = tpu.memref_slice %arg10[%mul3A_2, %dma_wait3A_848] : memref<1024x128xf32, #tpu.memory_space<hbm>> -> memref<32x128xf32, #tpu.memory_space<hbm>>
      tpu.wait_dma2 semaphore(%run_scoped3A : memref<!tpu.dma_semaphore, #tpu.memory_space<semaphore_mem>>) src(%arg29 : memref<32x128xf32, #tpu.memory_space<vmem>>) dst(%dma_wait3A_849 : memref<32x128xf32, #tpu.memory_space<hbm>>)
      tpu.yield
    }) : () -> ()
    "tpu.region"() ({
      %run_scoped3A = tpu.sem_alloc : memref<!tpu.dma_semaphore, #tpu.memory_space<semaphore_mem>>
      %dma_start3A_842 = arith.constant 0 : i32
      %dma_start3A_843 = tpu.memref_slice %arg11[%mul3A_2, %dma_start3A_842] : memref<1024x128xf32, #tpu.memory_space<hbm>> -> memref<32x128xf32, #tpu.memory_space<hbm>>
      %dma_start3A_844 = arith.constant 0 : i32
      %dma_start3A_845 = tpu.memref_slice %arg11[%mul3A_2, %dma_start3A_844] : memref<1024x128xf32, #tpu.memory_space<hbm>> -> memref<32x128xf32, #tpu.memory_space<hbm>>
      tpu.enqueue_dma source(%arg30 : memref<32x128xf32, #tpu.memory_space<vmem>>) target(%dma_start3A_845 : memref<32x128xf32, #tpu.memory_space<hbm>>) target_semaphore(%run_scoped3A : memref<!tpu.dma_semaphore, #tpu.memory_space<semaphore_mem>>)
      %dma_wait3A_846 = arith.constant 0 : i32
      %dma_wait3A_847 = tpu.memref_slice %arg11[%mul3A_2, %dma_wait3A_846] : memref<1024x128xf32, #tpu.memory_space<hbm>> -> memref<32x128xf32, #tpu.memory_space<hbm>>
      %dma_wait3A_848 = arith.constant 0 : i32
      %dma_wait3A_849 = tpu.memref_slice %arg11[%mul3A_2, %dma_wait3A_848] : memref<1024x128xf32, #tpu.memory_space<hbm>> -> memref<32x128xf32, #tpu.memory_space<hbm>>
      tpu.wait_dma2 semaphore(%run_scoped3A : memref<!tpu.dma_semaphore, #tpu.memory_space<semaphore_mem>>) src(%arg30 : memref<32x128xf32, #tpu.memory_space<vmem>>) dst(%dma_wait3A_849 : memref<32x128xf32, #tpu.memory_space<hbm>>)
      tpu.yield
    }) : () -> ()
    %mul3A_818 = arith.constant 10 : i32
    %mul3A_819 = arith.muli %mul3A_2, %mul3A_818 : i32
    %add3A_820 = arith.constant 0 : i32
    %add3A_821 = arith.addi %mul3A_819, %add3A_820 : i32
    "tpu.region"() ({
      %run_scoped3A = tpu.sem_alloc : memref<!tpu.dma_semaphore, #tpu.memory_space<semaphore_mem>>
      %dma_start3A_842 = arith.constant 0 : i32
      %dma_start3A_843 = tpu.memref_slice %arg12[%add3A_821, %dma_start3A_842] : memref<10240x64xf32, #tpu.memory_space<hbm>> -> memref<128x64xf32, #tpu.memory_space<hbm>>
      %dma_start3A_844 = arith.constant 0 : i32
      %dma_start3A_845 = tpu.memref_slice %arg12[%add3A_821, %dma_start3A_844] : memref<10240x64xf32, #tpu.memory_space<hbm>> -> memref<128x64xf32, #tpu.memory_space<hbm>>
      tpu.enqueue_dma source(%arg31 : memref<128x64xf32, #tpu.memory_space<vmem>>) target(%dma_start3A_845 : memref<128x64xf32, #tpu.memory_space<hbm>>) target_semaphore(%run_scoped3A : memref<!tpu.dma_semaphore, #tpu.memory_space<semaphore_mem>>)
      %dma_wait3A_846 = arith.constant 0 : i32
      %dma_wait3A_847 = tpu.memref_slice %arg12[%add3A_821, %dma_wait3A_846] : memref<10240x64xf32, #tpu.memory_space<hbm>> -> memref<128x64xf32, #tpu.memory_space<hbm>>
      %dma_wait3A_848 = arith.constant 0 : i32
      %dma_wait3A_849 = tpu.memref_slice %arg12[%add3A_821, %dma_wait3A_848] : memref<10240x64xf32, #tpu.memory_space<hbm>> -> memref<128x64xf32, #tpu.memory_space<hbm>>
      tpu.wait_dma2 semaphore(%run_scoped3A : memref<!tpu.dma_semaphore, #tpu.memory_space<semaphore_mem>>) src(%arg31 : memref<128x64xf32, #tpu.memory_space<vmem>>) dst(%dma_wait3A_849 : memref<128x64xf32, #tpu.memory_space<hbm>>)
      tpu.yield
    }) : () -> ()
    %mul3A_822 = arith.constant 10 : i32
    %mul3A_823 = arith.muli %mul3A_2, %mul3A_822 : i32
    %add3A_824 = arith.constant 128 : i32
    %add3A_825 = arith.addi %mul3A_823, %add3A_824 : i32
    "tpu.region"() ({
      %run_scoped3A = tpu.sem_alloc : memref<!tpu.dma_semaphore, #tpu.memory_space<semaphore_mem>>
      %dma_start3A_842 = arith.constant 0 : i32
      %dma_start3A_843 = tpu.memref_slice %arg12[%add3A_825, %dma_start3A_842] : memref<10240x64xf32, #tpu.memory_space<hbm>> -> memref<128x64xf32, #tpu.memory_space<hbm>>
      %dma_start3A_844 = arith.constant 0 : i32
      %dma_start3A_845 = tpu.memref_slice %arg12[%add3A_825, %dma_start3A_844] : memref<10240x64xf32, #tpu.memory_space<hbm>> -> memref<128x64xf32, #tpu.memory_space<hbm>>
      tpu.enqueue_dma source(%arg32 : memref<128x64xf32, #tpu.memory_space<vmem>>) target(%dma_start3A_845 : memref<128x64xf32, #tpu.memory_space<hbm>>) target_semaphore(%run_scoped3A : memref<!tpu.dma_semaphore, #tpu.memory_space<semaphore_mem>>)
      %dma_wait3A_846 = arith.constant 0 : i32
      %dma_wait3A_847 = tpu.memref_slice %arg12[%add3A_825, %dma_wait3A_846] : memref<10240x64xf32, #tpu.memory_space<hbm>> -> memref<128x64xf32, #tpu.memory_space<hbm>>
      %dma_wait3A_848 = arith.constant 0 : i32
      %dma_wait3A_849 = tpu.memref_slice %arg12[%add3A_825, %dma_wait3A_848] : memref<10240x64xf32, #tpu.memory_space<hbm>> -> memref<128x64xf32, #tpu.memory_space<hbm>>
      tpu.wait_dma2 semaphore(%run_scoped3A : memref<!tpu.dma_semaphore, #tpu.memory_space<semaphore_mem>>) src(%arg32 : memref<128x64xf32, #tpu.memory_space<vmem>>) dst(%dma_wait3A_849 : memref<128x64xf32, #tpu.memory_space<hbm>>)
      tpu.yield
    }) : () -> ()
    %mul3A_826 = arith.constant 10 : i32
    %mul3A_827 = arith.muli %mul3A_2, %mul3A_826 : i32
    %add3A_828 = arith.constant 256 : i32
    %add3A_829 = arith.addi %mul3A_827, %add3A_828 : i32
    "tpu.region"() ({
      %run_scoped3A = tpu.sem_alloc : memref<!tpu.dma_semaphore, #tpu.memory_space<semaphore_mem>>
      %dma_start3A_842 = arith.constant 0 : i32
      %dma_start3A_843 = tpu.memref_slice %arg12[%add3A_829, %dma_start3A_842] : memref<10240x64xf32, #tpu.memory_space<hbm>> -> memref<64x64xf32, #tpu.memory_space<hbm>>
      %dma_start3A_844 = arith.constant 0 : i32
      %dma_start3A_845 = tpu.memref_slice %arg12[%add3A_829, %dma_start3A_844] : memref<10240x64xf32, #tpu.memory_space<hbm>> -> memref<64x64xf32, #tpu.memory_space<hbm>>
      tpu.enqueue_dma source(%arg33 : memref<64x64xf32, #tpu.memory_space<vmem>>) target(%dma_start3A_845 : memref<64x64xf32, #tpu.memory_space<hbm>>) target_semaphore(%run_scoped3A : memref<!tpu.dma_semaphore, #tpu.memory_space<semaphore_mem>>)
      %dma_wait3A_846 = arith.constant 0 : i32
      %dma_wait3A_847 = tpu.memref_slice %arg12[%add3A_829, %dma_wait3A_846] : memref<10240x64xf32, #tpu.memory_space<hbm>> -> memref<64x64xf32, #tpu.memory_space<hbm>>
      %dma_wait3A_848 = arith.constant 0 : i32
      %dma_wait3A_849 = tpu.memref_slice %arg12[%add3A_829, %dma_wait3A_848] : memref<10240x64xf32, #tpu.memory_space<hbm>> -> memref<64x64xf32, #tpu.memory_space<hbm>>
      tpu.wait_dma2 semaphore(%run_scoped3A : memref<!tpu.dma_semaphore, #tpu.memory_space<semaphore_mem>>) src(%arg33 : memref<64x64xf32, #tpu.memory_space<vmem>>) dst(%dma_wait3A_849 : memref<64x64xf32, #tpu.memory_space<hbm>>)
      tpu.yield
    }) : () -> ()
    %mul3A_830 = arith.constant 10 : i32
    %mul3A_831 = arith.muli %mul3A_2, %mul3A_830 : i32
    %add3A_832 = arith.constant 0 : i32
    %add3A_833 = arith.addi %mul3A_831, %add3A_832 : i32
    "tpu.region"() ({
      %run_scoped3A = tpu.sem_alloc : memref<!tpu.dma_semaphore, #tpu.memory_space<semaphore_mem>>
      %dma_start3A_842 = arith.constant 0 : i32
      %dma_start3A_843 = tpu.memref_slice %arg13[%add3A_833, %dma_start3A_842] : memref<10240x128xf32, #tpu.memory_space<hbm>> -> memref<128x128xf32, #tpu.memory_space<hbm>>
      %dma_start3A_844 = arith.constant 0 : i32
      %dma_start3A_845 = tpu.memref_slice %arg13[%add3A_833, %dma_start3A_844] : memref<10240x128xf32, #tpu.memory_space<hbm>> -> memref<128x128xf32, #tpu.memory_space<hbm>>
      tpu.enqueue_dma source(%arg34 : memref<128x128xf32, #tpu.memory_space<vmem>>) target(%dma_start3A_845 : memref<128x128xf32, #tpu.memory_space<hbm>>) target_semaphore(%run_scoped3A : memref<!tpu.dma_semaphore, #tpu.memory_space<semaphore_mem>>)
      %dma_wait3A_846 = arith.constant 0 : i32
      %dma_wait3A_847 = tpu.memref_slice %arg13[%add3A_833, %dma_wait3A_846] : memref<10240x128xf32, #tpu.memory_space<hbm>> -> memref<128x128xf32, #tpu.memory_space<hbm>>
      %dma_wait3A_848 = arith.constant 0 : i32
      %dma_wait3A_849 = tpu.memref_slice %arg13[%add3A_833, %dma_wait3A_848] : memref<10240x128xf32, #tpu.memory_space<hbm>> -> memref<128x128xf32, #tpu.memory_space<hbm>>
      tpu.wait_dma2 semaphore(%run_scoped3A : memref<!tpu.dma_semaphore, #tpu.memory_space<semaphore_mem>>) src(%arg34 : memref<128x128xf32, #tpu.memory_space<vmem>>) dst(%dma_wait3A_849 : memref<128x128xf32, #tpu.memory_space<hbm>>)
      tpu.yield
    }) : () -> ()
    %mul3A_834 = arith.constant 10 : i32
    %mul3A_835 = arith.muli %mul3A_2, %mul3A_834 : i32
    %add3A_836 = arith.constant 128 : i32
    %add3A_837 = arith.addi %mul3A_835, %add3A_836 : i32
    "tpu.region"() ({
      %run_scoped3A = tpu.sem_alloc : memref<!tpu.dma_semaphore, #tpu.memory_space<semaphore_mem>>
      %dma_start3A_842 = arith.constant 0 : i32
      %dma_start3A_843 = tpu.memref_slice %arg13[%add3A_837, %dma_start3A_842] : memref<10240x128xf32, #tpu.memory_space<hbm>> -> memref<128x128xf32, #tpu.memory_space<hbm>>
      %dma_start3A_844 = arith.constant 0 : i32
      %dma_start3A_845 = tpu.memref_slice %arg13[%add3A_837, %dma_start3A_844] : memref<10240x128xf32, #tpu.memory_space<hbm>> -> memref<128x128xf32, #tpu.memory_space<hbm>>
      tpu.enqueue_dma source(%arg35 : memref<128x128xf32, #tpu.memory_space<vmem>>) target(%dma_start3A_845 : memref<128x128xf32, #tpu.memory_space<hbm>>) target_semaphore(%run_scoped3A : memref<!tpu.dma_semaphore, #tpu.memory_space<semaphore_mem>>)
      %dma_wait3A_846 = arith.constant 0 : i32
      %dma_wait3A_847 = tpu.memref_slice %arg13[%add3A_837, %dma_wait3A_846] : memref<10240x128xf32, #tpu.memory_space<hbm>> -> memref<128x128xf32, #tpu.memory_space<hbm>>
      %dma_wait3A_848 = arith.constant 0 : i32
      %dma_wait3A_849 = tpu.memref_slice %arg13[%add3A_837, %dma_wait3A_848] : memref<10240x128xf32, #tpu.memory_space<hbm>> -> memref<128x128xf32, #tpu.memory_space<hbm>>
      tpu.wait_dma2 semaphore(%run_scoped3A : memref<!tpu.dma_semaphore, #tpu.memory_space<semaphore_mem>>) src(%arg35 : memref<128x128xf32, #tpu.memory_space<vmem>>) dst(%dma_wait3A_849 : memref<128x128xf32, #tpu.memory_space<hbm>>)
      tpu.yield
    }) : () -> ()
    %mul3A_838 = arith.constant 10 : i32
    %mul3A_839 = arith.muli %mul3A_2, %mul3A_838 : i32
    %add3A_840 = arith.constant 256 : i32
    %add3A_841 = arith.addi %mul3A_839, %add3A_840 : i32
    "tpu.region"() ({
      %run_scoped3A = tpu.sem_alloc : memref<!tpu.dma_semaphore, #tpu.memory_space<semaphore_mem>>
      %dma_start3A_842 = arith.constant 0 : i32
      %dma_start3A_843 = tpu.memref_slice %arg13[%add3A_841, %dma_start3A_842] : memref<10240x128xf32, #tpu.memory_space<hbm>> -> memref<64x128xf32, #tpu.memory_space<hbm>>
      %dma_start3A_844 = arith.constant 0 : i32
      %dma_start3A_845 = tpu.memref_slice %arg13[%add3A_841, %dma_start3A_844] : memref<10240x128xf32, #tpu.memory_space<hbm>> -> memref<64x128xf32, #tpu.memory_space<hbm>>
      tpu.enqueue_dma source(%arg36 : memref<64x128xf32, #tpu.memory_space<vmem>>) target(%dma_start3A_845 : memref<64x128xf32, #tpu.memory_space<hbm>>) target_semaphore(%run_scoped3A : memref<!tpu.dma_semaphore, #tpu.memory_space<semaphore_mem>>)
      %dma_wait3A_846 = arith.constant 0 : i32
      %dma_wait3A_847 = tpu.memref_slice %arg13[%add3A_841, %dma_wait3A_846] : memref<10240x128xf32, #tpu.memory_space<hbm>> -> memref<64x128xf32, #tpu.memory_space<hbm>>
      %dma_wait3A_848 = arith.constant 0 : i32
      %dma_wait3A_849 = tpu.memref_slice %arg13[%add3A_841, %dma_wait3A_848] : memref<10240x128xf32, #tpu.memory_space<hbm>> -> memref<64x128xf32, #tpu.memory_space<hbm>>
      tpu.wait_dma2 semaphore(%run_scoped3A : memref<!tpu.dma_semaphore, #tpu.memory_space<semaphore_mem>>) src(%arg36 : memref<64x128xf32, #tpu.memory_space<vmem>>) dst(%dma_wait3A_849 : memref<64x128xf32, #tpu.memory_space<hbm>>)
      tpu.yield
    }) : () -> ()
    return
  }
}

module attributes {stable_mosaic.version = 14 : i64} {
  func.func @_tc_body(%arg0: i32, %arg1: memref<128x1xi32, #tpu.memory_space<vmem>>, %arg2: memref<128x1xi32, #tpu.memory_space<vmem>>, %arg3: memref<128x128xi32, #tpu.memory_space<vmem>>, %arg4: memref<128x64xf32, #tpu.memory_space<vmem>>, %arg5: memref<128x64xf32, #tpu.memory_space<vmem>>, %arg6: memref<128x128xf32, #tpu.memory_space<vmem>>, %arg7: memref<128x128xf32, #tpu.memory_space<vmem>>, %arg8: memref<1280x64xf32, #tpu.memory_space<vmem>>, %arg9: memref<1280x128xf32, #tpu.memory_space<vmem>>, %arg10: memref<128x1xf32, #tpu.memory_space<vmem>>) attributes {dimension_semantics = [#tpu.dimension_semantics<arbitrary>], iteration_bounds = array<i64: 8>, scalar_prefetch = 0 : i64, scratch_operands = 0 : i64, tpu.core_type = #tpu.core_type<tc>, window_params = [{transform_indices = @transform_0, window_bounds = array<i64: 128, 1>}, {transform_indices = @transform_1, window_bounds = array<i64: 128, 1>}, {transform_indices = @transform_2, window_bounds = array<i64: 128, 128>}, {transform_indices = @transform_3, window_bounds = array<i64: 128, 64>}, {transform_indices = @transform_4, window_bounds = array<i64: 128, 64>}, {transform_indices = @transform_5, window_bounds = array<i64: 128, 128>}, {transform_indices = @transform_6, window_bounds = array<i64: 128, 128>}, {transform_indices = @transform_7, window_bounds = array<i64: 1280, 64>}, {transform_indices = @transform_8, window_bounds = array<i64: 1280, 128>}, {transform_indices = @transform_9, window_bounds = array<i64: 128, 1>}]} {
    %get3A = arith.constant 0 : index
    %get3A_0 = arith.constant 0 : index
    %get3A_1 = vector.load %arg1[%get3A, %get3A_0] : memref<128x1xi32, #tpu.memory_space<vmem>>, vector<128x1xi32>
    %get3A_2 = arith.constant 0 : index
    %get3A_3 = arith.constant 0 : index
    %get3A_4 = vector.load %arg2[%get3A_2, %get3A_3] : memref<128x1xi32, #tpu.memory_space<vmem>>, vector<128x1xi32>
    %lt3A = arith.constant 100000 : i32
    %lt3A_5 = vector.broadcast %lt3A : i32 to vector<128x1xi32>
    %lt3A_6 = arith.cmpi slt, %get3A_1, %lt3A_5 : vector<128x1xi32>
    %lt3A_7 = arith.constant 100000 : i32
    %lt3A_8 = vector.broadcast %lt3A_7 : i32 to vector<128x1xi32>
    %lt3A_9 = arith.cmpi slt, %get3A_4, %lt3A_8 : vector<128x1xi32>
    %get3A_10 = arith.constant 0 : index
    %get3A_11 = arith.constant 0 : index
    %get3A_12 = vector.load %arg4[%get3A_10, %get3A_11] : memref<128x64xf32, #tpu.memory_space<vmem>>, vector<128x64xf32>
    %get3A_13 = arith.constant 0 : index
    %get3A_14 = arith.constant 0 : index
    %get3A_15 = vector.load %arg5[%get3A_13, %get3A_14] : memref<128x64xf32, #tpu.memory_space<vmem>>, vector<128x64xf32>
    %get3A_16 = arith.constant 0 : index
    %get3A_17 = arith.constant 0 : index
    %get3A_18 = vector.load %arg6[%get3A_16, %get3A_17] : memref<128x128xf32, #tpu.memory_space<vmem>>, vector<128x64xf32>
    %get3A_19 = arith.constant 0 : index
    %get3A_20 = arith.constant 64 : index
    %get3A_21 = vector.load %arg6[%get3A_19, %get3A_20] : memref<128x128xf32, #tpu.memory_space<vmem>>, vector<128x64xf32>
    %get3A_22 = arith.constant 0 : index
    %get3A_23 = arith.constant 0 : index
    %get3A_24 = vector.load %arg7[%get3A_22, %get3A_23] : memref<128x128xf32, #tpu.memory_space<vmem>>, vector<128x64xf32>
    %get3A_25 = arith.constant 0 : index
    %get3A_26 = arith.constant 64 : index
    %get3A_27 = vector.load %arg7[%get3A_25, %get3A_26] : memref<128x128xf32, #tpu.memory_space<vmem>>, vector<128x64xf32>
    %mul3A = arith.mulf %get3A_27, %get3A_27 : vector<128x64xf32>
    %reduce_sum3A = arith.constant dense<0.000000e+00> : vector<128xf32>
    %reduce_sum3A_28 = vector.multi_reduction <add>, %mul3A, %reduce_sum3A [1] : vector<128x64xf32> to vector<128xf32>
    %broadcast_in_dim3A = vector.shape_cast %reduce_sum3A_28 : vector<128xf32> to vector<128x1xf32>
    %sqrt3A = math.sqrt %broadcast_in_dim3A : vector<128x1xf32>
    %add3A = arith.constant 9.99999993E-9 : f32
    %add3A_29 = vector.broadcast %add3A : f32 to vector<128x1xf32>
    %add3A_30 = arith.addf %sqrt3A, %add3A_29 : vector<128x1xf32>
    %div3A = vector.broadcast %add3A_30 : vector<128x1xf32> to vector<128x64xf32>
    %div3A_31 = arith.divf %get3A_27, %div3A : vector<128x64xf32>
    %mul3A_32 = arith.mulf %get3A_12, %div3A_31 : vector<128x64xf32>
    %reduce_sum3A_33 = arith.constant dense<0.000000e+00> : vector<128xf32>
    %reduce_sum3A_34 = vector.multi_reduction <add>, %mul3A_32, %reduce_sum3A_33 [1] : vector<128x64xf32> to vector<128xf32>
    %broadcast_in_dim3A_35 = vector.shape_cast %reduce_sum3A_34 : vector<128xf32> to vector<128x1xf32>
    %mul3A_36 = vector.broadcast %broadcast_in_dim3A_35 : vector<128x1xf32> to vector<128x64xf32>
    %mul3A_37 = arith.mulf %mul3A_36, %div3A_31 : vector<128x64xf32>
    %sub3A = arith.subf %get3A_12, %mul3A_37 : vector<128x64xf32>
    %broadcast_in_dim3A_38 = vector.shape_cast %lt3A_9 : vector<128x1xi1> to vector<128x1xi1>
    %broadcast_in_dim3A_39 = vector.broadcast %broadcast_in_dim3A_38 : vector<128x1xi1> to vector<128x64xi1>
    %select_n3A = arith.select %broadcast_in_dim3A_39, %get3A_12, %sub3A : vector<128x64xi1>, vector<128x64xf32>
    %broadcast_in_dim3A_40 = vector.shape_cast %lt3A_6 : vector<128x1xi1> to vector<128x1xi1>
    %broadcast_in_dim3A_41 = vector.broadcast %broadcast_in_dim3A_40 : vector<128x1xi1> to vector<128x64xi1>
    %select_n3A_42 = arith.select %broadcast_in_dim3A_41, %select_n3A, %get3A_18 : vector<128x64xi1>, vector<128x64xf32>
    %broadcast_in_dim3A_43 = vector.shape_cast %lt3A_9 : vector<128x1xi1> to vector<128x1xi1>
    %broadcast_in_dim3A_44 = vector.broadcast %broadcast_in_dim3A_43 : vector<128x1xi1> to vector<128x64xi1>
    %select_n3A_45 = arith.select %broadcast_in_dim3A_44, %get3A_15, %get3A_24 : vector<128x64xi1>, vector<128x64xf32>
    %mul3A_46 = arith.mulf %get3A_21, %get3A_21 : vector<128x64xf32>
    %reduce_sum3A_47 = arith.constant dense<0.000000e+00> : vector<128xf32>
    %reduce_sum3A_48 = vector.multi_reduction <add>, %mul3A_46, %reduce_sum3A_47 [1] : vector<128x64xf32> to vector<128xf32>
    %broadcast_in_dim3A_49 = vector.shape_cast %reduce_sum3A_48 : vector<128xf32> to vector<128x1xf32>
    %sqrt3A_50 = math.sqrt %broadcast_in_dim3A_49 : vector<128x1xf32>
    %add3A_51 = arith.constant 9.99999993E-9 : f32
    %add3A_52 = vector.broadcast %add3A_51 : f32 to vector<128x1xf32>
    %add3A_53 = arith.addf %sqrt3A_50, %add3A_52 : vector<128x1xf32>
    %div3A_54 = vector.broadcast %add3A_53 : vector<128x1xf32> to vector<128x64xf32>
    %div3A_55 = arith.divf %get3A_21, %div3A_54 : vector<128x64xf32>
    %mul3A_56 = arith.mulf %get3A_15, %div3A_55 : vector<128x64xf32>
    %reduce_sum3A_57 = arith.constant dense<0.000000e+00> : vector<128xf32>
    %reduce_sum3A_58 = vector.multi_reduction <add>, %mul3A_56, %reduce_sum3A_57 [1] : vector<128x64xf32> to vector<128xf32>
    %broadcast_in_dim3A_59 = vector.shape_cast %reduce_sum3A_58 : vector<128xf32> to vector<128x1xf32>
    %mul3A_60 = vector.broadcast %broadcast_in_dim3A_59 : vector<128x1xf32> to vector<128x64xf32>
    %mul3A_61 = arith.mulf %mul3A_60, %div3A_55 : vector<128x64xf32>
    %sub3A_62 = arith.subf %get3A_15, %mul3A_61 : vector<128x64xf32>
    %broadcast_in_dim3A_63 = vector.shape_cast %lt3A_9 : vector<128x1xi1> to vector<128x1xi1>
    %broadcast_in_dim3A_64 = vector.broadcast %broadcast_in_dim3A_63 : vector<128x1xi1> to vector<128x64xi1>
    %select_n3A_65 = arith.select %broadcast_in_dim3A_64, %sub3A_62, %get3A_24 : vector<128x64xi1>, vector<128x64xf32>
    %broadcast_in_dim3A_66 = vector.shape_cast %lt3A_6 : vector<128x1xi1> to vector<128x1xi1>
    %broadcast_in_dim3A_67 = vector.broadcast %broadcast_in_dim3A_66 : vector<128x1xi1> to vector<128x64xi1>
    %select_n3A_68 = arith.select %broadcast_in_dim3A_67, %select_n3A_45, %select_n3A_65 : vector<128x64xi1>, vector<128x64xf32>
    %mul3A_69 = arith.mulf %select_n3A_42, %select_n3A_68 : vector<128x64xf32>
    %reduce_sum3A_70 = arith.constant dense<0.000000e+00> : vector<128xf32>
    %reduce_sum3A_71 = vector.multi_reduction <add>, %mul3A_69, %reduce_sum3A_70 [1] : vector<128x64xf32> to vector<128xf32>
    %broadcast_in_dim3A_72 = vector.shape_cast %reduce_sum3A_71 : vector<128xf32> to vector<128x1xf32>
    %neg3A = arith.constant 0.000000e+00 : f32
    %neg3A_73 = vector.broadcast %neg3A : f32 to vector<128x1xf32>
    %neg3A_74 = arith.subf %neg3A_73, %broadcast_in_dim3A_72 : vector<128x1xf32>
    %custom_jvp_call3A = arith.constant 0.000000e+00 : f32
    %max3A = vector.broadcast %custom_jvp_call3A : f32 to vector<128x1xf32>
    %max3A_75 = arith.maximumf %neg3A_74, %max3A : vector<128x1xf32>
    %sub3A_76 = vector.broadcast %custom_jvp_call3A : f32 to vector<128x1xf32>
    %sub3A_77 = arith.subf %neg3A_74, %sub3A_76 : vector<128x1xf32>
    %ne3A = arith.cmpf one, %sub3A_77, %sub3A_77 : vector<128x1xf32>
    %add3A_78 = vector.broadcast %custom_jvp_call3A : f32 to vector<128x1xf32>
    %add3A_79 = arith.addf %neg3A_74, %add3A_78 : vector<128x1xf32>
    %abs3A = math.absf %sub3A_77 : vector<128x1xf32>
    %neg3A_80 = arith.constant 0.000000e+00 : f32
    %neg3A_81 = vector.broadcast %neg3A_80 : f32 to vector<128x1xf32>
    %neg3A_82 = arith.subf %neg3A_81, %abs3A : vector<128x1xf32>
    %exp3A = math.exp %neg3A_82 : vector<128x1xf32>
    %log1p3A = math.log1p %exp3A : vector<128x1xf32>
    %add3A_83 = arith.addf %max3A_75, %log1p3A : vector<128x1xf32>
    %select_n3A_84 = arith.select %ne3A, %add3A_79, %add3A_83 : vector<128x1xi1>, vector<128x1xf32>
    %neg3A_85 = arith.constant 0.000000e+00 : f32
    %neg3A_86 = vector.broadcast %neg3A_85 : f32 to vector<128x1xf32>
    %neg3A_87 = arith.subf %neg3A_86, %select_n3A_84 : vector<128x1xf32>
    %get3A_88 = arith.constant 0 : index
    %get3A_89 = arith.constant 0 : index
    %get3A_90 = vector.load %arg8[%get3A_88, %get3A_89] : memref<1280x64xf32, #tpu.memory_space<vmem>>, vector<1280x64xf32>
    %reshape3A = vector.shape_cast %get3A_90 : vector<1280x64xf32> to vector<128x10x64xf32>
    %get3A_91 = arith.constant 0 : index
    %get3A_92 = arith.constant 0 : index
    %get3A_93 = vector.load %arg9[%get3A_91, %get3A_92] : memref<1280x128xf32, #tpu.memory_space<vmem>>, vector<1280x128xf32>
    %reshape3A_94 = vector.shape_cast %get3A_93 : vector<1280x128xf32> to vector<128x10x128xf32>
    %get3A_95 = arith.constant 0 : index
    %get3A_96 = arith.constant 0 : index
    %get3A_97 = vector.load %arg3[%get3A_95, %get3A_96] : memref<128x128xi32, #tpu.memory_space<vmem>>, vector<128x1xi32>
    %lt3A_98 = arith.constant 100000 : i32
    %lt3A_99 = vector.broadcast %lt3A_98 : i32 to vector<128x1xi32>
    %lt3A_100 = arith.cmpi slt, %get3A_97, %lt3A_99 : vector<128x1xi32>
    %slice3A = vector.extract_strided_slice %reshape3A {offsets = [0, 0, 0], sizes = [128, 1, 64], strides = [1, 1, 1]} : vector<128x10x64xf32> to vector<128x1x64xf32>
    %squeeze3A = vector.shape_cast %slice3A : vector<128x1x64xf32> to vector<128x64xf32>
    %slice3A_101 = vector.extract_strided_slice %reshape3A_94 {offsets = [0, 0, 0], sizes = [128, 1, 64], strides = [1, 1, 1]} : vector<128x10x128xf32> to vector<128x1x64xf32>
    %squeeze3A_102 = vector.shape_cast %slice3A_101 : vector<128x1x64xf32> to vector<128x64xf32>
    %slice3A_103 = vector.extract_strided_slice %reshape3A_94 {offsets = [0, 0, 64], sizes = [128, 1, 64], strides = [1, 1, 1]} : vector<128x10x128xf32> to vector<128x1x64xf32>
    %squeeze3A_104 = vector.shape_cast %slice3A_103 : vector<128x1x64xf32> to vector<128x64xf32>
    %mul3A_105 = arith.mulf %squeeze3A_104, %squeeze3A_104 : vector<128x64xf32>
    %reduce_sum3A_106 = arith.constant dense<0.000000e+00> : vector<128xf32>
    %reduce_sum3A_107 = vector.multi_reduction <add>, %mul3A_105, %reduce_sum3A_106 [1] : vector<128x64xf32> to vector<128xf32>
    %broadcast_in_dim3A_108 = vector.shape_cast %reduce_sum3A_107 : vector<128xf32> to vector<128x1xf32>
    %sqrt3A_109 = math.sqrt %broadcast_in_dim3A_108 : vector<128x1xf32>
    %add3A_110 = arith.constant 9.99999993E-9 : f32
    %add3A_111 = vector.broadcast %add3A_110 : f32 to vector<128x1xf32>
    %add3A_112 = arith.addf %sqrt3A_109, %add3A_111 : vector<128x1xf32>
    %div3A_113 = vector.broadcast %add3A_112 : vector<128x1xf32> to vector<128x64xf32>
    %div3A_114 = arith.divf %squeeze3A_104, %div3A_113 : vector<128x64xf32>
    %mul3A_115 = arith.mulf %get3A_12, %div3A_114 : vector<128x64xf32>
    %reduce_sum3A_116 = arith.constant dense<0.000000e+00> : vector<128xf32>
    %reduce_sum3A_117 = vector.multi_reduction <add>, %mul3A_115, %reduce_sum3A_116 [1] : vector<128x64xf32> to vector<128xf32>
    %broadcast_in_dim3A_118 = vector.shape_cast %reduce_sum3A_117 : vector<128xf32> to vector<128x1xf32>
    %mul3A_119 = vector.broadcast %broadcast_in_dim3A_118 : vector<128x1xf32> to vector<128x64xf32>
    %mul3A_120 = arith.mulf %mul3A_119, %div3A_114 : vector<128x64xf32>
    %sub3A_121 = arith.subf %get3A_12, %mul3A_120 : vector<128x64xf32>
    %broadcast_in_dim3A_122 = vector.shape_cast %lt3A_100 : vector<128x1xi1> to vector<128x1xi1>
    %broadcast_in_dim3A_123 = vector.broadcast %broadcast_in_dim3A_122 : vector<128x1xi1> to vector<128x64xi1>
    %select_n3A_124 = arith.select %broadcast_in_dim3A_123, %get3A_12, %sub3A_121 : vector<128x64xi1>, vector<128x64xf32>
    %broadcast_in_dim3A_125 = vector.shape_cast %lt3A_6 : vector<128x1xi1> to vector<128x1xi1>
    %broadcast_in_dim3A_126 = vector.broadcast %broadcast_in_dim3A_125 : vector<128x1xi1> to vector<128x64xi1>
    %select_n3A_127 = arith.select %broadcast_in_dim3A_126, %select_n3A_124, %get3A_18 : vector<128x64xi1>, vector<128x64xf32>
    %broadcast_in_dim3A_128 = vector.shape_cast %lt3A_100 : vector<128x1xi1> to vector<128x1xi1>
    %broadcast_in_dim3A_129 = vector.broadcast %broadcast_in_dim3A_128 : vector<128x1xi1> to vector<128x64xi1>
    %select_n3A_130 = arith.select %broadcast_in_dim3A_129, %squeeze3A, %squeeze3A_102 : vector<128x64xi1>, vector<128x64xf32>
    %mul3A_131 = arith.mulf %get3A_21, %get3A_21 : vector<128x64xf32>
    %reduce_sum3A_132 = arith.constant dense<0.000000e+00> : vector<128xf32>
    %reduce_sum3A_133 = vector.multi_reduction <add>, %mul3A_131, %reduce_sum3A_132 [1] : vector<128x64xf32> to vector<128xf32>
    %broadcast_in_dim3A_134 = vector.shape_cast %reduce_sum3A_133 : vector<128xf32> to vector<128x1xf32>
    %sqrt3A_135 = math.sqrt %broadcast_in_dim3A_134 : vector<128x1xf32>
    %add3A_136 = arith.constant 9.99999993E-9 : f32
    %add3A_137 = vector.broadcast %add3A_136 : f32 to vector<128x1xf32>
    %add3A_138 = arith.addf %sqrt3A_135, %add3A_137 : vector<128x1xf32>
    %div3A_139 = vector.broadcast %add3A_138 : vector<128x1xf32> to vector<128x64xf32>
    %div3A_140 = arith.divf %get3A_21, %div3A_139 : vector<128x64xf32>
    %mul3A_141 = arith.mulf %squeeze3A, %div3A_140 : vector<128x64xf32>
    %reduce_sum3A_142 = arith.constant dense<0.000000e+00> : vector<128xf32>
    %reduce_sum3A_143 = vector.multi_reduction <add>, %mul3A_141, %reduce_sum3A_142 [1] : vector<128x64xf32> to vector<128xf32>
    %broadcast_in_dim3A_144 = vector.shape_cast %reduce_sum3A_143 : vector<128xf32> to vector<128x1xf32>
    %mul3A_145 = vector.broadcast %broadcast_in_dim3A_144 : vector<128x1xf32> to vector<128x64xf32>
    %mul3A_146 = arith.mulf %mul3A_145, %div3A_140 : vector<128x64xf32>
    %sub3A_147 = arith.subf %squeeze3A, %mul3A_146 : vector<128x64xf32>
    %broadcast_in_dim3A_148 = vector.shape_cast %lt3A_100 : vector<128x1xi1> to vector<128x1xi1>
    %broadcast_in_dim3A_149 = vector.broadcast %broadcast_in_dim3A_148 : vector<128x1xi1> to vector<128x64xi1>
    %select_n3A_150 = arith.select %broadcast_in_dim3A_149, %sub3A_147, %squeeze3A_102 : vector<128x64xi1>, vector<128x64xf32>
    %broadcast_in_dim3A_151 = vector.shape_cast %lt3A_6 : vector<128x1xi1> to vector<128x1xi1>
    %broadcast_in_dim3A_152 = vector.broadcast %broadcast_in_dim3A_151 : vector<128x1xi1> to vector<128x64xi1>
    %select_n3A_153 = arith.select %broadcast_in_dim3A_152, %select_n3A_130, %select_n3A_150 : vector<128x64xi1>, vector<128x64xf32>
    %mul3A_154 = arith.mulf %select_n3A_127, %select_n3A_153 : vector<128x64xf32>
    %reduce_sum3A_155 = arith.constant dense<0.000000e+00> : vector<128xf32>
    %reduce_sum3A_156 = vector.multi_reduction <add>, %mul3A_154, %reduce_sum3A_155 [1] : vector<128x64xf32> to vector<128xf32>
    %broadcast_in_dim3A_157 = vector.shape_cast %reduce_sum3A_156 : vector<128xf32> to vector<128x1xf32>
    %neg3A_158 = arith.constant 0.000000e+00 : f32
    %neg3A_159 = vector.broadcast %neg3A_158 : f32 to vector<128x1xf32>
    %neg3A_160 = arith.subf %neg3A_159, %broadcast_in_dim3A_157 : vector<128x1xf32>
    %neg3A_161 = arith.constant 0.000000e+00 : f32
    %neg3A_162 = vector.broadcast %neg3A_161 : f32 to vector<128x1xf32>
    %neg3A_163 = arith.subf %neg3A_162, %neg3A_160 : vector<128x1xf32>
    %custom_jvp_call3A_164 = arith.constant 0.000000e+00 : f32
    %max3A_165 = vector.broadcast %custom_jvp_call3A_164 : f32 to vector<128x1xf32>
    %max3A_166 = arith.maximumf %neg3A_163, %max3A_165 : vector<128x1xf32>
    %sub3A_167 = vector.broadcast %custom_jvp_call3A_164 : f32 to vector<128x1xf32>
    %sub3A_168 = arith.subf %neg3A_163, %sub3A_167 : vector<128x1xf32>
    %ne3A_169 = arith.cmpf one, %sub3A_168, %sub3A_168 : vector<128x1xf32>
    %add3A_170 = vector.broadcast %custom_jvp_call3A_164 : f32 to vector<128x1xf32>
    %add3A_171 = arith.addf %neg3A_163, %add3A_170 : vector<128x1xf32>
    %abs3A_172 = math.absf %sub3A_168 : vector<128x1xf32>
    %neg3A_173 = arith.constant 0.000000e+00 : f32
    %neg3A_174 = vector.broadcast %neg3A_173 : f32 to vector<128x1xf32>
    %neg3A_175 = arith.subf %neg3A_174, %abs3A_172 : vector<128x1xf32>
    %exp3A_176 = math.exp %neg3A_175 : vector<128x1xf32>
    %log1p3A_177 = math.log1p %exp3A_176 : vector<128x1xf32>
    %add3A_178 = arith.addf %max3A_166, %log1p3A_177 : vector<128x1xf32>
    %select_n3A_179 = arith.select %ne3A_169, %add3A_171, %add3A_178 : vector<128x1xi1>, vector<128x1xf32>
    %neg3A_180 = arith.constant 0.000000e+00 : f32
    %neg3A_181 = vector.broadcast %neg3A_180 : f32 to vector<128x1xf32>
    %neg3A_182 = arith.subf %neg3A_181, %select_n3A_179 : vector<128x1xf32>
    %add3A_183 = arith.addf %neg3A_87, %neg3A_182 : vector<128x1xf32>
    %get3A_184 = arith.constant 0 : index
    %get3A_185 = arith.constant 1 : index
    %get3A_186 = vector.load %arg3[%get3A_184, %get3A_185] : memref<128x128xi32, #tpu.memory_space<vmem>>, vector<128x1xi32>
    %lt3A_187 = arith.constant 100000 : i32
    %lt3A_188 = vector.broadcast %lt3A_187 : i32 to vector<128x1xi32>
    %lt3A_189 = arith.cmpi slt, %get3A_186, %lt3A_188 : vector<128x1xi32>
    %slice3A_190 = vector.extract_strided_slice %reshape3A {offsets = [0, 1, 0], sizes = [128, 1, 64], strides = [1, 1, 1]} : vector<128x10x64xf32> to vector<128x1x64xf32>
    %squeeze3A_191 = vector.shape_cast %slice3A_190 : vector<128x1x64xf32> to vector<128x64xf32>
    %slice3A_192 = vector.extract_strided_slice %reshape3A_94 {offsets = [0, 1, 0], sizes = [128, 1, 64], strides = [1, 1, 1]} : vector<128x10x128xf32> to vector<128x1x64xf32>
    %squeeze3A_193 = vector.shape_cast %slice3A_192 : vector<128x1x64xf32> to vector<128x64xf32>
    %slice3A_194 = vector.extract_strided_slice %reshape3A_94 {offsets = [0, 1, 64], sizes = [128, 1, 64], strides = [1, 1, 1]} : vector<128x10x128xf32> to vector<128x1x64xf32>
    %squeeze3A_195 = vector.shape_cast %slice3A_194 : vector<128x1x64xf32> to vector<128x64xf32>
    %mul3A_196 = arith.mulf %squeeze3A_195, %squeeze3A_195 : vector<128x64xf32>
    %reduce_sum3A_197 = arith.constant dense<0.000000e+00> : vector<128xf32>
    %reduce_sum3A_198 = vector.multi_reduction <add>, %mul3A_196, %reduce_sum3A_197 [1] : vector<128x64xf32> to vector<128xf32>
    %broadcast_in_dim3A_199 = vector.shape_cast %reduce_sum3A_198 : vector<128xf32> to vector<128x1xf32>
    %sqrt3A_200 = math.sqrt %broadcast_in_dim3A_199 : vector<128x1xf32>
    %add3A_201 = arith.constant 9.99999993E-9 : f32
    %add3A_202 = vector.broadcast %add3A_201 : f32 to vector<128x1xf32>
    %add3A_203 = arith.addf %sqrt3A_200, %add3A_202 : vector<128x1xf32>
    %div3A_204 = vector.broadcast %add3A_203 : vector<128x1xf32> to vector<128x64xf32>
    %div3A_205 = arith.divf %squeeze3A_195, %div3A_204 : vector<128x64xf32>
    %mul3A_206 = arith.mulf %get3A_12, %div3A_205 : vector<128x64xf32>
    %reduce_sum3A_207 = arith.constant dense<0.000000e+00> : vector<128xf32>
    %reduce_sum3A_208 = vector.multi_reduction <add>, %mul3A_206, %reduce_sum3A_207 [1] : vector<128x64xf32> to vector<128xf32>
    %broadcast_in_dim3A_209 = vector.shape_cast %reduce_sum3A_208 : vector<128xf32> to vector<128x1xf32>
    %mul3A_210 = vector.broadcast %broadcast_in_dim3A_209 : vector<128x1xf32> to vector<128x64xf32>
    %mul3A_211 = arith.mulf %mul3A_210, %div3A_205 : vector<128x64xf32>
    %sub3A_212 = arith.subf %get3A_12, %mul3A_211 : vector<128x64xf32>
    %broadcast_in_dim3A_213 = vector.shape_cast %lt3A_189 : vector<128x1xi1> to vector<128x1xi1>
    %broadcast_in_dim3A_214 = vector.broadcast %broadcast_in_dim3A_213 : vector<128x1xi1> to vector<128x64xi1>
    %select_n3A_215 = arith.select %broadcast_in_dim3A_214, %get3A_12, %sub3A_212 : vector<128x64xi1>, vector<128x64xf32>
    %broadcast_in_dim3A_216 = vector.shape_cast %lt3A_6 : vector<128x1xi1> to vector<128x1xi1>
    %broadcast_in_dim3A_217 = vector.broadcast %broadcast_in_dim3A_216 : vector<128x1xi1> to vector<128x64xi1>
    %select_n3A_218 = arith.select %broadcast_in_dim3A_217, %select_n3A_215, %get3A_18 : vector<128x64xi1>, vector<128x64xf32>
    %broadcast_in_dim3A_219 = vector.shape_cast %lt3A_189 : vector<128x1xi1> to vector<128x1xi1>
    %broadcast_in_dim3A_220 = vector.broadcast %broadcast_in_dim3A_219 : vector<128x1xi1> to vector<128x64xi1>
    %select_n3A_221 = arith.select %broadcast_in_dim3A_220, %squeeze3A_191, %squeeze3A_193 : vector<128x64xi1>, vector<128x64xf32>
    %mul3A_222 = arith.mulf %get3A_21, %get3A_21 : vector<128x64xf32>
    %reduce_sum3A_223 = arith.constant dense<0.000000e+00> : vector<128xf32>
    %reduce_sum3A_224 = vector.multi_reduction <add>, %mul3A_222, %reduce_sum3A_223 [1] : vector<128x64xf32> to vector<128xf32>
    %broadcast_in_dim3A_225 = vector.shape_cast %reduce_sum3A_224 : vector<128xf32> to vector<128x1xf32>
    %sqrt3A_226 = math.sqrt %broadcast_in_dim3A_225 : vector<128x1xf32>
    %add3A_227 = arith.constant 9.99999993E-9 : f32
    %add3A_228 = vector.broadcast %add3A_227 : f32 to vector<128x1xf32>
    %add3A_229 = arith.addf %sqrt3A_226, %add3A_228 : vector<128x1xf32>
    %div3A_230 = vector.broadcast %add3A_229 : vector<128x1xf32> to vector<128x64xf32>
    %div3A_231 = arith.divf %get3A_21, %div3A_230 : vector<128x64xf32>
    %mul3A_232 = arith.mulf %squeeze3A_191, %div3A_231 : vector<128x64xf32>
    %reduce_sum3A_233 = arith.constant dense<0.000000e+00> : vector<128xf32>
    %reduce_sum3A_234 = vector.multi_reduction <add>, %mul3A_232, %reduce_sum3A_233 [1] : vector<128x64xf32> to vector<128xf32>
    %broadcast_in_dim3A_235 = vector.shape_cast %reduce_sum3A_234 : vector<128xf32> to vector<128x1xf32>
    %mul3A_236 = vector.broadcast %broadcast_in_dim3A_235 : vector<128x1xf32> to vector<128x64xf32>
    %mul3A_237 = arith.mulf %mul3A_236, %div3A_231 : vector<128x64xf32>
    %sub3A_238 = arith.subf %squeeze3A_191, %mul3A_237 : vector<128x64xf32>
    %broadcast_in_dim3A_239 = vector.shape_cast %lt3A_189 : vector<128x1xi1> to vector<128x1xi1>
    %broadcast_in_dim3A_240 = vector.broadcast %broadcast_in_dim3A_239 : vector<128x1xi1> to vector<128x64xi1>
    %select_n3A_241 = arith.select %broadcast_in_dim3A_240, %sub3A_238, %squeeze3A_193 : vector<128x64xi1>, vector<128x64xf32>
    %broadcast_in_dim3A_242 = vector.shape_cast %lt3A_6 : vector<128x1xi1> to vector<128x1xi1>
    %broadcast_in_dim3A_243 = vector.broadcast %broadcast_in_dim3A_242 : vector<128x1xi1> to vector<128x64xi1>
    %select_n3A_244 = arith.select %broadcast_in_dim3A_243, %select_n3A_221, %select_n3A_241 : vector<128x64xi1>, vector<128x64xf32>
    %mul3A_245 = arith.mulf %select_n3A_218, %select_n3A_244 : vector<128x64xf32>
    %reduce_sum3A_246 = arith.constant dense<0.000000e+00> : vector<128xf32>
    %reduce_sum3A_247 = vector.multi_reduction <add>, %mul3A_245, %reduce_sum3A_246 [1] : vector<128x64xf32> to vector<128xf32>
    %broadcast_in_dim3A_248 = vector.shape_cast %reduce_sum3A_247 : vector<128xf32> to vector<128x1xf32>
    %neg3A_249 = arith.constant 0.000000e+00 : f32
    %neg3A_250 = vector.broadcast %neg3A_249 : f32 to vector<128x1xf32>
    %neg3A_251 = arith.subf %neg3A_250, %broadcast_in_dim3A_248 : vector<128x1xf32>
    %neg3A_252 = arith.constant 0.000000e+00 : f32
    %neg3A_253 = vector.broadcast %neg3A_252 : f32 to vector<128x1xf32>
    %neg3A_254 = arith.subf %neg3A_253, %neg3A_251 : vector<128x1xf32>
    %custom_jvp_call3A_255 = arith.constant 0.000000e+00 : f32
    %max3A_256 = vector.broadcast %custom_jvp_call3A_255 : f32 to vector<128x1xf32>
    %max3A_257 = arith.maximumf %neg3A_254, %max3A_256 : vector<128x1xf32>
    %sub3A_258 = vector.broadcast %custom_jvp_call3A_255 : f32 to vector<128x1xf32>
    %sub3A_259 = arith.subf %neg3A_254, %sub3A_258 : vector<128x1xf32>
    %ne3A_260 = arith.cmpf one, %sub3A_259, %sub3A_259 : vector<128x1xf32>
    %add3A_261 = vector.broadcast %custom_jvp_call3A_255 : f32 to vector<128x1xf32>
    %add3A_262 = arith.addf %neg3A_254, %add3A_261 : vector<128x1xf32>
    %abs3A_263 = math.absf %sub3A_259 : vector<128x1xf32>
    %neg3A_264 = arith.constant 0.000000e+00 : f32
    %neg3A_265 = vector.broadcast %neg3A_264 : f32 to vector<128x1xf32>
    %neg3A_266 = arith.subf %neg3A_265, %abs3A_263 : vector<128x1xf32>
    %exp3A_267 = math.exp %neg3A_266 : vector<128x1xf32>
    %log1p3A_268 = math.log1p %exp3A_267 : vector<128x1xf32>
    %add3A_269 = arith.addf %max3A_257, %log1p3A_268 : vector<128x1xf32>
    %select_n3A_270 = arith.select %ne3A_260, %add3A_262, %add3A_269 : vector<128x1xi1>, vector<128x1xf32>
    %neg3A_271 = arith.constant 0.000000e+00 : f32
    %neg3A_272 = vector.broadcast %neg3A_271 : f32 to vector<128x1xf32>
    %neg3A_273 = arith.subf %neg3A_272, %select_n3A_270 : vector<128x1xf32>
    %add3A_274 = arith.addf %add3A_183, %neg3A_273 : vector<128x1xf32>
    %get3A_275 = arith.constant 0 : index
    %get3A_276 = arith.constant 2 : index
    %get3A_277 = vector.load %arg3[%get3A_275, %get3A_276] : memref<128x128xi32, #tpu.memory_space<vmem>>, vector<128x1xi32>
    %lt3A_278 = arith.constant 100000 : i32
    %lt3A_279 = vector.broadcast %lt3A_278 : i32 to vector<128x1xi32>
    %lt3A_280 = arith.cmpi slt, %get3A_277, %lt3A_279 : vector<128x1xi32>
    %slice3A_281 = vector.extract_strided_slice %reshape3A {offsets = [0, 2, 0], sizes = [128, 1, 64], strides = [1, 1, 1]} : vector<128x10x64xf32> to vector<128x1x64xf32>
    %squeeze3A_282 = vector.shape_cast %slice3A_281 : vector<128x1x64xf32> to vector<128x64xf32>
    %slice3A_283 = vector.extract_strided_slice %reshape3A_94 {offsets = [0, 2, 0], sizes = [128, 1, 64], strides = [1, 1, 1]} : vector<128x10x128xf32> to vector<128x1x64xf32>
    %squeeze3A_284 = vector.shape_cast %slice3A_283 : vector<128x1x64xf32> to vector<128x64xf32>
    %slice3A_285 = vector.extract_strided_slice %reshape3A_94 {offsets = [0, 2, 64], sizes = [128, 1, 64], strides = [1, 1, 1]} : vector<128x10x128xf32> to vector<128x1x64xf32>
    %squeeze3A_286 = vector.shape_cast %slice3A_285 : vector<128x1x64xf32> to vector<128x64xf32>
    %mul3A_287 = arith.mulf %squeeze3A_286, %squeeze3A_286 : vector<128x64xf32>
    %reduce_sum3A_288 = arith.constant dense<0.000000e+00> : vector<128xf32>
    %reduce_sum3A_289 = vector.multi_reduction <add>, %mul3A_287, %reduce_sum3A_288 [1] : vector<128x64xf32> to vector<128xf32>
    %broadcast_in_dim3A_290 = vector.shape_cast %reduce_sum3A_289 : vector<128xf32> to vector<128x1xf32>
    %sqrt3A_291 = math.sqrt %broadcast_in_dim3A_290 : vector<128x1xf32>
    %add3A_292 = arith.constant 9.99999993E-9 : f32
    %add3A_293 = vector.broadcast %add3A_292 : f32 to vector<128x1xf32>
    %add3A_294 = arith.addf %sqrt3A_291, %add3A_293 : vector<128x1xf32>
    %div3A_295 = vector.broadcast %add3A_294 : vector<128x1xf32> to vector<128x64xf32>
    %div3A_296 = arith.divf %squeeze3A_286, %div3A_295 : vector<128x64xf32>
    %mul3A_297 = arith.mulf %get3A_12, %div3A_296 : vector<128x64xf32>
    %reduce_sum3A_298 = arith.constant dense<0.000000e+00> : vector<128xf32>
    %reduce_sum3A_299 = vector.multi_reduction <add>, %mul3A_297, %reduce_sum3A_298 [1] : vector<128x64xf32> to vector<128xf32>
    %broadcast_in_dim3A_300 = vector.shape_cast %reduce_sum3A_299 : vector<128xf32> to vector<128x1xf32>
    %mul3A_301 = vector.broadcast %broadcast_in_dim3A_300 : vector<128x1xf32> to vector<128x64xf32>
    %mul3A_302 = arith.mulf %mul3A_301, %div3A_296 : vector<128x64xf32>
    %sub3A_303 = arith.subf %get3A_12, %mul3A_302 : vector<128x64xf32>
    %broadcast_in_dim3A_304 = vector.shape_cast %lt3A_280 : vector<128x1xi1> to vector<128x1xi1>
    %broadcast_in_dim3A_305 = vector.broadcast %broadcast_in_dim3A_304 : vector<128x1xi1> to vector<128x64xi1>
    %select_n3A_306 = arith.select %broadcast_in_dim3A_305, %get3A_12, %sub3A_303 : vector<128x64xi1>, vector<128x64xf32>
    %broadcast_in_dim3A_307 = vector.shape_cast %lt3A_6 : vector<128x1xi1> to vector<128x1xi1>
    %broadcast_in_dim3A_308 = vector.broadcast %broadcast_in_dim3A_307 : vector<128x1xi1> to vector<128x64xi1>
    %select_n3A_309 = arith.select %broadcast_in_dim3A_308, %select_n3A_306, %get3A_18 : vector<128x64xi1>, vector<128x64xf32>
    %broadcast_in_dim3A_310 = vector.shape_cast %lt3A_280 : vector<128x1xi1> to vector<128x1xi1>
    %broadcast_in_dim3A_311 = vector.broadcast %broadcast_in_dim3A_310 : vector<128x1xi1> to vector<128x64xi1>
    %select_n3A_312 = arith.select %broadcast_in_dim3A_311, %squeeze3A_282, %squeeze3A_284 : vector<128x64xi1>, vector<128x64xf32>
    %mul3A_313 = arith.mulf %get3A_21, %get3A_21 : vector<128x64xf32>
    %reduce_sum3A_314 = arith.constant dense<0.000000e+00> : vector<128xf32>
    %reduce_sum3A_315 = vector.multi_reduction <add>, %mul3A_313, %reduce_sum3A_314 [1] : vector<128x64xf32> to vector<128xf32>
    %broadcast_in_dim3A_316 = vector.shape_cast %reduce_sum3A_315 : vector<128xf32> to vector<128x1xf32>
    %sqrt3A_317 = math.sqrt %broadcast_in_dim3A_316 : vector<128x1xf32>
    %add3A_318 = arith.constant 9.99999993E-9 : f32
    %add3A_319 = vector.broadcast %add3A_318 : f32 to vector<128x1xf32>
    %add3A_320 = arith.addf %sqrt3A_317, %add3A_319 : vector<128x1xf32>
    %div3A_321 = vector.broadcast %add3A_320 : vector<128x1xf32> to vector<128x64xf32>
    %div3A_322 = arith.divf %get3A_21, %div3A_321 : vector<128x64xf32>
    %mul3A_323 = arith.mulf %squeeze3A_282, %div3A_322 : vector<128x64xf32>
    %reduce_sum3A_324 = arith.constant dense<0.000000e+00> : vector<128xf32>
    %reduce_sum3A_325 = vector.multi_reduction <add>, %mul3A_323, %reduce_sum3A_324 [1] : vector<128x64xf32> to vector<128xf32>
    %broadcast_in_dim3A_326 = vector.shape_cast %reduce_sum3A_325 : vector<128xf32> to vector<128x1xf32>
    %mul3A_327 = vector.broadcast %broadcast_in_dim3A_326 : vector<128x1xf32> to vector<128x64xf32>
    %mul3A_328 = arith.mulf %mul3A_327, %div3A_322 : vector<128x64xf32>
    %sub3A_329 = arith.subf %squeeze3A_282, %mul3A_328 : vector<128x64xf32>
    %broadcast_in_dim3A_330 = vector.shape_cast %lt3A_280 : vector<128x1xi1> to vector<128x1xi1>
    %broadcast_in_dim3A_331 = vector.broadcast %broadcast_in_dim3A_330 : vector<128x1xi1> to vector<128x64xi1>
    %select_n3A_332 = arith.select %broadcast_in_dim3A_331, %sub3A_329, %squeeze3A_284 : vector<128x64xi1>, vector<128x64xf32>
    %broadcast_in_dim3A_333 = vector.shape_cast %lt3A_6 : vector<128x1xi1> to vector<128x1xi1>
    %broadcast_in_dim3A_334 = vector.broadcast %broadcast_in_dim3A_333 : vector<128x1xi1> to vector<128x64xi1>
    %select_n3A_335 = arith.select %broadcast_in_dim3A_334, %select_n3A_312, %select_n3A_332 : vector<128x64xi1>, vector<128x64xf32>
    %mul3A_336 = arith.mulf %select_n3A_309, %select_n3A_335 : vector<128x64xf32>
    %reduce_sum3A_337 = arith.constant dense<0.000000e+00> : vector<128xf32>
    %reduce_sum3A_338 = vector.multi_reduction <add>, %mul3A_336, %reduce_sum3A_337 [1] : vector<128x64xf32> to vector<128xf32>
    %broadcast_in_dim3A_339 = vector.shape_cast %reduce_sum3A_338 : vector<128xf32> to vector<128x1xf32>
    %neg3A_340 = arith.constant 0.000000e+00 : f32
    %neg3A_341 = vector.broadcast %neg3A_340 : f32 to vector<128x1xf32>
    %neg3A_342 = arith.subf %neg3A_341, %broadcast_in_dim3A_339 : vector<128x1xf32>
    %neg3A_343 = arith.constant 0.000000e+00 : f32
    %neg3A_344 = vector.broadcast %neg3A_343 : f32 to vector<128x1xf32>
    %neg3A_345 = arith.subf %neg3A_344, %neg3A_342 : vector<128x1xf32>
    %custom_jvp_call3A_346 = arith.constant 0.000000e+00 : f32
    %max3A_347 = vector.broadcast %custom_jvp_call3A_346 : f32 to vector<128x1xf32>
    %max3A_348 = arith.maximumf %neg3A_345, %max3A_347 : vector<128x1xf32>
    %sub3A_349 = vector.broadcast %custom_jvp_call3A_346 : f32 to vector<128x1xf32>
    %sub3A_350 = arith.subf %neg3A_345, %sub3A_349 : vector<128x1xf32>
    %ne3A_351 = arith.cmpf one, %sub3A_350, %sub3A_350 : vector<128x1xf32>
    %add3A_352 = vector.broadcast %custom_jvp_call3A_346 : f32 to vector<128x1xf32>
    %add3A_353 = arith.addf %neg3A_345, %add3A_352 : vector<128x1xf32>
    %abs3A_354 = math.absf %sub3A_350 : vector<128x1xf32>
    %neg3A_355 = arith.constant 0.000000e+00 : f32
    %neg3A_356 = vector.broadcast %neg3A_355 : f32 to vector<128x1xf32>
    %neg3A_357 = arith.subf %neg3A_356, %abs3A_354 : vector<128x1xf32>
    %exp3A_358 = math.exp %neg3A_357 : vector<128x1xf32>
    %log1p3A_359 = math.log1p %exp3A_358 : vector<128x1xf32>
    %add3A_360 = arith.addf %max3A_348, %log1p3A_359 : vector<128x1xf32>
    %select_n3A_361 = arith.select %ne3A_351, %add3A_353, %add3A_360 : vector<128x1xi1>, vector<128x1xf32>
    %neg3A_362 = arith.constant 0.000000e+00 : f32
    %neg3A_363 = vector.broadcast %neg3A_362 : f32 to vector<128x1xf32>
    %neg3A_364 = arith.subf %neg3A_363, %select_n3A_361 : vector<128x1xf32>
    %add3A_365 = arith.addf %add3A_274, %neg3A_364 : vector<128x1xf32>
    %get3A_366 = arith.constant 0 : index
    %get3A_367 = arith.constant 3 : index
    %get3A_368 = vector.load %arg3[%get3A_366, %get3A_367] : memref<128x128xi32, #tpu.memory_space<vmem>>, vector<128x1xi32>
    %lt3A_369 = arith.constant 100000 : i32
    %lt3A_370 = vector.broadcast %lt3A_369 : i32 to vector<128x1xi32>
    %lt3A_371 = arith.cmpi slt, %get3A_368, %lt3A_370 : vector<128x1xi32>
    %slice3A_372 = vector.extract_strided_slice %reshape3A {offsets = [0, 3, 0], sizes = [128, 1, 64], strides = [1, 1, 1]} : vector<128x10x64xf32> to vector<128x1x64xf32>
    %squeeze3A_373 = vector.shape_cast %slice3A_372 : vector<128x1x64xf32> to vector<128x64xf32>
    %slice3A_374 = vector.extract_strided_slice %reshape3A_94 {offsets = [0, 3, 0], sizes = [128, 1, 64], strides = [1, 1, 1]} : vector<128x10x128xf32> to vector<128x1x64xf32>
    %squeeze3A_375 = vector.shape_cast %slice3A_374 : vector<128x1x64xf32> to vector<128x64xf32>
    %slice3A_376 = vector.extract_strided_slice %reshape3A_94 {offsets = [0, 3, 64], sizes = [128, 1, 64], strides = [1, 1, 1]} : vector<128x10x128xf32> to vector<128x1x64xf32>
    %squeeze3A_377 = vector.shape_cast %slice3A_376 : vector<128x1x64xf32> to vector<128x64xf32>
    %mul3A_378 = arith.mulf %squeeze3A_377, %squeeze3A_377 : vector<128x64xf32>
    %reduce_sum3A_379 = arith.constant dense<0.000000e+00> : vector<128xf32>
    %reduce_sum3A_380 = vector.multi_reduction <add>, %mul3A_378, %reduce_sum3A_379 [1] : vector<128x64xf32> to vector<128xf32>
    %broadcast_in_dim3A_381 = vector.shape_cast %reduce_sum3A_380 : vector<128xf32> to vector<128x1xf32>
    %sqrt3A_382 = math.sqrt %broadcast_in_dim3A_381 : vector<128x1xf32>
    %add3A_383 = arith.constant 9.99999993E-9 : f32
    %add3A_384 = vector.broadcast %add3A_383 : f32 to vector<128x1xf32>
    %add3A_385 = arith.addf %sqrt3A_382, %add3A_384 : vector<128x1xf32>
    %div3A_386 = vector.broadcast %add3A_385 : vector<128x1xf32> to vector<128x64xf32>
    %div3A_387 = arith.divf %squeeze3A_377, %div3A_386 : vector<128x64xf32>
    %mul3A_388 = arith.mulf %get3A_12, %div3A_387 : vector<128x64xf32>
    %reduce_sum3A_389 = arith.constant dense<0.000000e+00> : vector<128xf32>
    %reduce_sum3A_390 = vector.multi_reduction <add>, %mul3A_388, %reduce_sum3A_389 [1] : vector<128x64xf32> to vector<128xf32>
    %broadcast_in_dim3A_391 = vector.shape_cast %reduce_sum3A_390 : vector<128xf32> to vector<128x1xf32>
    %mul3A_392 = vector.broadcast %broadcast_in_dim3A_391 : vector<128x1xf32> to vector<128x64xf32>
    %mul3A_393 = arith.mulf %mul3A_392, %div3A_387 : vector<128x64xf32>
    %sub3A_394 = arith.subf %get3A_12, %mul3A_393 : vector<128x64xf32>
    %broadcast_in_dim3A_395 = vector.shape_cast %lt3A_371 : vector<128x1xi1> to vector<128x1xi1>
    %broadcast_in_dim3A_396 = vector.broadcast %broadcast_in_dim3A_395 : vector<128x1xi1> to vector<128x64xi1>
    %select_n3A_397 = arith.select %broadcast_in_dim3A_396, %get3A_12, %sub3A_394 : vector<128x64xi1>, vector<128x64xf32>
    %broadcast_in_dim3A_398 = vector.shape_cast %lt3A_6 : vector<128x1xi1> to vector<128x1xi1>
    %broadcast_in_dim3A_399 = vector.broadcast %broadcast_in_dim3A_398 : vector<128x1xi1> to vector<128x64xi1>
    %select_n3A_400 = arith.select %broadcast_in_dim3A_399, %select_n3A_397, %get3A_18 : vector<128x64xi1>, vector<128x64xf32>
    %broadcast_in_dim3A_401 = vector.shape_cast %lt3A_371 : vector<128x1xi1> to vector<128x1xi1>
    %broadcast_in_dim3A_402 = vector.broadcast %broadcast_in_dim3A_401 : vector<128x1xi1> to vector<128x64xi1>
    %select_n3A_403 = arith.select %broadcast_in_dim3A_402, %squeeze3A_373, %squeeze3A_375 : vector<128x64xi1>, vector<128x64xf32>
    %mul3A_404 = arith.mulf %get3A_21, %get3A_21 : vector<128x64xf32>
    %reduce_sum3A_405 = arith.constant dense<0.000000e+00> : vector<128xf32>
    %reduce_sum3A_406 = vector.multi_reduction <add>, %mul3A_404, %reduce_sum3A_405 [1] : vector<128x64xf32> to vector<128xf32>
    %broadcast_in_dim3A_407 = vector.shape_cast %reduce_sum3A_406 : vector<128xf32> to vector<128x1xf32>
    %sqrt3A_408 = math.sqrt %broadcast_in_dim3A_407 : vector<128x1xf32>
    %add3A_409 = arith.constant 9.99999993E-9 : f32
    %add3A_410 = vector.broadcast %add3A_409 : f32 to vector<128x1xf32>
    %add3A_411 = arith.addf %sqrt3A_408, %add3A_410 : vector<128x1xf32>
    %div3A_412 = vector.broadcast %add3A_411 : vector<128x1xf32> to vector<128x64xf32>
    %div3A_413 = arith.divf %get3A_21, %div3A_412 : vector<128x64xf32>
    %mul3A_414 = arith.mulf %squeeze3A_373, %div3A_413 : vector<128x64xf32>
    %reduce_sum3A_415 = arith.constant dense<0.000000e+00> : vector<128xf32>
    %reduce_sum3A_416 = vector.multi_reduction <add>, %mul3A_414, %reduce_sum3A_415 [1] : vector<128x64xf32> to vector<128xf32>
    %broadcast_in_dim3A_417 = vector.shape_cast %reduce_sum3A_416 : vector<128xf32> to vector<128x1xf32>
    %mul3A_418 = vector.broadcast %broadcast_in_dim3A_417 : vector<128x1xf32> to vector<128x64xf32>
    %mul3A_419 = arith.mulf %mul3A_418, %div3A_413 : vector<128x64xf32>
    %sub3A_420 = arith.subf %squeeze3A_373, %mul3A_419 : vector<128x64xf32>
    %broadcast_in_dim3A_421 = vector.shape_cast %lt3A_371 : vector<128x1xi1> to vector<128x1xi1>
    %broadcast_in_dim3A_422 = vector.broadcast %broadcast_in_dim3A_421 : vector<128x1xi1> to vector<128x64xi1>
    %select_n3A_423 = arith.select %broadcast_in_dim3A_422, %sub3A_420, %squeeze3A_375 : vector<128x64xi1>, vector<128x64xf32>
    %broadcast_in_dim3A_424 = vector.shape_cast %lt3A_6 : vector<128x1xi1> to vector<128x1xi1>
    %broadcast_in_dim3A_425 = vector.broadcast %broadcast_in_dim3A_424 : vector<128x1xi1> to vector<128x64xi1>
    %select_n3A_426 = arith.select %broadcast_in_dim3A_425, %select_n3A_403, %select_n3A_423 : vector<128x64xi1>, vector<128x64xf32>
    %mul3A_427 = arith.mulf %select_n3A_400, %select_n3A_426 : vector<128x64xf32>
    %reduce_sum3A_428 = arith.constant dense<0.000000e+00> : vector<128xf32>
    %reduce_sum3A_429 = vector.multi_reduction <add>, %mul3A_427, %reduce_sum3A_428 [1] : vector<128x64xf32> to vector<128xf32>
    %broadcast_in_dim3A_430 = vector.shape_cast %reduce_sum3A_429 : vector<128xf32> to vector<128x1xf32>
    %neg3A_431 = arith.constant 0.000000e+00 : f32
    %neg3A_432 = vector.broadcast %neg3A_431 : f32 to vector<128x1xf32>
    %neg3A_433 = arith.subf %neg3A_432, %broadcast_in_dim3A_430 : vector<128x1xf32>
    %neg3A_434 = arith.constant 0.000000e+00 : f32
    %neg3A_435 = vector.broadcast %neg3A_434 : f32 to vector<128x1xf32>
    %neg3A_436 = arith.subf %neg3A_435, %neg3A_433 : vector<128x1xf32>
    %custom_jvp_call3A_437 = arith.constant 0.000000e+00 : f32
    %max3A_438 = vector.broadcast %custom_jvp_call3A_437 : f32 to vector<128x1xf32>
    %max3A_439 = arith.maximumf %neg3A_436, %max3A_438 : vector<128x1xf32>
    %sub3A_440 = vector.broadcast %custom_jvp_call3A_437 : f32 to vector<128x1xf32>
    %sub3A_441 = arith.subf %neg3A_436, %sub3A_440 : vector<128x1xf32>
    %ne3A_442 = arith.cmpf one, %sub3A_441, %sub3A_441 : vector<128x1xf32>
    %add3A_443 = vector.broadcast %custom_jvp_call3A_437 : f32 to vector<128x1xf32>
    %add3A_444 = arith.addf %neg3A_436, %add3A_443 : vector<128x1xf32>
    %abs3A_445 = math.absf %sub3A_441 : vector<128x1xf32>
    %neg3A_446 = arith.constant 0.000000e+00 : f32
    %neg3A_447 = vector.broadcast %neg3A_446 : f32 to vector<128x1xf32>
    %neg3A_448 = arith.subf %neg3A_447, %abs3A_445 : vector<128x1xf32>
    %exp3A_449 = math.exp %neg3A_448 : vector<128x1xf32>
    %log1p3A_450 = math.log1p %exp3A_449 : vector<128x1xf32>
    %add3A_451 = arith.addf %max3A_439, %log1p3A_450 : vector<128x1xf32>
    %select_n3A_452 = arith.select %ne3A_442, %add3A_444, %add3A_451 : vector<128x1xi1>, vector<128x1xf32>
    %neg3A_453 = arith.constant 0.000000e+00 : f32
    %neg3A_454 = vector.broadcast %neg3A_453 : f32 to vector<128x1xf32>
    %neg3A_455 = arith.subf %neg3A_454, %select_n3A_452 : vector<128x1xf32>
    %add3A_456 = arith.addf %add3A_365, %neg3A_455 : vector<128x1xf32>
    %get3A_457 = arith.constant 0 : index
    %get3A_458 = arith.constant 4 : index
    %get3A_459 = vector.load %arg3[%get3A_457, %get3A_458] : memref<128x128xi32, #tpu.memory_space<vmem>>, vector<128x1xi32>
    %lt3A_460 = arith.constant 100000 : i32
    %lt3A_461 = vector.broadcast %lt3A_460 : i32 to vector<128x1xi32>
    %lt3A_462 = arith.cmpi slt, %get3A_459, %lt3A_461 : vector<128x1xi32>
    %slice3A_463 = vector.extract_strided_slice %reshape3A {offsets = [0, 4, 0], sizes = [128, 1, 64], strides = [1, 1, 1]} : vector<128x10x64xf32> to vector<128x1x64xf32>
    %squeeze3A_464 = vector.shape_cast %slice3A_463 : vector<128x1x64xf32> to vector<128x64xf32>
    %slice3A_465 = vector.extract_strided_slice %reshape3A_94 {offsets = [0, 4, 0], sizes = [128, 1, 64], strides = [1, 1, 1]} : vector<128x10x128xf32> to vector<128x1x64xf32>
    %squeeze3A_466 = vector.shape_cast %slice3A_465 : vector<128x1x64xf32> to vector<128x64xf32>
    %slice3A_467 = vector.extract_strided_slice %reshape3A_94 {offsets = [0, 4, 64], sizes = [128, 1, 64], strides = [1, 1, 1]} : vector<128x10x128xf32> to vector<128x1x64xf32>
    %squeeze3A_468 = vector.shape_cast %slice3A_467 : vector<128x1x64xf32> to vector<128x64xf32>
    %mul3A_469 = arith.mulf %squeeze3A_468, %squeeze3A_468 : vector<128x64xf32>
    %reduce_sum3A_470 = arith.constant dense<0.000000e+00> : vector<128xf32>
    %reduce_sum3A_471 = vector.multi_reduction <add>, %mul3A_469, %reduce_sum3A_470 [1] : vector<128x64xf32> to vector<128xf32>
    %broadcast_in_dim3A_472 = vector.shape_cast %reduce_sum3A_471 : vector<128xf32> to vector<128x1xf32>
    %sqrt3A_473 = math.sqrt %broadcast_in_dim3A_472 : vector<128x1xf32>
    %add3A_474 = arith.constant 9.99999993E-9 : f32
    %add3A_475 = vector.broadcast %add3A_474 : f32 to vector<128x1xf32>
    %add3A_476 = arith.addf %sqrt3A_473, %add3A_475 : vector<128x1xf32>
    %div3A_477 = vector.broadcast %add3A_476 : vector<128x1xf32> to vector<128x64xf32>
    %div3A_478 = arith.divf %squeeze3A_468, %div3A_477 : vector<128x64xf32>
    %mul3A_479 = arith.mulf %get3A_12, %div3A_478 : vector<128x64xf32>
    %reduce_sum3A_480 = arith.constant dense<0.000000e+00> : vector<128xf32>
    %reduce_sum3A_481 = vector.multi_reduction <add>, %mul3A_479, %reduce_sum3A_480 [1] : vector<128x64xf32> to vector<128xf32>
    %broadcast_in_dim3A_482 = vector.shape_cast %reduce_sum3A_481 : vector<128xf32> to vector<128x1xf32>
    %mul3A_483 = vector.broadcast %broadcast_in_dim3A_482 : vector<128x1xf32> to vector<128x64xf32>
    %mul3A_484 = arith.mulf %mul3A_483, %div3A_478 : vector<128x64xf32>
    %sub3A_485 = arith.subf %get3A_12, %mul3A_484 : vector<128x64xf32>
    %broadcast_in_dim3A_486 = vector.shape_cast %lt3A_462 : vector<128x1xi1> to vector<128x1xi1>
    %broadcast_in_dim3A_487 = vector.broadcast %broadcast_in_dim3A_486 : vector<128x1xi1> to vector<128x64xi1>
    %select_n3A_488 = arith.select %broadcast_in_dim3A_487, %get3A_12, %sub3A_485 : vector<128x64xi1>, vector<128x64xf32>
    %broadcast_in_dim3A_489 = vector.shape_cast %lt3A_6 : vector<128x1xi1> to vector<128x1xi1>
    %broadcast_in_dim3A_490 = vector.broadcast %broadcast_in_dim3A_489 : vector<128x1xi1> to vector<128x64xi1>
    %select_n3A_491 = arith.select %broadcast_in_dim3A_490, %select_n3A_488, %get3A_18 : vector<128x64xi1>, vector<128x64xf32>
    %broadcast_in_dim3A_492 = vector.shape_cast %lt3A_462 : vector<128x1xi1> to vector<128x1xi1>
    %broadcast_in_dim3A_493 = vector.broadcast %broadcast_in_dim3A_492 : vector<128x1xi1> to vector<128x64xi1>
    %select_n3A_494 = arith.select %broadcast_in_dim3A_493, %squeeze3A_464, %squeeze3A_466 : vector<128x64xi1>, vector<128x64xf32>
    %mul3A_495 = arith.mulf %get3A_21, %get3A_21 : vector<128x64xf32>
    %reduce_sum3A_496 = arith.constant dense<0.000000e+00> : vector<128xf32>
    %reduce_sum3A_497 = vector.multi_reduction <add>, %mul3A_495, %reduce_sum3A_496 [1] : vector<128x64xf32> to vector<128xf32>
    %broadcast_in_dim3A_498 = vector.shape_cast %reduce_sum3A_497 : vector<128xf32> to vector<128x1xf32>
    %sqrt3A_499 = math.sqrt %broadcast_in_dim3A_498 : vector<128x1xf32>
    %add3A_500 = arith.constant 9.99999993E-9 : f32
    %add3A_501 = vector.broadcast %add3A_500 : f32 to vector<128x1xf32>
    %add3A_502 = arith.addf %sqrt3A_499, %add3A_501 : vector<128x1xf32>
    %div3A_503 = vector.broadcast %add3A_502 : vector<128x1xf32> to vector<128x64xf32>
    %div3A_504 = arith.divf %get3A_21, %div3A_503 : vector<128x64xf32>
    %mul3A_505 = arith.mulf %squeeze3A_464, %div3A_504 : vector<128x64xf32>
    %reduce_sum3A_506 = arith.constant dense<0.000000e+00> : vector<128xf32>
    %reduce_sum3A_507 = vector.multi_reduction <add>, %mul3A_505, %reduce_sum3A_506 [1] : vector<128x64xf32> to vector<128xf32>
    %broadcast_in_dim3A_508 = vector.shape_cast %reduce_sum3A_507 : vector<128xf32> to vector<128x1xf32>
    %mul3A_509 = vector.broadcast %broadcast_in_dim3A_508 : vector<128x1xf32> to vector<128x64xf32>
    %mul3A_510 = arith.mulf %mul3A_509, %div3A_504 : vector<128x64xf32>
    %sub3A_511 = arith.subf %squeeze3A_464, %mul3A_510 : vector<128x64xf32>
    %broadcast_in_dim3A_512 = vector.shape_cast %lt3A_462 : vector<128x1xi1> to vector<128x1xi1>
    %broadcast_in_dim3A_513 = vector.broadcast %broadcast_in_dim3A_512 : vector<128x1xi1> to vector<128x64xi1>
    %select_n3A_514 = arith.select %broadcast_in_dim3A_513, %sub3A_511, %squeeze3A_466 : vector<128x64xi1>, vector<128x64xf32>
    %broadcast_in_dim3A_515 = vector.shape_cast %lt3A_6 : vector<128x1xi1> to vector<128x1xi1>
    %broadcast_in_dim3A_516 = vector.broadcast %broadcast_in_dim3A_515 : vector<128x1xi1> to vector<128x64xi1>
    %select_n3A_517 = arith.select %broadcast_in_dim3A_516, %select_n3A_494, %select_n3A_514 : vector<128x64xi1>, vector<128x64xf32>
    %mul3A_518 = arith.mulf %select_n3A_491, %select_n3A_517 : vector<128x64xf32>
    %reduce_sum3A_519 = arith.constant dense<0.000000e+00> : vector<128xf32>
    %reduce_sum3A_520 = vector.multi_reduction <add>, %mul3A_518, %reduce_sum3A_519 [1] : vector<128x64xf32> to vector<128xf32>
    %broadcast_in_dim3A_521 = vector.shape_cast %reduce_sum3A_520 : vector<128xf32> to vector<128x1xf32>
    %neg3A_522 = arith.constant 0.000000e+00 : f32
    %neg3A_523 = vector.broadcast %neg3A_522 : f32 to vector<128x1xf32>
    %neg3A_524 = arith.subf %neg3A_523, %broadcast_in_dim3A_521 : vector<128x1xf32>
    %neg3A_525 = arith.constant 0.000000e+00 : f32
    %neg3A_526 = vector.broadcast %neg3A_525 : f32 to vector<128x1xf32>
    %neg3A_527 = arith.subf %neg3A_526, %neg3A_524 : vector<128x1xf32>
    %custom_jvp_call3A_528 = arith.constant 0.000000e+00 : f32
    %max3A_529 = vector.broadcast %custom_jvp_call3A_528 : f32 to vector<128x1xf32>
    %max3A_530 = arith.maximumf %neg3A_527, %max3A_529 : vector<128x1xf32>
    %sub3A_531 = vector.broadcast %custom_jvp_call3A_528 : f32 to vector<128x1xf32>
    %sub3A_532 = arith.subf %neg3A_527, %sub3A_531 : vector<128x1xf32>
    %ne3A_533 = arith.cmpf one, %sub3A_532, %sub3A_532 : vector<128x1xf32>
    %add3A_534 = vector.broadcast %custom_jvp_call3A_528 : f32 to vector<128x1xf32>
    %add3A_535 = arith.addf %neg3A_527, %add3A_534 : vector<128x1xf32>
    %abs3A_536 = math.absf %sub3A_532 : vector<128x1xf32>
    %neg3A_537 = arith.constant 0.000000e+00 : f32
    %neg3A_538 = vector.broadcast %neg3A_537 : f32 to vector<128x1xf32>
    %neg3A_539 = arith.subf %neg3A_538, %abs3A_536 : vector<128x1xf32>
    %exp3A_540 = math.exp %neg3A_539 : vector<128x1xf32>
    %log1p3A_541 = math.log1p %exp3A_540 : vector<128x1xf32>
    %add3A_542 = arith.addf %max3A_530, %log1p3A_541 : vector<128x1xf32>
    %select_n3A_543 = arith.select %ne3A_533, %add3A_535, %add3A_542 : vector<128x1xi1>, vector<128x1xf32>
    %neg3A_544 = arith.constant 0.000000e+00 : f32
    %neg3A_545 = vector.broadcast %neg3A_544 : f32 to vector<128x1xf32>
    %neg3A_546 = arith.subf %neg3A_545, %select_n3A_543 : vector<128x1xf32>
    %add3A_547 = arith.addf %add3A_456, %neg3A_546 : vector<128x1xf32>
    %get3A_548 = arith.constant 0 : index
    %get3A_549 = arith.constant 5 : index
    %get3A_550 = vector.load %arg3[%get3A_548, %get3A_549] : memref<128x128xi32, #tpu.memory_space<vmem>>, vector<128x1xi32>
    %lt3A_551 = arith.constant 100000 : i32
    %lt3A_552 = vector.broadcast %lt3A_551 : i32 to vector<128x1xi32>
    %lt3A_553 = arith.cmpi slt, %get3A_550, %lt3A_552 : vector<128x1xi32>
    %slice3A_554 = vector.extract_strided_slice %reshape3A {offsets = [0, 5, 0], sizes = [128, 1, 64], strides = [1, 1, 1]} : vector<128x10x64xf32> to vector<128x1x64xf32>
    %squeeze3A_555 = vector.shape_cast %slice3A_554 : vector<128x1x64xf32> to vector<128x64xf32>
    %slice3A_556 = vector.extract_strided_slice %reshape3A_94 {offsets = [0, 5, 0], sizes = [128, 1, 64], strides = [1, 1, 1]} : vector<128x10x128xf32> to vector<128x1x64xf32>
    %squeeze3A_557 = vector.shape_cast %slice3A_556 : vector<128x1x64xf32> to vector<128x64xf32>
    %slice3A_558 = vector.extract_strided_slice %reshape3A_94 {offsets = [0, 5, 64], sizes = [128, 1, 64], strides = [1, 1, 1]} : vector<128x10x128xf32> to vector<128x1x64xf32>
    %squeeze3A_559 = vector.shape_cast %slice3A_558 : vector<128x1x64xf32> to vector<128x64xf32>
    %mul3A_560 = arith.mulf %squeeze3A_559, %squeeze3A_559 : vector<128x64xf32>
    %reduce_sum3A_561 = arith.constant dense<0.000000e+00> : vector<128xf32>
    %reduce_sum3A_562 = vector.multi_reduction <add>, %mul3A_560, %reduce_sum3A_561 [1] : vector<128x64xf32> to vector<128xf32>
    %broadcast_in_dim3A_563 = vector.shape_cast %reduce_sum3A_562 : vector<128xf32> to vector<128x1xf32>
    %sqrt3A_564 = math.sqrt %broadcast_in_dim3A_563 : vector<128x1xf32>
    %add3A_565 = arith.constant 9.99999993E-9 : f32
    %add3A_566 = vector.broadcast %add3A_565 : f32 to vector<128x1xf32>
    %add3A_567 = arith.addf %sqrt3A_564, %add3A_566 : vector<128x1xf32>
    %div3A_568 = vector.broadcast %add3A_567 : vector<128x1xf32> to vector<128x64xf32>
    %div3A_569 = arith.divf %squeeze3A_559, %div3A_568 : vector<128x64xf32>
    %mul3A_570 = arith.mulf %get3A_12, %div3A_569 : vector<128x64xf32>
    %reduce_sum3A_571 = arith.constant dense<0.000000e+00> : vector<128xf32>
    %reduce_sum3A_572 = vector.multi_reduction <add>, %mul3A_570, %reduce_sum3A_571 [1] : vector<128x64xf32> to vector<128xf32>
    %broadcast_in_dim3A_573 = vector.shape_cast %reduce_sum3A_572 : vector<128xf32> to vector<128x1xf32>
    %mul3A_574 = vector.broadcast %broadcast_in_dim3A_573 : vector<128x1xf32> to vector<128x64xf32>
    %mul3A_575 = arith.mulf %mul3A_574, %div3A_569 : vector<128x64xf32>
    %sub3A_576 = arith.subf %get3A_12, %mul3A_575 : vector<128x64xf32>
    %broadcast_in_dim3A_577 = vector.shape_cast %lt3A_553 : vector<128x1xi1> to vector<128x1xi1>
    %broadcast_in_dim3A_578 = vector.broadcast %broadcast_in_dim3A_577 : vector<128x1xi1> to vector<128x64xi1>
    %select_n3A_579 = arith.select %broadcast_in_dim3A_578, %get3A_12, %sub3A_576 : vector<128x64xi1>, vector<128x64xf32>
    %broadcast_in_dim3A_580 = vector.shape_cast %lt3A_6 : vector<128x1xi1> to vector<128x1xi1>
    %broadcast_in_dim3A_581 = vector.broadcast %broadcast_in_dim3A_580 : vector<128x1xi1> to vector<128x64xi1>
    %select_n3A_582 = arith.select %broadcast_in_dim3A_581, %select_n3A_579, %get3A_18 : vector<128x64xi1>, vector<128x64xf32>
    %broadcast_in_dim3A_583 = vector.shape_cast %lt3A_553 : vector<128x1xi1> to vector<128x1xi1>
    %broadcast_in_dim3A_584 = vector.broadcast %broadcast_in_dim3A_583 : vector<128x1xi1> to vector<128x64xi1>
    %select_n3A_585 = arith.select %broadcast_in_dim3A_584, %squeeze3A_555, %squeeze3A_557 : vector<128x64xi1>, vector<128x64xf32>
    %mul3A_586 = arith.mulf %get3A_21, %get3A_21 : vector<128x64xf32>
    %reduce_sum3A_587 = arith.constant dense<0.000000e+00> : vector<128xf32>
    %reduce_sum3A_588 = vector.multi_reduction <add>, %mul3A_586, %reduce_sum3A_587 [1] : vector<128x64xf32> to vector<128xf32>
    %broadcast_in_dim3A_589 = vector.shape_cast %reduce_sum3A_588 : vector<128xf32> to vector<128x1xf32>
    %sqrt3A_590 = math.sqrt %broadcast_in_dim3A_589 : vector<128x1xf32>
    %add3A_591 = arith.constant 9.99999993E-9 : f32
    %add3A_592 = vector.broadcast %add3A_591 : f32 to vector<128x1xf32>
    %add3A_593 = arith.addf %sqrt3A_590, %add3A_592 : vector<128x1xf32>
    %div3A_594 = vector.broadcast %add3A_593 : vector<128x1xf32> to vector<128x64xf32>
    %div3A_595 = arith.divf %get3A_21, %div3A_594 : vector<128x64xf32>
    %mul3A_596 = arith.mulf %squeeze3A_555, %div3A_595 : vector<128x64xf32>
    %reduce_sum3A_597 = arith.constant dense<0.000000e+00> : vector<128xf32>
    %reduce_sum3A_598 = vector.multi_reduction <add>, %mul3A_596, %reduce_sum3A_597 [1] : vector<128x64xf32> to vector<128xf32>
    %broadcast_in_dim3A_599 = vector.shape_cast %reduce_sum3A_598 : vector<128xf32> to vector<128x1xf32>
    %mul3A_600 = vector.broadcast %broadcast_in_dim3A_599 : vector<128x1xf32> to vector<128x64xf32>
    %mul3A_601 = arith.mulf %mul3A_600, %div3A_595 : vector<128x64xf32>
    %sub3A_602 = arith.subf %squeeze3A_555, %mul3A_601 : vector<128x64xf32>
    %broadcast_in_dim3A_603 = vector.shape_cast %lt3A_553 : vector<128x1xi1> to vector<128x1xi1>
    %broadcast_in_dim3A_604 = vector.broadcast %broadcast_in_dim3A_603 : vector<128x1xi1> to vector<128x64xi1>
    %select_n3A_605 = arith.select %broadcast_in_dim3A_604, %sub3A_602, %squeeze3A_557 : vector<128x64xi1>, vector<128x64xf32>
    %broadcast_in_dim3A_606 = vector.shape_cast %lt3A_6 : vector<128x1xi1> to vector<128x1xi1>
    %broadcast_in_dim3A_607 = vector.broadcast %broadcast_in_dim3A_606 : vector<128x1xi1> to vector<128x64xi1>
    %select_n3A_608 = arith.select %broadcast_in_dim3A_607, %select_n3A_585, %select_n3A_605 : vector<128x64xi1>, vector<128x64xf32>
    %mul3A_609 = arith.mulf %select_n3A_582, %select_n3A_608 : vector<128x64xf32>
    %reduce_sum3A_610 = arith.constant dense<0.000000e+00> : vector<128xf32>
    %reduce_sum3A_611 = vector.multi_reduction <add>, %mul3A_609, %reduce_sum3A_610 [1] : vector<128x64xf32> to vector<128xf32>
    %broadcast_in_dim3A_612 = vector.shape_cast %reduce_sum3A_611 : vector<128xf32> to vector<128x1xf32>
    %neg3A_613 = arith.constant 0.000000e+00 : f32
    %neg3A_614 = vector.broadcast %neg3A_613 : f32 to vector<128x1xf32>
    %neg3A_615 = arith.subf %neg3A_614, %broadcast_in_dim3A_612 : vector<128x1xf32>
    %neg3A_616 = arith.constant 0.000000e+00 : f32
    %neg3A_617 = vector.broadcast %neg3A_616 : f32 to vector<128x1xf32>
    %neg3A_618 = arith.subf %neg3A_617, %neg3A_615 : vector<128x1xf32>
    %custom_jvp_call3A_619 = arith.constant 0.000000e+00 : f32
    %max3A_620 = vector.broadcast %custom_jvp_call3A_619 : f32 to vector<128x1xf32>
    %max3A_621 = arith.maximumf %neg3A_618, %max3A_620 : vector<128x1xf32>
    %sub3A_622 = vector.broadcast %custom_jvp_call3A_619 : f32 to vector<128x1xf32>
    %sub3A_623 = arith.subf %neg3A_618, %sub3A_622 : vector<128x1xf32>
    %ne3A_624 = arith.cmpf one, %sub3A_623, %sub3A_623 : vector<128x1xf32>
    %add3A_625 = vector.broadcast %custom_jvp_call3A_619 : f32 to vector<128x1xf32>
    %add3A_626 = arith.addf %neg3A_618, %add3A_625 : vector<128x1xf32>
    %abs3A_627 = math.absf %sub3A_623 : vector<128x1xf32>
    %neg3A_628 = arith.constant 0.000000e+00 : f32
    %neg3A_629 = vector.broadcast %neg3A_628 : f32 to vector<128x1xf32>
    %neg3A_630 = arith.subf %neg3A_629, %abs3A_627 : vector<128x1xf32>
    %exp3A_631 = math.exp %neg3A_630 : vector<128x1xf32>
    %log1p3A_632 = math.log1p %exp3A_631 : vector<128x1xf32>
    %add3A_633 = arith.addf %max3A_621, %log1p3A_632 : vector<128x1xf32>
    %select_n3A_634 = arith.select %ne3A_624, %add3A_626, %add3A_633 : vector<128x1xi1>, vector<128x1xf32>
    %neg3A_635 = arith.constant 0.000000e+00 : f32
    %neg3A_636 = vector.broadcast %neg3A_635 : f32 to vector<128x1xf32>
    %neg3A_637 = arith.subf %neg3A_636, %select_n3A_634 : vector<128x1xf32>
    %add3A_638 = arith.addf %add3A_547, %neg3A_637 : vector<128x1xf32>
    %get3A_639 = arith.constant 0 : index
    %get3A_640 = arith.constant 6 : index
    %get3A_641 = vector.load %arg3[%get3A_639, %get3A_640] : memref<128x128xi32, #tpu.memory_space<vmem>>, vector<128x1xi32>
    %lt3A_642 = arith.constant 100000 : i32
    %lt3A_643 = vector.broadcast %lt3A_642 : i32 to vector<128x1xi32>
    %lt3A_644 = arith.cmpi slt, %get3A_641, %lt3A_643 : vector<128x1xi32>
    %slice3A_645 = vector.extract_strided_slice %reshape3A {offsets = [0, 6, 0], sizes = [128, 1, 64], strides = [1, 1, 1]} : vector<128x10x64xf32> to vector<128x1x64xf32>
    %squeeze3A_646 = vector.shape_cast %slice3A_645 : vector<128x1x64xf32> to vector<128x64xf32>
    %slice3A_647 = vector.extract_strided_slice %reshape3A_94 {offsets = [0, 6, 0], sizes = [128, 1, 64], strides = [1, 1, 1]} : vector<128x10x128xf32> to vector<128x1x64xf32>
    %squeeze3A_648 = vector.shape_cast %slice3A_647 : vector<128x1x64xf32> to vector<128x64xf32>
    %slice3A_649 = vector.extract_strided_slice %reshape3A_94 {offsets = [0, 6, 64], sizes = [128, 1, 64], strides = [1, 1, 1]} : vector<128x10x128xf32> to vector<128x1x64xf32>
    %squeeze3A_650 = vector.shape_cast %slice3A_649 : vector<128x1x64xf32> to vector<128x64xf32>
    %mul3A_651 = arith.mulf %squeeze3A_650, %squeeze3A_650 : vector<128x64xf32>
    %reduce_sum3A_652 = arith.constant dense<0.000000e+00> : vector<128xf32>
    %reduce_sum3A_653 = vector.multi_reduction <add>, %mul3A_651, %reduce_sum3A_652 [1] : vector<128x64xf32> to vector<128xf32>
    %broadcast_in_dim3A_654 = vector.shape_cast %reduce_sum3A_653 : vector<128xf32> to vector<128x1xf32>
    %sqrt3A_655 = math.sqrt %broadcast_in_dim3A_654 : vector<128x1xf32>
    %add3A_656 = arith.constant 9.99999993E-9 : f32
    %add3A_657 = vector.broadcast %add3A_656 : f32 to vector<128x1xf32>
    %add3A_658 = arith.addf %sqrt3A_655, %add3A_657 : vector<128x1xf32>
    %div3A_659 = vector.broadcast %add3A_658 : vector<128x1xf32> to vector<128x64xf32>
    %div3A_660 = arith.divf %squeeze3A_650, %div3A_659 : vector<128x64xf32>
    %mul3A_661 = arith.mulf %get3A_12, %div3A_660 : vector<128x64xf32>
    %reduce_sum3A_662 = arith.constant dense<0.000000e+00> : vector<128xf32>
    %reduce_sum3A_663 = vector.multi_reduction <add>, %mul3A_661, %reduce_sum3A_662 [1] : vector<128x64xf32> to vector<128xf32>
    %broadcast_in_dim3A_664 = vector.shape_cast %reduce_sum3A_663 : vector<128xf32> to vector<128x1xf32>
    %mul3A_665 = vector.broadcast %broadcast_in_dim3A_664 : vector<128x1xf32> to vector<128x64xf32>
    %mul3A_666 = arith.mulf %mul3A_665, %div3A_660 : vector<128x64xf32>
    %sub3A_667 = arith.subf %get3A_12, %mul3A_666 : vector<128x64xf32>
    %broadcast_in_dim3A_668 = vector.shape_cast %lt3A_644 : vector<128x1xi1> to vector<128x1xi1>
    %broadcast_in_dim3A_669 = vector.broadcast %broadcast_in_dim3A_668 : vector<128x1xi1> to vector<128x64xi1>
    %select_n3A_670 = arith.select %broadcast_in_dim3A_669, %get3A_12, %sub3A_667 : vector<128x64xi1>, vector<128x64xf32>
    %broadcast_in_dim3A_671 = vector.shape_cast %lt3A_6 : vector<128x1xi1> to vector<128x1xi1>
    %broadcast_in_dim3A_672 = vector.broadcast %broadcast_in_dim3A_671 : vector<128x1xi1> to vector<128x64xi1>
    %select_n3A_673 = arith.select %broadcast_in_dim3A_672, %select_n3A_670, %get3A_18 : vector<128x64xi1>, vector<128x64xf32>
    %broadcast_in_dim3A_674 = vector.shape_cast %lt3A_644 : vector<128x1xi1> to vector<128x1xi1>
    %broadcast_in_dim3A_675 = vector.broadcast %broadcast_in_dim3A_674 : vector<128x1xi1> to vector<128x64xi1>
    %select_n3A_676 = arith.select %broadcast_in_dim3A_675, %squeeze3A_646, %squeeze3A_648 : vector<128x64xi1>, vector<128x64xf32>
    %mul3A_677 = arith.mulf %get3A_21, %get3A_21 : vector<128x64xf32>
    %reduce_sum3A_678 = arith.constant dense<0.000000e+00> : vector<128xf32>
    %reduce_sum3A_679 = vector.multi_reduction <add>, %mul3A_677, %reduce_sum3A_678 [1] : vector<128x64xf32> to vector<128xf32>
    %broadcast_in_dim3A_680 = vector.shape_cast %reduce_sum3A_679 : vector<128xf32> to vector<128x1xf32>
    %sqrt3A_681 = math.sqrt %broadcast_in_dim3A_680 : vector<128x1xf32>
    %add3A_682 = arith.constant 9.99999993E-9 : f32
    %add3A_683 = vector.broadcast %add3A_682 : f32 to vector<128x1xf32>
    %add3A_684 = arith.addf %sqrt3A_681, %add3A_683 : vector<128x1xf32>
    %div3A_685 = vector.broadcast %add3A_684 : vector<128x1xf32> to vector<128x64xf32>
    %div3A_686 = arith.divf %get3A_21, %div3A_685 : vector<128x64xf32>
    %mul3A_687 = arith.mulf %squeeze3A_646, %div3A_686 : vector<128x64xf32>
    %reduce_sum3A_688 = arith.constant dense<0.000000e+00> : vector<128xf32>
    %reduce_sum3A_689 = vector.multi_reduction <add>, %mul3A_687, %reduce_sum3A_688 [1] : vector<128x64xf32> to vector<128xf32>
    %broadcast_in_dim3A_690 = vector.shape_cast %reduce_sum3A_689 : vector<128xf32> to vector<128x1xf32>
    %mul3A_691 = vector.broadcast %broadcast_in_dim3A_690 : vector<128x1xf32> to vector<128x64xf32>
    %mul3A_692 = arith.mulf %mul3A_691, %div3A_686 : vector<128x64xf32>
    %sub3A_693 = arith.subf %squeeze3A_646, %mul3A_692 : vector<128x64xf32>
    %broadcast_in_dim3A_694 = vector.shape_cast %lt3A_644 : vector<128x1xi1> to vector<128x1xi1>
    %broadcast_in_dim3A_695 = vector.broadcast %broadcast_in_dim3A_694 : vector<128x1xi1> to vector<128x64xi1>
    %select_n3A_696 = arith.select %broadcast_in_dim3A_695, %sub3A_693, %squeeze3A_648 : vector<128x64xi1>, vector<128x64xf32>
    %broadcast_in_dim3A_697 = vector.shape_cast %lt3A_6 : vector<128x1xi1> to vector<128x1xi1>
    %broadcast_in_dim3A_698 = vector.broadcast %broadcast_in_dim3A_697 : vector<128x1xi1> to vector<128x64xi1>
    %select_n3A_699 = arith.select %broadcast_in_dim3A_698, %select_n3A_676, %select_n3A_696 : vector<128x64xi1>, vector<128x64xf32>
    %mul3A_700 = arith.mulf %select_n3A_673, %select_n3A_699 : vector<128x64xf32>
    %reduce_sum3A_701 = arith.constant dense<0.000000e+00> : vector<128xf32>
    %reduce_sum3A_702 = vector.multi_reduction <add>, %mul3A_700, %reduce_sum3A_701 [1] : vector<128x64xf32> to vector<128xf32>
    %broadcast_in_dim3A_703 = vector.shape_cast %reduce_sum3A_702 : vector<128xf32> to vector<128x1xf32>
    %neg3A_704 = arith.constant 0.000000e+00 : f32
    %neg3A_705 = vector.broadcast %neg3A_704 : f32 to vector<128x1xf32>
    %neg3A_706 = arith.subf %neg3A_705, %broadcast_in_dim3A_703 : vector<128x1xf32>
    %neg3A_707 = arith.constant 0.000000e+00 : f32
    %neg3A_708 = vector.broadcast %neg3A_707 : f32 to vector<128x1xf32>
    %neg3A_709 = arith.subf %neg3A_708, %neg3A_706 : vector<128x1xf32>
    %custom_jvp_call3A_710 = arith.constant 0.000000e+00 : f32
    %max3A_711 = vector.broadcast %custom_jvp_call3A_710 : f32 to vector<128x1xf32>
    %max3A_712 = arith.maximumf %neg3A_709, %max3A_711 : vector<128x1xf32>
    %sub3A_713 = vector.broadcast %custom_jvp_call3A_710 : f32 to vector<128x1xf32>
    %sub3A_714 = arith.subf %neg3A_709, %sub3A_713 : vector<128x1xf32>
    %ne3A_715 = arith.cmpf one, %sub3A_714, %sub3A_714 : vector<128x1xf32>
    %add3A_716 = vector.broadcast %custom_jvp_call3A_710 : f32 to vector<128x1xf32>
    %add3A_717 = arith.addf %neg3A_709, %add3A_716 : vector<128x1xf32>
    %abs3A_718 = math.absf %sub3A_714 : vector<128x1xf32>
    %neg3A_719 = arith.constant 0.000000e+00 : f32
    %neg3A_720 = vector.broadcast %neg3A_719 : f32 to vector<128x1xf32>
    %neg3A_721 = arith.subf %neg3A_720, %abs3A_718 : vector<128x1xf32>
    %exp3A_722 = math.exp %neg3A_721 : vector<128x1xf32>
    %log1p3A_723 = math.log1p %exp3A_722 : vector<128x1xf32>
    %add3A_724 = arith.addf %max3A_712, %log1p3A_723 : vector<128x1xf32>
    %select_n3A_725 = arith.select %ne3A_715, %add3A_717, %add3A_724 : vector<128x1xi1>, vector<128x1xf32>
    %neg3A_726 = arith.constant 0.000000e+00 : f32
    %neg3A_727 = vector.broadcast %neg3A_726 : f32 to vector<128x1xf32>
    %neg3A_728 = arith.subf %neg3A_727, %select_n3A_725 : vector<128x1xf32>
    %add3A_729 = arith.addf %add3A_638, %neg3A_728 : vector<128x1xf32>
    %get3A_730 = arith.constant 0 : index
    %get3A_731 = arith.constant 7 : index
    %get3A_732 = vector.load %arg3[%get3A_730, %get3A_731] : memref<128x128xi32, #tpu.memory_space<vmem>>, vector<128x1xi32>
    %lt3A_733 = arith.constant 100000 : i32
    %lt3A_734 = vector.broadcast %lt3A_733 : i32 to vector<128x1xi32>
    %lt3A_735 = arith.cmpi slt, %get3A_732, %lt3A_734 : vector<128x1xi32>
    %slice3A_736 = vector.extract_strided_slice %reshape3A {offsets = [0, 7, 0], sizes = [128, 1, 64], strides = [1, 1, 1]} : vector<128x10x64xf32> to vector<128x1x64xf32>
    %squeeze3A_737 = vector.shape_cast %slice3A_736 : vector<128x1x64xf32> to vector<128x64xf32>
    %slice3A_738 = vector.extract_strided_slice %reshape3A_94 {offsets = [0, 7, 0], sizes = [128, 1, 64], strides = [1, 1, 1]} : vector<128x10x128xf32> to vector<128x1x64xf32>
    %squeeze3A_739 = vector.shape_cast %slice3A_738 : vector<128x1x64xf32> to vector<128x64xf32>
    %slice3A_740 = vector.extract_strided_slice %reshape3A_94 {offsets = [0, 7, 64], sizes = [128, 1, 64], strides = [1, 1, 1]} : vector<128x10x128xf32> to vector<128x1x64xf32>
    %squeeze3A_741 = vector.shape_cast %slice3A_740 : vector<128x1x64xf32> to vector<128x64xf32>
    %mul3A_742 = arith.mulf %squeeze3A_741, %squeeze3A_741 : vector<128x64xf32>
    %reduce_sum3A_743 = arith.constant dense<0.000000e+00> : vector<128xf32>
    %reduce_sum3A_744 = vector.multi_reduction <add>, %mul3A_742, %reduce_sum3A_743 [1] : vector<128x64xf32> to vector<128xf32>
    %broadcast_in_dim3A_745 = vector.shape_cast %reduce_sum3A_744 : vector<128xf32> to vector<128x1xf32>
    %sqrt3A_746 = math.sqrt %broadcast_in_dim3A_745 : vector<128x1xf32>
    %add3A_747 = arith.constant 9.99999993E-9 : f32
    %add3A_748 = vector.broadcast %add3A_747 : f32 to vector<128x1xf32>
    %add3A_749 = arith.addf %sqrt3A_746, %add3A_748 : vector<128x1xf32>
    %div3A_750 = vector.broadcast %add3A_749 : vector<128x1xf32> to vector<128x64xf32>
    %div3A_751 = arith.divf %squeeze3A_741, %div3A_750 : vector<128x64xf32>
    %mul3A_752 = arith.mulf %get3A_12, %div3A_751 : vector<128x64xf32>
    %reduce_sum3A_753 = arith.constant dense<0.000000e+00> : vector<128xf32>
    %reduce_sum3A_754 = vector.multi_reduction <add>, %mul3A_752, %reduce_sum3A_753 [1] : vector<128x64xf32> to vector<128xf32>
    %broadcast_in_dim3A_755 = vector.shape_cast %reduce_sum3A_754 : vector<128xf32> to vector<128x1xf32>
    %mul3A_756 = vector.broadcast %broadcast_in_dim3A_755 : vector<128x1xf32> to vector<128x64xf32>
    %mul3A_757 = arith.mulf %mul3A_756, %div3A_751 : vector<128x64xf32>
    %sub3A_758 = arith.subf %get3A_12, %mul3A_757 : vector<128x64xf32>
    %broadcast_in_dim3A_759 = vector.shape_cast %lt3A_735 : vector<128x1xi1> to vector<128x1xi1>
    %broadcast_in_dim3A_760 = vector.broadcast %broadcast_in_dim3A_759 : vector<128x1xi1> to vector<128x64xi1>
    %select_n3A_761 = arith.select %broadcast_in_dim3A_760, %get3A_12, %sub3A_758 : vector<128x64xi1>, vector<128x64xf32>
    %broadcast_in_dim3A_762 = vector.shape_cast %lt3A_6 : vector<128x1xi1> to vector<128x1xi1>
    %broadcast_in_dim3A_763 = vector.broadcast %broadcast_in_dim3A_762 : vector<128x1xi1> to vector<128x64xi1>
    %select_n3A_764 = arith.select %broadcast_in_dim3A_763, %select_n3A_761, %get3A_18 : vector<128x64xi1>, vector<128x64xf32>
    %broadcast_in_dim3A_765 = vector.shape_cast %lt3A_735 : vector<128x1xi1> to vector<128x1xi1>
    %broadcast_in_dim3A_766 = vector.broadcast %broadcast_in_dim3A_765 : vector<128x1xi1> to vector<128x64xi1>
    %select_n3A_767 = arith.select %broadcast_in_dim3A_766, %squeeze3A_737, %squeeze3A_739 : vector<128x64xi1>, vector<128x64xf32>
    %mul3A_768 = arith.mulf %get3A_21, %get3A_21 : vector<128x64xf32>
    %reduce_sum3A_769 = arith.constant dense<0.000000e+00> : vector<128xf32>
    %reduce_sum3A_770 = vector.multi_reduction <add>, %mul3A_768, %reduce_sum3A_769 [1] : vector<128x64xf32> to vector<128xf32>
    %broadcast_in_dim3A_771 = vector.shape_cast %reduce_sum3A_770 : vector<128xf32> to vector<128x1xf32>
    %sqrt3A_772 = math.sqrt %broadcast_in_dim3A_771 : vector<128x1xf32>
    %add3A_773 = arith.constant 9.99999993E-9 : f32
    %add3A_774 = vector.broadcast %add3A_773 : f32 to vector<128x1xf32>
    %add3A_775 = arith.addf %sqrt3A_772, %add3A_774 : vector<128x1xf32>
    %div3A_776 = vector.broadcast %add3A_775 : vector<128x1xf32> to vector<128x64xf32>
    %div3A_777 = arith.divf %get3A_21, %div3A_776 : vector<128x64xf32>
    %mul3A_778 = arith.mulf %squeeze3A_737, %div3A_777 : vector<128x64xf32>
    %reduce_sum3A_779 = arith.constant dense<0.000000e+00> : vector<128xf32>
    %reduce_sum3A_780 = vector.multi_reduction <add>, %mul3A_778, %reduce_sum3A_779 [1] : vector<128x64xf32> to vector<128xf32>
    %broadcast_in_dim3A_781 = vector.shape_cast %reduce_sum3A_780 : vector<128xf32> to vector<128x1xf32>
    %mul3A_782 = vector.broadcast %broadcast_in_dim3A_781 : vector<128x1xf32> to vector<128x64xf32>
    %mul3A_783 = arith.mulf %mul3A_782, %div3A_777 : vector<128x64xf32>
    %sub3A_784 = arith.subf %squeeze3A_737, %mul3A_783 : vector<128x64xf32>
    %broadcast_in_dim3A_785 = vector.shape_cast %lt3A_735 : vector<128x1xi1> to vector<128x1xi1>
    %broadcast_in_dim3A_786 = vector.broadcast %broadcast_in_dim3A_785 : vector<128x1xi1> to vector<128x64xi1>
    %select_n3A_787 = arith.select %broadcast_in_dim3A_786, %sub3A_784, %squeeze3A_739 : vector<128x64xi1>, vector<128x64xf32>
    %broadcast_in_dim3A_788 = vector.shape_cast %lt3A_6 : vector<128x1xi1> to vector<128x1xi1>
    %broadcast_in_dim3A_789 = vector.broadcast %broadcast_in_dim3A_788 : vector<128x1xi1> to vector<128x64xi1>
    %select_n3A_790 = arith.select %broadcast_in_dim3A_789, %select_n3A_767, %select_n3A_787 : vector<128x64xi1>, vector<128x64xf32>
    %mul3A_791 = arith.mulf %select_n3A_764, %select_n3A_790 : vector<128x64xf32>
    %reduce_sum3A_792 = arith.constant dense<0.000000e+00> : vector<128xf32>
    %reduce_sum3A_793 = vector.multi_reduction <add>, %mul3A_791, %reduce_sum3A_792 [1] : vector<128x64xf32> to vector<128xf32>
    %broadcast_in_dim3A_794 = vector.shape_cast %reduce_sum3A_793 : vector<128xf32> to vector<128x1xf32>
    %neg3A_795 = arith.constant 0.000000e+00 : f32
    %neg3A_796 = vector.broadcast %neg3A_795 : f32 to vector<128x1xf32>
    %neg3A_797 = arith.subf %neg3A_796, %broadcast_in_dim3A_794 : vector<128x1xf32>
    %neg3A_798 = arith.constant 0.000000e+00 : f32
    %neg3A_799 = vector.broadcast %neg3A_798 : f32 to vector<128x1xf32>
    %neg3A_800 = arith.subf %neg3A_799, %neg3A_797 : vector<128x1xf32>
    %custom_jvp_call3A_801 = arith.constant 0.000000e+00 : f32
    %max3A_802 = vector.broadcast %custom_jvp_call3A_801 : f32 to vector<128x1xf32>
    %max3A_803 = arith.maximumf %neg3A_800, %max3A_802 : vector<128x1xf32>
    %sub3A_804 = vector.broadcast %custom_jvp_call3A_801 : f32 to vector<128x1xf32>
    %sub3A_805 = arith.subf %neg3A_800, %sub3A_804 : vector<128x1xf32>
    %ne3A_806 = arith.cmpf one, %sub3A_805, %sub3A_805 : vector<128x1xf32>
    %add3A_807 = vector.broadcast %custom_jvp_call3A_801 : f32 to vector<128x1xf32>
    %add3A_808 = arith.addf %neg3A_800, %add3A_807 : vector<128x1xf32>
    %abs3A_809 = math.absf %sub3A_805 : vector<128x1xf32>
    %neg3A_810 = arith.constant 0.000000e+00 : f32
    %neg3A_811 = vector.broadcast %neg3A_810 : f32 to vector<128x1xf32>
    %neg3A_812 = arith.subf %neg3A_811, %abs3A_809 : vector<128x1xf32>
    %exp3A_813 = math.exp %neg3A_812 : vector<128x1xf32>
    %log1p3A_814 = math.log1p %exp3A_813 : vector<128x1xf32>
    %add3A_815 = arith.addf %max3A_803, %log1p3A_814 : vector<128x1xf32>
    %select_n3A_816 = arith.select %ne3A_806, %add3A_808, %add3A_815 : vector<128x1xi1>, vector<128x1xf32>
    %neg3A_817 = arith.constant 0.000000e+00 : f32
    %neg3A_818 = vector.broadcast %neg3A_817 : f32 to vector<128x1xf32>
    %neg3A_819 = arith.subf %neg3A_818, %select_n3A_816 : vector<128x1xf32>
    %add3A_820 = arith.addf %add3A_729, %neg3A_819 : vector<128x1xf32>
    %get3A_821 = arith.constant 0 : index
    %get3A_822 = arith.constant 8 : index
    %get3A_823 = vector.load %arg3[%get3A_821, %get3A_822] : memref<128x128xi32, #tpu.memory_space<vmem>>, vector<128x1xi32>
    %lt3A_824 = arith.constant 100000 : i32
    %lt3A_825 = vector.broadcast %lt3A_824 : i32 to vector<128x1xi32>
    %lt3A_826 = arith.cmpi slt, %get3A_823, %lt3A_825 : vector<128x1xi32>
    %slice3A_827 = vector.extract_strided_slice %reshape3A {offsets = [0, 8, 0], sizes = [128, 1, 64], strides = [1, 1, 1]} : vector<128x10x64xf32> to vector<128x1x64xf32>
    %squeeze3A_828 = vector.shape_cast %slice3A_827 : vector<128x1x64xf32> to vector<128x64xf32>
    %slice3A_829 = vector.extract_strided_slice %reshape3A_94 {offsets = [0, 8, 0], sizes = [128, 1, 64], strides = [1, 1, 1]} : vector<128x10x128xf32> to vector<128x1x64xf32>
    %squeeze3A_830 = vector.shape_cast %slice3A_829 : vector<128x1x64xf32> to vector<128x64xf32>
    %slice3A_831 = vector.extract_strided_slice %reshape3A_94 {offsets = [0, 8, 64], sizes = [128, 1, 64], strides = [1, 1, 1]} : vector<128x10x128xf32> to vector<128x1x64xf32>
    %squeeze3A_832 = vector.shape_cast %slice3A_831 : vector<128x1x64xf32> to vector<128x64xf32>
    %mul3A_833 = arith.mulf %squeeze3A_832, %squeeze3A_832 : vector<128x64xf32>
    %reduce_sum3A_834 = arith.constant dense<0.000000e+00> : vector<128xf32>
    %reduce_sum3A_835 = vector.multi_reduction <add>, %mul3A_833, %reduce_sum3A_834 [1] : vector<128x64xf32> to vector<128xf32>
    %broadcast_in_dim3A_836 = vector.shape_cast %reduce_sum3A_835 : vector<128xf32> to vector<128x1xf32>
    %sqrt3A_837 = math.sqrt %broadcast_in_dim3A_836 : vector<128x1xf32>
    %add3A_838 = arith.constant 9.99999993E-9 : f32
    %add3A_839 = vector.broadcast %add3A_838 : f32 to vector<128x1xf32>
    %add3A_840 = arith.addf %sqrt3A_837, %add3A_839 : vector<128x1xf32>
    %div3A_841 = vector.broadcast %add3A_840 : vector<128x1xf32> to vector<128x64xf32>
    %div3A_842 = arith.divf %squeeze3A_832, %div3A_841 : vector<128x64xf32>
    %mul3A_843 = arith.mulf %get3A_12, %div3A_842 : vector<128x64xf32>
    %reduce_sum3A_844 = arith.constant dense<0.000000e+00> : vector<128xf32>
    %reduce_sum3A_845 = vector.multi_reduction <add>, %mul3A_843, %reduce_sum3A_844 [1] : vector<128x64xf32> to vector<128xf32>
    %broadcast_in_dim3A_846 = vector.shape_cast %reduce_sum3A_845 : vector<128xf32> to vector<128x1xf32>
    %mul3A_847 = vector.broadcast %broadcast_in_dim3A_846 : vector<128x1xf32> to vector<128x64xf32>
    %mul3A_848 = arith.mulf %mul3A_847, %div3A_842 : vector<128x64xf32>
    %sub3A_849 = arith.subf %get3A_12, %mul3A_848 : vector<128x64xf32>
    %broadcast_in_dim3A_850 = vector.shape_cast %lt3A_826 : vector<128x1xi1> to vector<128x1xi1>
    %broadcast_in_dim3A_851 = vector.broadcast %broadcast_in_dim3A_850 : vector<128x1xi1> to vector<128x64xi1>
    %select_n3A_852 = arith.select %broadcast_in_dim3A_851, %get3A_12, %sub3A_849 : vector<128x64xi1>, vector<128x64xf32>
    %broadcast_in_dim3A_853 = vector.shape_cast %lt3A_6 : vector<128x1xi1> to vector<128x1xi1>
    %broadcast_in_dim3A_854 = vector.broadcast %broadcast_in_dim3A_853 : vector<128x1xi1> to vector<128x64xi1>
    %select_n3A_855 = arith.select %broadcast_in_dim3A_854, %select_n3A_852, %get3A_18 : vector<128x64xi1>, vector<128x64xf32>
    %broadcast_in_dim3A_856 = vector.shape_cast %lt3A_826 : vector<128x1xi1> to vector<128x1xi1>
    %broadcast_in_dim3A_857 = vector.broadcast %broadcast_in_dim3A_856 : vector<128x1xi1> to vector<128x64xi1>
    %select_n3A_858 = arith.select %broadcast_in_dim3A_857, %squeeze3A_828, %squeeze3A_830 : vector<128x64xi1>, vector<128x64xf32>
    %mul3A_859 = arith.mulf %get3A_21, %get3A_21 : vector<128x64xf32>
    %reduce_sum3A_860 = arith.constant dense<0.000000e+00> : vector<128xf32>
    %reduce_sum3A_861 = vector.multi_reduction <add>, %mul3A_859, %reduce_sum3A_860 [1] : vector<128x64xf32> to vector<128xf32>
    %broadcast_in_dim3A_862 = vector.shape_cast %reduce_sum3A_861 : vector<128xf32> to vector<128x1xf32>
    %sqrt3A_863 = math.sqrt %broadcast_in_dim3A_862 : vector<128x1xf32>
    %add3A_864 = arith.constant 9.99999993E-9 : f32
    %add3A_865 = vector.broadcast %add3A_864 : f32 to vector<128x1xf32>
    %add3A_866 = arith.addf %sqrt3A_863, %add3A_865 : vector<128x1xf32>
    %div3A_867 = vector.broadcast %add3A_866 : vector<128x1xf32> to vector<128x64xf32>
    %div3A_868 = arith.divf %get3A_21, %div3A_867 : vector<128x64xf32>
    %mul3A_869 = arith.mulf %squeeze3A_828, %div3A_868 : vector<128x64xf32>
    %reduce_sum3A_870 = arith.constant dense<0.000000e+00> : vector<128xf32>
    %reduce_sum3A_871 = vector.multi_reduction <add>, %mul3A_869, %reduce_sum3A_870 [1] : vector<128x64xf32> to vector<128xf32>
    %broadcast_in_dim3A_872 = vector.shape_cast %reduce_sum3A_871 : vector<128xf32> to vector<128x1xf32>
    %mul3A_873 = vector.broadcast %broadcast_in_dim3A_872 : vector<128x1xf32> to vector<128x64xf32>
    %mul3A_874 = arith.mulf %mul3A_873, %div3A_868 : vector<128x64xf32>
    %sub3A_875 = arith.subf %squeeze3A_828, %mul3A_874 : vector<128x64xf32>
    %broadcast_in_dim3A_876 = vector.shape_cast %lt3A_826 : vector<128x1xi1> to vector<128x1xi1>
    %broadcast_in_dim3A_877 = vector.broadcast %broadcast_in_dim3A_876 : vector<128x1xi1> to vector<128x64xi1>
    %select_n3A_878 = arith.select %broadcast_in_dim3A_877, %sub3A_875, %squeeze3A_830 : vector<128x64xi1>, vector<128x64xf32>
    %broadcast_in_dim3A_879 = vector.shape_cast %lt3A_6 : vector<128x1xi1> to vector<128x1xi1>
    %broadcast_in_dim3A_880 = vector.broadcast %broadcast_in_dim3A_879 : vector<128x1xi1> to vector<128x64xi1>
    %select_n3A_881 = arith.select %broadcast_in_dim3A_880, %select_n3A_858, %select_n3A_878 : vector<128x64xi1>, vector<128x64xf32>
    %mul3A_882 = arith.mulf %select_n3A_855, %select_n3A_881 : vector<128x64xf32>
    %reduce_sum3A_883 = arith.constant dense<0.000000e+00> : vector<128xf32>
    %reduce_sum3A_884 = vector.multi_reduction <add>, %mul3A_882, %reduce_sum3A_883 [1] : vector<128x64xf32> to vector<128xf32>
    %broadcast_in_dim3A_885 = vector.shape_cast %reduce_sum3A_884 : vector<128xf32> to vector<128x1xf32>
    %neg3A_886 = arith.constant 0.000000e+00 : f32
    %neg3A_887 = vector.broadcast %neg3A_886 : f32 to vector<128x1xf32>
    %neg3A_888 = arith.subf %neg3A_887, %broadcast_in_dim3A_885 : vector<128x1xf32>
    %neg3A_889 = arith.constant 0.000000e+00 : f32
    %neg3A_890 = vector.broadcast %neg3A_889 : f32 to vector<128x1xf32>
    %neg3A_891 = arith.subf %neg3A_890, %neg3A_888 : vector<128x1xf32>
    %custom_jvp_call3A_892 = arith.constant 0.000000e+00 : f32
    %max3A_893 = vector.broadcast %custom_jvp_call3A_892 : f32 to vector<128x1xf32>
    %max3A_894 = arith.maximumf %neg3A_891, %max3A_893 : vector<128x1xf32>
    %sub3A_895 = vector.broadcast %custom_jvp_call3A_892 : f32 to vector<128x1xf32>
    %sub3A_896 = arith.subf %neg3A_891, %sub3A_895 : vector<128x1xf32>
    %ne3A_897 = arith.cmpf one, %sub3A_896, %sub3A_896 : vector<128x1xf32>
    %add3A_898 = vector.broadcast %custom_jvp_call3A_892 : f32 to vector<128x1xf32>
    %add3A_899 = arith.addf %neg3A_891, %add3A_898 : vector<128x1xf32>
    %abs3A_900 = math.absf %sub3A_896 : vector<128x1xf32>
    %neg3A_901 = arith.constant 0.000000e+00 : f32
    %neg3A_902 = vector.broadcast %neg3A_901 : f32 to vector<128x1xf32>
    %neg3A_903 = arith.subf %neg3A_902, %abs3A_900 : vector<128x1xf32>
    %exp3A_904 = math.exp %neg3A_903 : vector<128x1xf32>
    %log1p3A_905 = math.log1p %exp3A_904 : vector<128x1xf32>
    %add3A_906 = arith.addf %max3A_894, %log1p3A_905 : vector<128x1xf32>
    %select_n3A_907 = arith.select %ne3A_897, %add3A_899, %add3A_906 : vector<128x1xi1>, vector<128x1xf32>
    %neg3A_908 = arith.constant 0.000000e+00 : f32
    %neg3A_909 = vector.broadcast %neg3A_908 : f32 to vector<128x1xf32>
    %neg3A_910 = arith.subf %neg3A_909, %select_n3A_907 : vector<128x1xf32>
    %add3A_911 = arith.addf %add3A_820, %neg3A_910 : vector<128x1xf32>
    %get3A_912 = arith.constant 0 : index
    %get3A_913 = arith.constant 9 : index
    %get3A_914 = vector.load %arg3[%get3A_912, %get3A_913] : memref<128x128xi32, #tpu.memory_space<vmem>>, vector<128x1xi32>
    %lt3A_915 = arith.constant 100000 : i32
    %lt3A_916 = vector.broadcast %lt3A_915 : i32 to vector<128x1xi32>
    %lt3A_917 = arith.cmpi slt, %get3A_914, %lt3A_916 : vector<128x1xi32>
    %slice3A_918 = vector.extract_strided_slice %reshape3A {offsets = [0, 9, 0], sizes = [128, 1, 64], strides = [1, 1, 1]} : vector<128x10x64xf32> to vector<128x1x64xf32>
    %squeeze3A_919 = vector.shape_cast %slice3A_918 : vector<128x1x64xf32> to vector<128x64xf32>
    %slice3A_920 = vector.extract_strided_slice %reshape3A_94 {offsets = [0, 9, 0], sizes = [128, 1, 64], strides = [1, 1, 1]} : vector<128x10x128xf32> to vector<128x1x64xf32>
    %squeeze3A_921 = vector.shape_cast %slice3A_920 : vector<128x1x64xf32> to vector<128x64xf32>
    %slice3A_922 = vector.extract_strided_slice %reshape3A_94 {offsets = [0, 9, 64], sizes = [128, 1, 64], strides = [1, 1, 1]} : vector<128x10x128xf32> to vector<128x1x64xf32>
    %squeeze3A_923 = vector.shape_cast %slice3A_922 : vector<128x1x64xf32> to vector<128x64xf32>
    %mul3A_924 = arith.mulf %squeeze3A_923, %squeeze3A_923 : vector<128x64xf32>
    %reduce_sum3A_925 = arith.constant dense<0.000000e+00> : vector<128xf32>
    %reduce_sum3A_926 = vector.multi_reduction <add>, %mul3A_924, %reduce_sum3A_925 [1] : vector<128x64xf32> to vector<128xf32>
    %broadcast_in_dim3A_927 = vector.shape_cast %reduce_sum3A_926 : vector<128xf32> to vector<128x1xf32>
    %sqrt3A_928 = math.sqrt %broadcast_in_dim3A_927 : vector<128x1xf32>
    %add3A_929 = arith.constant 9.99999993E-9 : f32
    %add3A_930 = vector.broadcast %add3A_929 : f32 to vector<128x1xf32>
    %add3A_931 = arith.addf %sqrt3A_928, %add3A_930 : vector<128x1xf32>
    %div3A_932 = vector.broadcast %add3A_931 : vector<128x1xf32> to vector<128x64xf32>
    %div3A_933 = arith.divf %squeeze3A_923, %div3A_932 : vector<128x64xf32>
    %mul3A_934 = arith.mulf %get3A_12, %div3A_933 : vector<128x64xf32>
    %reduce_sum3A_935 = arith.constant dense<0.000000e+00> : vector<128xf32>
    %reduce_sum3A_936 = vector.multi_reduction <add>, %mul3A_934, %reduce_sum3A_935 [1] : vector<128x64xf32> to vector<128xf32>
    %broadcast_in_dim3A_937 = vector.shape_cast %reduce_sum3A_936 : vector<128xf32> to vector<128x1xf32>
    %mul3A_938 = vector.broadcast %broadcast_in_dim3A_937 : vector<128x1xf32> to vector<128x64xf32>
    %mul3A_939 = arith.mulf %mul3A_938, %div3A_933 : vector<128x64xf32>
    %sub3A_940 = arith.subf %get3A_12, %mul3A_939 : vector<128x64xf32>
    %broadcast_in_dim3A_941 = vector.shape_cast %lt3A_917 : vector<128x1xi1> to vector<128x1xi1>
    %broadcast_in_dim3A_942 = vector.broadcast %broadcast_in_dim3A_941 : vector<128x1xi1> to vector<128x64xi1>
    %select_n3A_943 = arith.select %broadcast_in_dim3A_942, %get3A_12, %sub3A_940 : vector<128x64xi1>, vector<128x64xf32>
    %broadcast_in_dim3A_944 = vector.shape_cast %lt3A_6 : vector<128x1xi1> to vector<128x1xi1>
    %broadcast_in_dim3A_945 = vector.broadcast %broadcast_in_dim3A_944 : vector<128x1xi1> to vector<128x64xi1>
    %select_n3A_946 = arith.select %broadcast_in_dim3A_945, %select_n3A_943, %get3A_18 : vector<128x64xi1>, vector<128x64xf32>
    %broadcast_in_dim3A_947 = vector.shape_cast %lt3A_917 : vector<128x1xi1> to vector<128x1xi1>
    %broadcast_in_dim3A_948 = vector.broadcast %broadcast_in_dim3A_947 : vector<128x1xi1> to vector<128x64xi1>
    %select_n3A_949 = arith.select %broadcast_in_dim3A_948, %squeeze3A_919, %squeeze3A_921 : vector<128x64xi1>, vector<128x64xf32>
    %mul3A_950 = arith.mulf %get3A_21, %get3A_21 : vector<128x64xf32>
    %reduce_sum3A_951 = arith.constant dense<0.000000e+00> : vector<128xf32>
    %reduce_sum3A_952 = vector.multi_reduction <add>, %mul3A_950, %reduce_sum3A_951 [1] : vector<128x64xf32> to vector<128xf32>
    %broadcast_in_dim3A_953 = vector.shape_cast %reduce_sum3A_952 : vector<128xf32> to vector<128x1xf32>
    %sqrt3A_954 = math.sqrt %broadcast_in_dim3A_953 : vector<128x1xf32>
    %add3A_955 = arith.constant 9.99999993E-9 : f32
    %add3A_956 = vector.broadcast %add3A_955 : f32 to vector<128x1xf32>
    %add3A_957 = arith.addf %sqrt3A_954, %add3A_956 : vector<128x1xf32>
    %div3A_958 = vector.broadcast %add3A_957 : vector<128x1xf32> to vector<128x64xf32>
    %div3A_959 = arith.divf %get3A_21, %div3A_958 : vector<128x64xf32>
    %mul3A_960 = arith.mulf %squeeze3A_919, %div3A_959 : vector<128x64xf32>
    %reduce_sum3A_961 = arith.constant dense<0.000000e+00> : vector<128xf32>
    %reduce_sum3A_962 = vector.multi_reduction <add>, %mul3A_960, %reduce_sum3A_961 [1] : vector<128x64xf32> to vector<128xf32>
    %broadcast_in_dim3A_963 = vector.shape_cast %reduce_sum3A_962 : vector<128xf32> to vector<128x1xf32>
    %mul3A_964 = vector.broadcast %broadcast_in_dim3A_963 : vector<128x1xf32> to vector<128x64xf32>
    %mul3A_965 = arith.mulf %mul3A_964, %div3A_959 : vector<128x64xf32>
    %sub3A_966 = arith.subf %squeeze3A_919, %mul3A_965 : vector<128x64xf32>
    %broadcast_in_dim3A_967 = vector.shape_cast %lt3A_917 : vector<128x1xi1> to vector<128x1xi1>
    %broadcast_in_dim3A_968 = vector.broadcast %broadcast_in_dim3A_967 : vector<128x1xi1> to vector<128x64xi1>
    %select_n3A_969 = arith.select %broadcast_in_dim3A_968, %sub3A_966, %squeeze3A_921 : vector<128x64xi1>, vector<128x64xf32>
    %broadcast_in_dim3A_970 = vector.shape_cast %lt3A_6 : vector<128x1xi1> to vector<128x1xi1>
    %broadcast_in_dim3A_971 = vector.broadcast %broadcast_in_dim3A_970 : vector<128x1xi1> to vector<128x64xi1>
    %select_n3A_972 = arith.select %broadcast_in_dim3A_971, %select_n3A_949, %select_n3A_969 : vector<128x64xi1>, vector<128x64xf32>
    %mul3A_973 = arith.mulf %select_n3A_946, %select_n3A_972 : vector<128x64xf32>
    %reduce_sum3A_974 = arith.constant dense<0.000000e+00> : vector<128xf32>
    %reduce_sum3A_975 = vector.multi_reduction <add>, %mul3A_973, %reduce_sum3A_974 [1] : vector<128x64xf32> to vector<128xf32>
    %broadcast_in_dim3A_976 = vector.shape_cast %reduce_sum3A_975 : vector<128xf32> to vector<128x1xf32>
    %neg3A_977 = arith.constant 0.000000e+00 : f32
    %neg3A_978 = vector.broadcast %neg3A_977 : f32 to vector<128x1xf32>
    %neg3A_979 = arith.subf %neg3A_978, %broadcast_in_dim3A_976 : vector<128x1xf32>
    %neg3A_980 = arith.constant 0.000000e+00 : f32
    %neg3A_981 = vector.broadcast %neg3A_980 : f32 to vector<128x1xf32>
    %neg3A_982 = arith.subf %neg3A_981, %neg3A_979 : vector<128x1xf32>
    %custom_jvp_call3A_983 = arith.constant 0.000000e+00 : f32
    %max3A_984 = vector.broadcast %custom_jvp_call3A_983 : f32 to vector<128x1xf32>
    %max3A_985 = arith.maximumf %neg3A_982, %max3A_984 : vector<128x1xf32>
    %sub3A_986 = vector.broadcast %custom_jvp_call3A_983 : f32 to vector<128x1xf32>
    %sub3A_987 = arith.subf %neg3A_982, %sub3A_986 : vector<128x1xf32>
    %ne3A_988 = arith.cmpf one, %sub3A_987, %sub3A_987 : vector<128x1xf32>
    %add3A_989 = vector.broadcast %custom_jvp_call3A_983 : f32 to vector<128x1xf32>
    %add3A_990 = arith.addf %neg3A_982, %add3A_989 : vector<128x1xf32>
    %abs3A_991 = math.absf %sub3A_987 : vector<128x1xf32>
    %neg3A_992 = arith.constant 0.000000e+00 : f32
    %neg3A_993 = vector.broadcast %neg3A_992 : f32 to vector<128x1xf32>
    %neg3A_994 = arith.subf %neg3A_993, %abs3A_991 : vector<128x1xf32>
    %exp3A_995 = math.exp %neg3A_994 : vector<128x1xf32>
    %log1p3A_996 = math.log1p %exp3A_995 : vector<128x1xf32>
    %add3A_997 = arith.addf %max3A_985, %log1p3A_996 : vector<128x1xf32>
    %select_n3A_998 = arith.select %ne3A_988, %add3A_990, %add3A_997 : vector<128x1xi1>, vector<128x1xf32>
    %neg3A_999 = arith.constant 0.000000e+00 : f32
    %neg3A_1000 = vector.broadcast %neg3A_999 : f32 to vector<128x1xf32>
    %neg3A_1001 = arith.subf %neg3A_1000, %select_n3A_998 : vector<128x1xf32>
    %add3A_1002 = arith.addf %add3A_911, %neg3A_1001 : vector<128x1xf32>
    %neg3A_1003 = arith.constant 0.000000e+00 : f32
    %neg3A_1004 = vector.broadcast %neg3A_1003 : f32 to vector<128x1xf32>
    %neg3A_1005 = arith.subf %neg3A_1004, %add3A_1002 : vector<128x1xf32>
    %swap3A = arith.constant 0 : index
    %swap3A_1006 = arith.constant 0 : index
    %swap3A_1007 = vector.load %arg10[%swap3A, %swap3A_1006] : memref<128x1xf32, #tpu.memory_space<vmem>>, vector<128x1xf32>
    tpu.vector_store %arg10[%swap3A, %swap3A_1006], %neg3A_1005 {strides = array<i32>} : memref<128x1xf32, #tpu.memory_space<vmem>>, vector<128x1xf32>,
    return
  }
  func.func @transform_0(%arg0: i32) -> (i32, i32) {
    %c0_i32 = arith.constant 0 : i32
    %c0_i32_0 = arith.constant 0 : i32
    return %arg0, %c0_i32 : i32, i32
  }
  func.func @transform_1(%arg0: i32) -> (i32, i32) {
    %c0_i32 = arith.constant 0 : i32
    %c0_i32_0 = arith.constant 0 : i32
    return %arg0, %c0_i32 : i32, i32
  }
  func.func @transform_2(%arg0: i32) -> (i32, i32) {
    %c0_i32 = arith.constant 0 : i32
    %c0_i32_0 = arith.constant 0 : i32
    return %arg0, %c0_i32 : i32, i32
  }
  func.func @transform_3(%arg0: i32) -> (i32, i32) {
    %c0_i32 = arith.constant 0 : i32
    %c0_i32_0 = arith.constant 0 : i32
    return %arg0, %c0_i32 : i32, i32
  }
  func.func @transform_4(%arg0: i32) -> (i32, i32) {
    %c0_i32 = arith.constant 0 : i32
    %c0_i32_0 = arith.constant 0 : i32
    return %arg0, %c0_i32 : i32, i32
  }
  func.func @transform_5(%arg0: i32) -> (i32, i32) {
    %c0_i32 = arith.constant 0 : i32
    %c0_i32_0 = arith.constant 0 : i32
    return %arg0, %c0_i32 : i32, i32
  }
  func.func @transform_6(%arg0: i32) -> (i32, i32) {
    %c0_i32 = arith.constant 0 : i32
    %c0_i32_0 = arith.constant 0 : i32
    return %arg0, %c0_i32 : i32, i32
  }
  func.func @transform_7(%arg0: i32) -> (i32, i32) {
    %c0_i32 = arith.constant 0 : i32
    %c0_i32_0 = arith.constant 0 : i32
    return %arg0, %c0_i32 : i32, i32
  }
  func.func @transform_8(%arg0: i32) -> (i32, i32) {
    %c0_i32 = arith.constant 0 : i32
    %c0_i32_0 = arith.constant 0 : i32
    return %arg0, %c0_i32 : i32, i32
  }
  func.func @transform_9(%arg0: i32) -> (i32, i32) {
    %c0_i32 = arith.constant 0 : i32
    %c0_i32_0 = arith.constant 0 : i32
    return %arg0, %c0_i32 : i32, i32
  }
}

</mosaic_0001>

<sc_bundles>
// kernel: kernel.4.cloned.1.call-start
scs
__scs_entry_jumppad:
0x0: {  	(pc) =	sbr.rel $0x88, $3  }
0x1: {  	(tag) =	ssettag $0x0;
	lr =	simm.s32 $0x1  }
0x2: {  	[smem:$0x3F98] =	sst lr;
	_ =	strace $0xD0000000  }
0x3: {  	_ = 	snop  }
0x4: {  	_ = 	snop  }
0x5: {  	_ = 	snop  }
0x6: {  	_ = 	snop  }
0x7: {  	_ = 	snop  }
__scs_overlays_trampoline_lowered:
0x8: {  	[smem:$0x3FA7] =	sst s0  }
0x9: {  	[smem:$0x3FA8] =	sst s1  }
0xa: {  	[smem:$0x3FA9] =	sst s2  }
0xb: {  	[smem:$0x3FAA] =	sst s3  }
0xc: {  	[smem:$0x3FAB] =	sst s4  }
0xd: {  	[smem:$0x3FAC] =	sst s5  }
0xe: {  	[smem:$0x3FAD] =	sst s6  }
0xf: {  	[smem:$0x3FAE] =	sst s7  }
0x10: {  	[smem:$0x3FAF] =	sst s8  }
0x11: {  	[smem:$0x3FB0] =	sst s9;
	s0 =	simm.s32 @!p0 $0x0  }
0x12: {  	s1 =	sld [smem:$0x3F96];
	s0 =	simm.s32 @p0 $0x1  }
0x13: {  	[smem:$0x3FB1] =	sst s0;
	s0 =	simm.s32 @!p1 $0x0  }
0x14: {  	s2 =	sld [smem:$0x3F95];
	s0 =	simm.s32 @p1 $0x1  }
0x15: {  	[smem:$0x3FB2] =	sst s0;
	s0 =	simm.s32 @!p2 $0x0  }
0x16: {  	s3 =	sld [smem:$0x3FDB];
	s0 =	simm.s32 @p2 $0x1  }
0x17: {  	s4 =	simm.s32 $0x1BF5;
	[smem:$0x3FB4] =	sst s0  }
0x18: {  	s0 =	sld [smem:$0x3F97];
	_ =	swait.ge [sflag:s4], $0x0  }
0x19: {  	s7 =	sld [smem:$0x3F98]  }
0x1a: {  	s8 =	sadd.s32 $0xFFFFE003, lr  }
0x1b: {  	s9 =	sadd.s32 $0xFFFFFEF7, lr;
	s5 =	simm.s32 $0xFFFFFFFF;
	p2 =	slt.u32 s8, $0xFFFFF086  }
0x1c: {  	p1 =	slt.u32 s9, $0xF7A;
	s5 =	simm.s32 @!p2 $0x0  }
0x1d: {  	s5 =	simm.s32 @p1 $0x1;
	p0 =	seq.s32 s7, s2  }
0x1e: {  	s7 =	smul.u32 @!p0 $0xF7A, s2;
	p2 =	seq.s32 @!p0 s5, $0x0  }
0x1f: {  	s9 =	smul.u32 $0xF7A, s1;
	s8 =	simm.s32 @!p0 $0x1BF5;
	p2 =	por !p2, p0  }
0x20: {  	[sflag:s8] =	ssyncset.s32 @!p0 $0xFFFFF086;
	s6 =	sadd.s32 @!p0 s3, s7;
	s7 =	simm.s32 @!p0 $0x108  }
0x21: {  	s3 =	sadd.s32 s3, s9;
	s6 =	sadd.s32 @!p0 $0x88, s6;
	s7 =	simm.s32 @p2 $0x1082  }
0x22: {  	[simem:s7], [sflag:s8] =	dma.local @!p0 [hbm:s6], $0xF7A  }
0x23: {  	s9 =	sor.u32 $0xD0000000, s2;
	s6 =	simm.s32 $0x108;
	_ =	swait.ge @!p0 [sflag:s8], $0x0  }
0x24: {  	s3 =	sadd.s32 $0x88, s3;
	s6 =	simm.s32 @!p1 $0x1082;
	[sflag:s4] =	ssyncset.s32 $0xFFFFF086  }
0x25: {  	[simem:s6], [sflag:s4] =	dma.local [hbm:s3], $0xF7A  }
0x26: {  	[smem:$0x3F98] =	sst s1;
	(tag) =	ssettag s2;
	_ =	strace s9  }
0x27: {  	s1 =	sld [smem:$0x3FA8]  }
0x28: {  	s2 =	sld [smem:$0x3FA9]  }
0x29: {  	s4 =	sld [smem:$0x3FAB]  }
0x2a: {  	p0 =	seq.s32 s5, $0x0;
	s5 =	sld [smem:$0x3FAC]  }
0x2b: {  	s6 =	sld [smem:$0x3FAD]  }
0x2c: {  	s7 =	sld [smem:$0x3FAE]  }
0x2d: {  	s3 =	simm.s32 $0x108;
	s8 =	sld [smem:$0x3FAF]  }
0x2e: {  	s3 =	simm.s32 @!p0 $0x1082;
	s9 =	sld [smem:$0x3FB0]  }
0x2f: {  	lr =	sadd.s32 s0, s3;
	s0 =	sld [smem:$0x3FA7]  }
0x30: {  	s3 =	sld [smem:$0x3FAA]  }
0x31: {  	[smem:$0x3FB3] =	sst s10  }
0x32: {  	s10 =	sld [smem:$0x3FB1];
	_ =	sdelay $0x3  }
0x33: {  	p0 =	seq.s32 s10, $0x1;
	s10 =	sld [smem:$0x3FB3];
	_ =	sdelay $0x3  }
0x34: {  	[smem:$0x3FB3] =	sst s10  }
0x35: {  	s10 =	sld [smem:$0x3FB2];
	_ =	sdelay $0x3  }
0x36: {  	p1 =	seq.s32 s10, $0x1;
	s10 =	sld [smem:$0x3FB3];
	_ =	sdelay $0x3  }
0x37: {  	[smem:$0x3FB3] =	sst s10  }
0x38: {  	s10 =	sld [smem:$0x3FB4]  }
0x39: {  	_ = 	snop;
	(pc) =	sbr.ind lr, $3  }
0x3a: {  	_ = 	snop  }
0x3b: {  	_ = 	snop  }
0x3c: {  	p2 =	seq.s32 s10, $0x1;
	s10 =	sld [smem:$0x3FB3]  }
0x3d: {  	_ =	shalt  }
0x3e: {  	_ =	shalt  }
0x3f: {  	_ =	shalt  }
0x40: {  	_ =	shalt  }
0x41: {  	_ =	shalt  }
0x42: {  	_ =	shalt  }
0x43: {  	_ =	shalt  }
0x44: {  	_ =	shalt  }
0x45: {  	_ =	shalt  }
0x46: {  	_ =	shalt  }
0x47: {  	_ =	shalt  }
0x48: {  	_ =	shalt  }
0x49: {  	_ =	shalt  }
0x4a: {  	_ =	shalt  }
0x4b: {  	_ =	shalt  }
0x4c: {  	_ =	shalt  }
0x4d: {  	_ =	shalt  }
0x4e: {  	_ =	shalt  }
0x4f: {  	_ =	shalt  }
0x50: {  	_ =	shalt  }
0x51: {  	_ =	shalt  }
0x52: {  	_ =	shalt  }
0x53: {  	_ =	shalt  }
0x54: {  	_ =	shalt  }
0x55: {  	_ =	shalt  }
0x56: {  	_ =	shalt  }
0x57: {  	_ =	shalt  }
0x58: {  	_ =	shalt  }
0x59: {  	_ =	shalt  }
0x5a: {  	_ =	shalt  }
0x5b: {  	_ =	shalt  }
0x5c: {  	_ =	shalt  }
0x5d: {  	_ =	shalt  }
0x5e: {  	_ =	shalt  }
0x5f: {  	_ =	shalt  }
0x60: {  	_ =	shalt  }
0x61: {  	_ =	shalt  }
0x62: {  	_ =	shalt  }
0x63: {  	_ =	shalt  }
0x64: {  	_ =	shalt  }
0x65: {  	_ =	shalt  }
0x66: {  	_ =	shalt  }
0x67: {  	_ =	shalt  }
0x68: {  	_ =	shalt  }
0x69: {  	_ =	shalt  }
0x6a: {  	_ =	shalt  }
0x6b: {  	_ =	shalt  }
0x6c: {  	_ =	shalt  }
0x6d: {  	_ =	shalt  }
0x6e: {  	_ =	shalt  }
0x6f: {  	_ =	shalt  }
0x70: {  	_ =	shalt  }
0x71: {  	_ =	shalt  }
0x72: {  	_ =	shalt  }
0x73: {  	_ =	shalt  }
0x74: {  	_ =	shalt  }
0x75: {  	_ =	shalt  }
0x76: {  	_ =	shalt  }
0x77: {  	_ =	shalt  }
0x78: {  	_ =	shalt  }
0x79: {  	_ =	shalt  }
0x7a: {  	_ =	shalt  }
0x7b: {  	_ =	shalt  }
0x7c: {  	_ =	shalt  }
0x7d: {  	_ =	shalt  }
0x7e: {  	_ =	shalt  }
0x7f: {  	_ =	shalt  }
0x80: {  	_ =	shalt  }
0x81: {  	_ =	shalt  }
0x82: {  	_ =	shalt  }
0x83: {  	_ =	shalt  }
0x84: {  	_ =	shalt  }
0x85: {  	_ =	shalt  }
0x86: {  	_ =	shalt  }
0x87: {  	_ =	shalt  }
.Lfunc_end0:
.L_simem_size_0:
called_computation_lowered:
.L_overlay_start_0:
0x88: {  	s2 =	sld [smem:$0x3FD9]  }
0x89: {  	s3 =	sld [smem:$0x3FFE];
	_ =	sdelay $0x1  }
0x8a: {  	s1 =	srdreg.scid  }
0x8b: {  	s0 =	sand.u32 $0x1, s1  }
0x8c: {  	s17 =	sshll.u32 s0, $0xA;
	s2 =	sadd.s32 s3, s2  }
0x8d: {  	s2 =	sadd.s32 s2, s17  }
0x8e: {  	[smem:$0x3FBF] =	sst s2  }
0x8f: {  	_ = 	snop  }
0x90: {  	s2 =	sld [smem:$0x3FC9]  }
0x91: {  	s18 =	sld [smem:$0x3FC8];
	(tm) =	ssettm $0x1  }
0x92: {  	s4 =	sld [smem:$0x3FFB];
	_ =	sdelay $0x3  }
0x93: {  	_ =	strace s4  }
0x94: {  	s4 =	sld [smem:$0x3FFC];
	_ =	sdelay $0x3  }
0x95: {  	_ =	strace s4  }
0x96: {  	s4 =	sld [smem:$0x3FFD];
	_ =	sdelay $0x3  }
0x97: {  	_ =	strace s4  }
0x98: {  	_ =	strace $0x8FFFFFFF  }
0x99: {  	s19 =	sld [smem:$0x3FDB];
	_ =	sdelay $0x1  }
0x9a: {  	s5 =	simm.s32 $_scs_section_size  }
0x9b: {  	s6 =	simm.s32 $_size__tile_overlayer_lowered;
	s7 =	simm.s32 $_tile_overlayer_lowered  }
0x9c: {  	s22 =	simm.s32 $0x1BFF;
	s21 =	sshll.u32 s7, $0x1;
	s4 =	sadd.s32 s5, s19  }
0x9d: {  	s8 =	simm.s32 $0x0;
	s20 =	sshll.u32 s6, $0x1;
	s6 =	sadd.s32 s21, s4  }
0x9e: {  	[timem:s8], [sflag:s22] =	dma.local [hbm:s6], s20  }
0x9f: {  	_ =	swait.ge [sflag:s22], s20  }
0xa0: {  	s5 =	ssub.s32 $0x0, s20;
	[sflag:s22] =	ssyncset.done $0x0  }
0xa1: {  	[sflag:s22] =	ssyncadd.s32 s5;
	_ =	sdelay $0x1  }
0xa2: {  	s23 =	simm.s32 $0x1B8B  }
0xa3: {  	_ =	swait.ge [sflag:s23], $0x1  }
0xa4: {  	[sflag:s23] =	ssyncset.done $0x0  }
0xa5: {  	s25 =	simm.s32 $0x1B8E;
	s24 =	sld [smem:$0x3FFE];
	[sflag:s23] =	ssyncadd.s32 $0xFFFFFFFF  }
0xa6: {  	s26 =	simm.s32 $execute0_lowered;
	[smem:$0x3FD2] =	sst s25  }
0xa7: {  	s6 =	sshll.u32 s26, $0x1;
	_ =	strace $0x80000046;
	[dreg:$0x1] =	wrdreg $0xFFFFFFFF  }
0xa8: {  	s28 =	simm.s32 $_size_execute0_lowered;
	s4 =	sadd.s32 s4, s6;
	[dreg:$0x0] =	wrdreg $0x0  }
0xa9: {  	s6 =	sshll.u32 s28, $0x1;
	[dreg:$0x2] =	wrdreg s4  }
0xaa: {  	[dreg:$0x3] =	wrdreg s6  }
0xab: {  	[dreg:$0x4] =	wrdreg $0xC0  }
0xac: {  	_ =	task [dreg:s8], $0x5FFFF  }
0xad: {  	[dreg:$0x1] =	wrdreg $0xFFFFFFFF  }
0xae: {  	[dreg:$0x0] =	wrdreg $0x60  }
0xaf: {  	[dreg:$0x2] =	wrdreg s2  }
0xb0: {  	[dreg:$0x3] =	wrdreg s18  }
0xb1: {  	[dreg:$0x4] =	wrdreg s24  }
0xb2: {  	[dreg:$0x5] =	wrdreg $0x9  }
0xb3: {  	_ =	task.clear_ibuf [dreg:s8], $0x6FFFF;
	_ =	strace $0x90000046  }
0xb4: {  	s29 =	simm.s32 $0x9;
	_ =	strace $0x80000048  }
0xb5: {  	_ =	swait.ge [sflag:s29], $0x1  }
0xb6: {  	[sflag:s29] =	ssyncadd.s32 $0xFFFFFFFF  }
0xb7: {  	_ =	strace $0x90000048  }
0xb8: {  	_ =	sfence  }
0xb9: {  	s30 =	sld [smem:$0x0];
	_ =	sdelay $0x2  }
0xba: {  	s31 =	sshll.u32 s1, $0xD;
	s1 =	sshrl.u32 s1, $0x2  }
0xbb: {  	s3 =	sand.u32 $0x4000, s31;
	s1 =	sadd.s32 s1, s30  }
0xbc: {  	s0 =	sor.u32 s3, s0;
	s1 =	sshll.u32 s1, $0x11  }
0xbd: {  	s0 =	sor.u32 s1, s0  }
0xbe: {  	s0 =	sadd.s32 $0x8F2B, s0  }
0xbf: {  	[sflag:s0] =	ssyncadd.remote.s32 $0x1  }
0xc0: {  	_ =	sfence.sel $0xFFFF  }
0xc1: {  	[dreg:$0x0] =	wrdreg $0xFFFFFFFF;
	(pc) =	sbr.abs _section_cstart, $3  }
0xc2: {  	[dreg:$0x1] =	wrdreg $0xFFFFFFFF  }
0xc3: {  	_ =	task.clear_ibuf [dreg:s8], $0x2FFFF;
	_ =	strace $0x9FFFFFFF  }
0xc4: {  	(tm) =	ssettm $0x7FFFFFFF  }
0xc5: {  	_ =	shalt  }
tec
execute0_lowered:
.L_overlay_start_1:
0x0: {  	(tag) =	ssettag $0x1  }
0x1: {  	s0 =	rddreg [dreg:$0x0]  }
0x2: {  	s3 =	rddreg [dreg:$0x1];
	s1 =	srdreg.scid  }
0x3: {  	s2 =	stileid.u32;
	s6 =	rddreg [dreg:$0x2];
	s1 =	sand.u32 $0x1, s1  }
0x4: {  	s4 =	sshll.u32 s2, $0x1;
	s2 =	simm.s32 $0x0;
	s8 =	sadd.s32 $0x24D200, s6  }
0x5: {  	s13 =	sadd.s32 $0xB000, s6;
	s5 =	sor.u32 s1, s4;
	[smem:$0x7FF] =	sst s2  }
0x6: {  	s4 =	smul.u32 $0x140, s5;
	_ =	strace $0x80000047;
	s9 =	sshll.u32 s5, $0x2  }
0x7: {  	[dreg:$0x4] =	wrdreg s8;
	s22 =	sshll.u32 s5, $0x8;
	s0 =	sadd.s32 s0, s9  }
0x8: {  	s23 =	sadd.s32 s3, s9;
	s24 =	sadd.s32 s22, s6;
	[dreg:$0x5] =	wrdreg s0  }
0x9: {  	s12 =	smul.u32 $0xA00, s5;
	[dreg:$0x6] =	wrdreg s23;
	s8 =	sadd.s32 $0x21000, s24  }
0xa: {  	s7 =	sshrl.u32 s4, $0x3;
	s9 =	sadd.s32 $0x1F000, s24;
	[dreg:$0x8] =	wrdreg s8  }
0xb: {  	s14 =	sadd.s32 $0x80, s4;
	s4 =	sadd.s32 $0x100, s4;
	[dreg:$0x9] =	wrdreg s9  }
0xc: {  	s19 =	smul.u32 $0x1400, s5;
	s15 =	sadd.s32 s13, s12;
	[dreg:$0x11] =	wrdreg s4  }
0xd: {  	s26 =	sshll.u32 s5, $0x9;
	s0 =	sadd.s32 $0x23000, s6;
	[dreg:$0xc] =	wrdreg s15  }
0xe: {  	s7 =	sadd.s32 s7, s6;
	s20 =	sadd.s32 s0, s19;
	s22 =	rddreg [dreg:$0x5]  }
0xf: {  	s16 =	sshll.u32 s14, $0x3;
	s25 =	sadd.s32 $0x2C00, s7;
	[dreg:$0xf] =	wrdreg s20  }
0x10: {  	[tilespmem:s2], [sflag:$0x2] =	stream.linear.gather [hbm4b:s22+s2], $0x20, $0x38;
	[tilespmem:$0x12480] =	vst v63  }
0x11: {  	s18 =	sshll.u32 s4, $0x3;
	s17 =	sadd.s32 s13, s16;
	[dreg:$0x7] =	wrdreg s25  }
0x12: {  	s21 =	sshll.u32 s14, $0x4;
	s3 =	sadd.s32 s13, s18;
	[dreg:$0xd] =	wrdreg s17  }
0x13: {  	s7 =	sadd.s32 s26, s6;
	s23 =	sadd.s32 s0, s21;
	[dreg:$0xe] =	wrdreg s3  }
0x14: {  	s10 =	sadd.s32 $0x4B000, s7;
	[dreg:$0x10] =	wrdreg s23  }
0x15: {  	s11 =	sadd.s32 $0x4F000, s7;
	[dreg:$0xa] =	wrdreg s10  }
0x16: {  	s3 =	simm.s32 $0x2;
	[dreg:$0xb] =	wrdreg s11  }
0x17: {  	_ =	swait.ge [sflag:s3], $0x20  }
0x18: {  	s4 =	simm.s32 $0x20;
	[sflag:s3] =	ssyncset.done $0x0  }
0x19: {  	s7 =	sshll.u32 s5, $0x5;
	s24 =	rddreg [dreg:$0x6];
	[sflag:s3] =	ssyncadd.s32 $0xFFFFFFE0  }
0x1a: {  	[tilespmem:s4], [sflag:$0x2] =	stream.linear.gather [hbm4b:s24+s2], $0x20, $0x38;
	[tilespmem:$0x12480] =	vst v63  }
0x1b: {  	s5 =	sor.u32 $0x10, s7;
	s26 =	sadd.s32 $0x20, s7;
	_ =	swait.ge [sflag:s3], $0x20  }
0x1c: {  	v19 =	vlaneseq.u32;
	s10 =	sadd.s32 $0x30, s7;
	s11 =	sadd.s32 $0x40, s7;
	[sflag:s3] =	ssyncset.done $0x0  }
0x1d: {  	v1 =	vor.u32 s5, v19;
	s5 =	simm.s32 $0x40;
	s25 =	rddreg [dreg:$0x7];
	[sflag:s3] =	ssyncadd.s32 $0xFFFFFFE0  }
0x1e: {  	v0 =	vor.u32 s7, v19;
	[tilespmem:s5], [sflag:$0x2] =	stream.linear.gather [hbm4b:s25+s2], $0x140, $0x38;
	[tilespmem:$0x12480] =	vst v63  }
0x1f: {  	s12 =	sadd.s32 $0x50, s7;
	s13 =	sadd.s32 $0x60, s7;
	v0 =	vand.u32 $0x1EF, v0;
	_ =	swait.ge [sflag:s3], $0x140  }
0x20: {  	s14 =	sadd.s32 $0x70, s7;
	s15 =	sadd.s32 $0x80, s7;
	v2 =	vor.u32 s26, v19;
	v3 =	vor.u32 s10, v19;
	v4 =	vor.u32 s11, v19;
	[sflag:s3] =	ssyncset.done $0x0  }
0x21: {  	s16 =	sadd.s32 $0x90, s7;
	s17 =	sadd.s32 $0xA0, s7;
	v5 =	vor.u32 s12, v19;
	v6 =	vor.u32 s13, v19;
	v7 =	vor.u32 s14, v19;
	[sflag:s3] =	ssyncadd.s32 $0xFFFFFEC0  }
0x22: {  	s18 =	sadd.s32 $0xB0, s7;
	s19 =	sadd.s32 $0xC0, s7;
	s20 =	sadd.s32 $0xD0, s7;
	v8 =	vor.u32 s15, v19;
	v9 =	vor.u32 s16, v19;
	v10 =	vor.u32 s17, v19;
	v15 =	vld [tilespmem:$0x170]  }
0x23: {  	s21 =	sadd.s32 $0xE0, s7;
	s22 =	sadd.s32 $0xF0, s7;
	s23 =	sadd.s32 $0x130, s7;
	v11 =	vor.u32 s18, v19;
	v12 =	vor.u32 s19, v19;
	v13 =	vor.u32 s20, v19;
	v17 =	vld [tilespmem:$0x40]  }
0x24: {  	v14 =	vor.u32 s21, v19;
	v18 =	vor.u32 s22, v19;
	v22 =	vor.u32 s23, v19;
	v20 =	vld [tilespmem:$0x160]  }
0x25: {  	v1 =	vand.u32 $0x1FF, v1;
	v2 =	vand.u32 $0x1EF, v2;
	v3 =	vand.u32 $0x1FF, v3;
	v21 =	vld [tilespmem:$0x30]  }
0x26: {  	v4 =	vand.u32 $0x1EF, v4;
	v5 =	vand.u32 $0x1FF, v5;
	v6 =	vand.u32 $0x1EF, v6;
	v23 =	vld [tilespmem:$0x60]  }
0x27: {  	v7 =	vand.u32 $0x1FF, v7;
	v8 =	vand.u32 $0x1EF, v8;
	v9 =	vand.u32 $0x1FF, v9;
	v48 =	vld [tilespmem:$0x50]  }
0x28: {  	v10 =	vand.u32 $0x1EF, v10;
	v11 =	vand.u32 $0x1FF, v11;
	v12 =	vand.u32 $0x1EF, v12;
	s25 =	sadd.s32 $0x120, s7;
	v49 =	vld [tilespmem:$0x0]  }
0x29: {  	v13 =	vand.u32 $0x1FF, v13;
	v14 =	vand.u32 $0x1EF, v14;
	v53 =	vor.u32 s25, v19;
	v52 =	vld [tilespmem:$0x20]  }
0x2a: {  	v54 =	vld [tilespmem:$0x70];
	vm0 =	vlt.s32 v15, $0x186A0;
	v16 =	vadd.s32 $0xFFFE7960, v15;
	vm1 =	vlt.s32 v17, $0x186A0  }
0x2b: {  	v30 =	vld [tilespmem:$0x90];
	v26 =	vadd.s32 $0xFFFE7960, v17;
	vm10 =	vlt.s32 v20, $0x186A0;
	v27 =	vadd.s32 $0xFFFE7960, v21  }
0x2c: {  	vm11 =	vlt.s32 v21, $0x186A0;
	v50 =	vadd.s32 $0xFFFE7960, v23;
	vm12 =	vlt.s32 v23, $0x186A0  }
0x2d: {  	v55 =	vld [tilespmem:$0x80];
	v51 =	vadd.s32 $0xFFFE7960, v20;
	v28 =	vadd.s32 $0xFFFE7960, v48;
	v26 =	vsel vm1, v17, v26  }
0x2e: {  	v57 =	vld [tilespmem:$0xC0];
	vm13 =	vlt.s32 v48, $0x186A0;
	vm14 =	vlt.s32 v49, $0x186A0;
	v17 =	vsel vm11, v21, v27;
	[tilespmem:$0x200] =	vst v26  }
0x2f: {  	v58 =	vld [tilespmem:$0xB0];
	v29 =	vadd.s32 $0xFFFE7960, v49;
	vm5 =	vlt.s32 v52, $0x186A0;
	v21 =	vsel vm12, v23, v50;
	[tilespmem:$0x1B0] =	vst v17  }
0x30: {  	v31 =	vadd.s32 $0xFFFE7960, v54;
	vm7 =	vlt.s32 v30, $0x186A0;
	v20 =	vsel vm10, v20, v51;
	[tilespmem:$0x220] =	vst v21  }
0x31: {  	v24 =	vsel vm0, v15, v16;
	v16 =	vand.u32 $0x1FF, v22;
	v22 =	vsel vm13, v48, v28;
	[tilespmem:$0x320] =	vst v20  }
0x32: {  	v59 =	vadd.s32 $0xFFFE7960, v30;
	vm8 =	vlt.s32 v55, $0x186A0;
	v61 =	vadd.s32 $0xFFFE7960, v52;
	[tilespmem:$0x210] =	vst v22  }
0x33: {  	v62 =	vadd.s32 $0xFFFE7960, v57;
	v23 =	vsel vm5, v52, v61;
	vm11 =	vlt.s32 v57, $0x186A0;
	[tilespmem:$0x330] =	vst v24  }
0x34: {  	v56 =	vld [tilespmem:$0xA0];
	v32 =	vadd.s32 $0xFFFE7960, v58;
	vm13 =	vlt.s32 v54, $0x186A0;
	[tilespmem:$0x1A0] =	vst v23;
	v27 =	vsel vm11, v57, v62  }
0x35: {  	v35 =	vld [tilespmem:$0xE0];
	vm10 =	vlt.s32 v58, $0x186A0;
	vm0 =	vlt.s32 v24, $0x3E8;
	v28 =	vsel vm13, v54, v31;
	[tilespmem:$0x280] =	vst v27  }
0x36: {  	v36 =	vld [tilespmem:$0xF0];
	vm2 =	vlt.s32 v17, $0x3E8;
	v25 =	vsel vm0, v24, v16;
	v24 =	vsel vm10, v58, v32;
	[tilespmem:$0x230] =	vst v28  }
0x37: {  	v37 =	vld [tilespmem:$0x100];
	vm1 =	vlt.s32 v21, $0x3E8;
	v17 =	vsel vm2, v17, v1;
	v25 =	vadd.s32 $0x3E8, v25;
	[tilespmem:$0x270] =	vst v24  }
0x38: {  	v38 =	vld [tilespmem:$0x110];
	vm15 =	vlt.s32 v22, $0x3E8;
	v21 =	vsel vm1, v21, v2;
	v17 =	vadd.s32 $0x3E8, v17;
	[tilespmem:$0x470] =	vst v25  }
0x39: {  	v40 =	vld [tilespmem:$0x120];
	vm4 =	vlt.s32 v26, $0x3E8;
	v22 =	vsel vm15, v22, v1;
	v21 =	vadd.s32 $0x3E8, v21;
	[tilespmem:$0x1F0] =	vst v17  }
0x3a: {  	v60 =	vadd.s32 $0xFFFE7960, v55;
	v26 =	vsel vm4, v26, v0;
	v22 =	vadd.s32 $0x3E8, v22;
	[tilespmem:$0x360] =	vst v21  }
0x3b: {  	vm9 =	vlt.s32 v56, $0x186A0;
	v63 =	vadd.s32 $0xFFFE7960, v56;
	v26 =	vadd.s32 $0x3E8, v26;
	[tilespmem:$0x350] =	vst v22  }
0x3c: {  	v39 =	vadd.s32 $0xFFFE7960, v35;
	v42 =	vadd.s32 $0xFFFE7960, v36;
	v25 =	vsel vm14, v49, v29;
	[tilespmem:$0x340] =	vst v26  }
0x3d: {  	v43 =	vadd.s32 $0xFFFE7960, v37;
	v46 =	vadd.s32 $0xFFFE7960, v38;
	v22 =	vsel vm7, v30, v59;
	[tilespmem:$0x180] =	vst v25  }
0x3e: {  	v47 =	vadd.s32 $0xFFFE7960, v40;
	vm4 =	vlt.s32 v23, $0x3E8;
	v26 =	vsel vm8, v55, v60;
	[tilespmem:$0x250] =	vst v22  }
0x3f: {  	v48 =	vld [tilespmem:$0x140];
	vm13 =	vlt.s32 v28, $0x3E8;
	v23 =	vsel vm4, v23, v0;
	v21 =	vsel vm9, v56, v63;
	[tilespmem:$0x240] =	vst v26  }
0x40: {  	vm6 =	vlt.s32 v20, $0x3E8;
	v51 =	vsel vm13, v28, v3;
	v23 =	vadd.s32 $0x3E8, v23;
	[tilespmem:$0x260] =	vst v21  }
0x41: {  	vm5 =	vlt.s32 v24, $0x3E8;
	vm9 =	vlt.s32 v37, $0x186A0;
	v52 =	vadd.s32 $0x3E8, v51;
	[tilespmem:$0x1E0] =	vst v23  }
0x42: {  	v17 =	vand.u32 $0x1EF, v53;
	v24 =	vsel vm5, v24, v7;
	v45 =	vsel vm9, v37, v43;
	[tilespmem:$0x370] =	vst v52  }
0x43: {  	v20 =	vsel vm6, v20, v17;
	vm12 =	vlt.s32 v26, $0x3E8;
	v44 =	vadd.s32 $0x3E8, v24;
	[tilespmem:$0x2C0] =	vst v45  }
0x44: {  	v55 =	vadd.s32 $0xFFFE7960, v48;
	vm5 =	vlt.s32 v48, $0x186A0;
	v20 =	vadd.s32 $0x3E8, v20;
	[tilespmem:$0x3B0] =	vst v44  }
0x45: {  	vm15 =	vlt.s32 v22, $0x3E8;
	v26 =	vsel vm12, v26, v4;
	v57 =	vsel vm5, v48, v55;
	[tilespmem:$0x460] =	vst v20  }
0x46: {  	vm6 =	vlt.s32 v27, $0x3E8;
	v22 =	vsel vm15, v22, v5;
	v26 =	vadd.s32 $0x3E8, v26;
	[tilespmem:$0x300] =	vst v57  }
0x47: {  	s24 =	sadd.s32 $0x100, s7;
	v15 =	vand.u32 $0x1FF, v18;
	v27 =	vsel vm6, v27, v8;
	v22 =	vadd.s32 $0x3E8, v22;
	[tilespmem:$0x380] =	vst v26  }
0x48: {  	s7 =	sadd.s32 $0x110, s7;
	v18 =	vor.u32 s24, v19;
	vm12 =	vlt.s32 v40, $0x186A0;
	v41 =	vadd.s32 $0x3E8, v27;
	[tilespmem:$0x390] =	vst v22  }
0x49: {  	v19 =	vor.u32 s7, v19;
	vm15 =	vlt.s32 v25, $0x3E8;
	v20 =	vld [tilespmem:$0xD0];
	v50 =	vsel vm12, v40, v47;
	[tilespmem:$0x3C0] =	vst v41  }
0x4a: {  	vm10 =	vlt.s32 v38, $0x186A0;
	vm8 =	vlt.s32 v36, $0x186A0;
	v25 =	vsel vm15, v25, v0;
	[tilespmem:$0x2E0] =	vst v50  }
0x4b: {  	v26 =	vsel vm8, v36, v42;
	v22 =	vsel vm10, v38, v46;
	[tilespmem:$0x1C0] =	vst v25;
	vm12 =	vlt.s32 v50, $0x3E8  }
0x4c: {  	[tilespmem:$0x2B0] =	vst v26;
	vm11 =	vlt.s32 v26, $0x3E8;
	vm8 =	vlt.s32 v22, $0x3E8;
	v62 =	vsel vm12, v50, v14  }
0x4d: {  	[tilespmem:$0x2D0] =	vst v22;
	v26 =	vsel vm11, v26, v11;
	v22 =	vsel vm8, v22, v13;
	v23 =	vadd.s32 $0x3E8, v62  }
0x4e: {  	v58 =	vld [tilespmem:$0x10];
	v49 =	vadd.s32 $0x3E8, v26;
	[tilespmem:$0x420] =	vst v23;
	v34 =	vadd.s32 $0xFFFE7960, v20;
	vm14 =	vlt.s32 v20, $0x186A0  }
0x4f: {  	v22 =	vadd.s32 $0x3E8, v22;
	[tilespmem:$0x3F0] =	vst v49;
	v20 =	vsel vm14, v20, v34;
	vm14 =	vlt.s32 v21, $0x3E8  }
0x50: {  	v18 =	vand.u32 $0x1EF, v18;
	[tilespmem:$0x410] =	vst v22;
	vm0 =	vlt.s32 v20, $0x3E8;
	v21 =	vsel vm14, v21, v6  }
0x51: {  	v54 =	vld [tilespmem:$0x130];
	vm4 =	vlt.s32 v45, $0x3E8;
	[tilespmem:$0x290] =	vst v20;
	v20 =	vsel vm0, v20, v9;
	v21 =	vadd.s32 $0x3E8, v21  }
0x52: {  	v19 =	vand.u32 $0x1FF, v19;
	v53 =	vld [tilespmem:$0x150];
	v56 =	vsel vm4, v45, v12;
	v20 =	vadd.s32 $0x3E8, v20;
	[tilespmem:$0x3A0] =	vst v21  }
0x53: {  	vm7 =	vlt.s32 v35, $0x186A0;
	v61 =	vadd.s32 $0xFFFE7960, v58;
	v21 =	vadd.s32 $0x3E8, v56;
	[tilespmem:$0x3D0] =	vst v20  }
0x54: {  	vm11 =	vlt.s32 v58, $0x186A0;
	v20 =	vsel vm7, v35, v39;
	vm7 =	vlt.s32 v57, $0x3E8;
	[tilespmem:$0x400] =	vst v21  }
0x55: {  	v21 =	vsel vm11, v58, v61;
	[tilespmem:$0x2A0] =	vst v20;
	vm6 =	vlt.s32 v20, $0x3E8;
	v24 =	vsel vm7, v57, v18  }
0x56: {  	vm10 =	vlt.s32 v54, $0x186A0;
	[tilespmem:$0x190] =	vst v21;
	v20 =	vsel vm6, v20, v10;
	v59 =	vadd.s32 $0x3E8, v24  }
0x57: {  	vm9 =	vlt.s32 v53, $0x186A0;
	v60 =	vadd.s32 $0xFFFE7960, v53;
	v20 =	vadd.s32 $0x3E8, v20;
	[tilespmem:$0x440] =	vst v59  }
0x58: {  	vm14 =	vlt.s32 v21, $0x3E8;
	v24 =	vsel vm9, v53, v60;
	[tilespmem:$0x3E0] =	vst v20;
	v20 =	vadd.s32 $0xFFFE7960, v54  }
0x59: {  	v21 =	vsel vm14, v21, v1;
	[tilespmem:$0x310] =	vst v24;
	vm13 =	vlt.s32 v24, $0x3E8;
	v20 =	vsel vm10, v54, v20  }
0x5a: {  	[tilespmem:$0x1D0] =	vst v21;
	v63 =	vsel vm13, v24, v19;
	vm15 =	vlt.s32 v20, $0x3E8  }
0x5b: {  	v22 =	vadd.s32 $0x3E8, v63;
	[tilespmem:$0x2F0] =	vst v20;
	v20 =	vsel vm15, v20, v15  }
0x5c: {  	[tilespmem:$0x450] =	vst v22;
	v20 =	vadd.s32 $0x3E8, v20  }
0x5d: {  	s16 =	simm.s32 $0x180;
	s14 =	simm.s32 $0x480;
	s26 =	rddreg [dreg:$0x4];
	[tilespmem:$0x430] =	vst v20  }
0x5e: {  	[tilespmem:s14], [sflag:$0x1] =	stream.indirect.gather [hbm4b:s26+s4], $0x40, s16, s4, $0xb8;
	[tilespmem:$0x12480] =	vst v63  }
0x5f: {  	s17 =	sadd.s32 $0x189C00, s6;
	s18 =	simm.s32 $0x1A0;
	s15 =	simm.s32 $0xC80  }
0x60: {  	[tilespmem:s15], [sflag:$0x1] =	stream.indirect.gather [hbm4b:s17+s4], $0x40, s18, s4, $0xb8;
	[tilespmem:$0x12480] =	vst v63  }
0x61: {  	s19 =	sadd.s32 $0x3200, s6;
	s20 =	simm.s32 $0x1C0;
	s13 =	simm.s32 $0x1480  }
0x62: {  	[tilespmem:s13], [sflag:$0x1] =	stream.indirect.gather [hbm4b:s19+s4], $0x80, s20, s4, $0xb8;
	[tilespmem:$0x12480] =	vst v63  }
0x63: {  	s21 =	simm.s32 $0x1E0;
	s10 =	simm.s32 $0x2480  }
0x64: {  	[tilespmem:s10], [sflag:$0x1] =	stream.indirect.gather [hbm4b:s19+s4], $0x80, s21, s4, $0xb8;
	[tilespmem:$0x12480] =	vst v63  }
0x65: {  	s9 =	simm.s32 $0x3480;
	s22 =	simm.s32 $0x80;
	s23 =	simm.s32 $0x200  }
0x66: {  	[tilespmem:s9], [sflag:$0x1] =	stream.indirect.gather [hbm4b:s17+s22], $0x40, s23, s22, $0xb8;
	[tilespmem:$0x12480] =	vst v63  }
0x67: {  	s6 =	simm.s32 $0x8480;
	s24 =	simm.s32 $0x340  }
0x68: {  	[tilespmem:s6], [sflag:$0x1] =	stream.indirect.gather [hbm4b:s19+s22], $0x80, s24, s22, $0xb8;
	[tilespmem:$0x12480] =	vst v63  }
0x69: {  	s11 =	simm.s32 $0x5480;
	s26 =	simm.s32 $0x280  }
0x6a: {  	[tilespmem:s11], [sflag:$0x1] =	stream.indirect.gather [hbm4b:s17+s22], $0x40, s26, s22, $0xb8;
	[tilespmem:$0x12480] =	vst v63  }
0x6b: {  	s28 =	simm.s32 $0x3C0;
	s7 =	simm.s32 $0xC480  }
0x6c: {  	[tilespmem:s7], [sflag:$0x1] =	stream.indirect.gather [hbm4b:s19+s22], $0x80, s28, s22, $0xb8;
	[tilespmem:$0x12480] =	vst v63  }
0x6d: {  	s29 =	simm.s32 $0x300;
	s12 =	simm.s32 $0x7480  }
0x6e: {  	[tilespmem:s12], [sflag:$0x1] =	stream.indirect.gather [hbm4b:s17+s5], $0x40, s29, s5, $0xb8;
	[tilespmem:$0x12480] =	vst v63  }
0x6f: {  	s31 =	simm.s32 $0x440;
	s30 =	simm.s32 $0x1;
	s8 =	simm.s32 $0x10480  }
0x70: {  	[tilespmem:s8], [sflag:$0x1] =	stream.indirect.gather [hbm4b:s19+s5], $0x80, s31, s5, $0xb8;
	[tilespmem:$0x12480] =	vst v63  }
0x71: {  	_ =	swait.ge [sflag:s30], $0x800  }
0x72: {  	[sflag:s30] =	ssyncset.done $0x0  }
0x73: {  	[sflag:s30] =	ssyncadd.s32 $0xFFFFF800  }
0x74: {  	_ =	swait.ge [sflag:s30], $0x800  }
0x75: {  	[sflag:s30] =	ssyncset.done $0x0  }
0x76: {  	[sflag:s30] =	ssyncadd.s32 $0xFFFFF800  }
0x77: {  	_ =	swait.ge [sflag:s30], $0x1000  }
0x78: {  	[sflag:s30] =	ssyncset.done $0x0  }
0x79: {  	[sflag:s30] =	ssyncadd.s32 $0xFFFFF000  }
0x7a: {  	_ =	swait.ge [sflag:s30], $0x1000  }
0x7b: {  	[sflag:s30] =	ssyncset.done $0x0  }
0x7c: {  	[sflag:s30] =	ssyncadd.s32 $0xFFFFF000  }
0x7d: {  	_ =	swait.ge [sflag:s30], $0x2000  }
0x7e: {  	[sflag:s30] =	ssyncset.done $0x0  }
0x7f: {  	[sflag:s30] =	ssyncadd.s32 $0xFFFFE000  }
0x80: {  	_ =	swait.ge [sflag:s30], $0x4000  }
0x81: {  	[sflag:s30] =	ssyncset.done $0x0  }
0x82: {  	[sflag:s30] =	ssyncadd.s32 $0xFFFFC000  }
0x83: {  	s1 =	ssub.s32 $0x2, s1;
	_ =	swait.ge [sflag:s30], $0x2000  }
0x84: {  	s25 =	sshrl.u32 s1, $0x1;
	[sflag:s30] =	ssyncset.done $0x0  }
0x85: {  	s1 =	ssub.s32 s1, s25;
	[sflag:s30] =	ssyncadd.s32 $0xFFFFE000  }
0x86: {  	s1 =	smax.u32 s1, $0x1;
	_ =	swait.ge [sflag:s30], $0x4000  }
0x87: {  	p0 =	sne.s32 s1, $0x1;
	[sflag:s30] =	ssyncset.done $0x0  }
.Ltmp0:
0x88: {  	[sflag:s30] =	ssyncadd.s32 $0xFFFFC000;
	(pc) =	sbr.rel @!p0 .LBB2_2-.Ltmp0, $4  }
0x89: {  	_ =	swait.ge [sflag:s30], $0x1000  }
0x8a: {  	[sflag:s30] =	ssyncset.done $0x0;
	s25 =	rddreg [dreg:$0x11]  }
0x8b: {  	s25 =	sshll.u32 s25, $0x4;
	[sflag:s30] =	ssyncadd.s32 $0xFFFFF000  }
0x8c: {  	s1 =	sadd.s32 $0xFFFFFFFF, s1;
	s25 =	sadd.s32 s0, s25;
	_ =	swait.ge [sflag:s30], $0x2000  }
.LBB2_1:
0x8d: {  	[sflag:s30] =	ssyncset.done $0x0  }
0x8e: {  	s0 =	rddreg [dreg:$0x8];
	[sflag:s30] =	ssyncadd.s32 $0xFFFFE000  }
0x8f: {  	[hbm4b:s0+s2] =	stream.linear.scatter [tilespmem:s14], [sflag:$0x2], $0x800, $0x38;
	[tilespmem:$0x12480] =	vst v63  }
0x90: {  	_ =	swait.ge [sflag:s3], $0x800  }
0x91: {  	[sflag:s3] =	ssyncset.done $0x0  }
0x92: {  	s0 =	rddreg [dreg:$0x9];
	[sflag:s3] =	ssyncadd.s32 $0xFFFFF800  }
0x93: {  	[hbm4b:s0+s2] =	stream.linear.scatter [tilespmem:s15], [sflag:$0x2], $0x800, $0x38;
	[tilespmem:$0x12480] =	vst v63  }
0x94: {  	_ =	swait.ge [sflag:s3], $0x800  }
0x95: {  	[sflag:s3] =	ssyncset.done $0x0  }
0x96: {  	s0 =	rddreg [dreg:$0xa];
	[sflag:s3] =	ssyncadd.s32 $0xFFFFF800  }
0x97: {  	[hbm4b:s0+s2] =	stream.linear.scatter [tilespmem:s13], [sflag:$0x2], $0x1000, $0x38;
	[tilespmem:$0x12480] =	vst v63  }
0x98: {  	_ =	swait.ge [sflag:s3], $0x1000  }
0x99: {  	[sflag:s3] =	ssyncset.done $0x0  }
0x9a: {  	s0 =	rddreg [dreg:$0xb];
	[sflag:s3] =	ssyncadd.s32 $0xFFFFF000  }
0x9b: {  	[hbm4b:s0+s2] =	stream.linear.scatter [tilespmem:s10], [sflag:$0x2], $0x1000, $0x38;
	[tilespmem:$0x12480] =	vst v63  }
0x9c: {  	_ =	swait.ge [sflag:s3], $0x1000  }
0x9d: {  	[sflag:s3] =	ssyncset.done $0x0  }
0x9e: {  	s0 =	rddreg [dreg:$0xc];
	[sflag:s3] =	ssyncadd.s32 $0xFFFFF000  }
0x9f: {  	[hbm4b:s0+s2] =	stream.linear.scatter [tilespmem:s9], [sflag:$0x2], $0x2000, $0x38;
	[tilespmem:$0x12480] =	vst v63  }
0xa0: {  	_ =	swait.ge [sflag:s3], $0x2000  }
0xa1: {  	[sflag:s3] =	ssyncset.done $0x0  }
0xa2: {  	s0 =	rddreg [dreg:$0xd];
	[sflag:s3] =	ssyncadd.s32 $0xFFFFE000  }
0xa3: {  	[hbm4b:s0+s2] =	stream.linear.scatter [tilespmem:s11], [sflag:$0x2], $0x2000, $0x38;
	[tilespmem:$0x12480] =	vst v63  }
0xa4: {  	_ =	swait.ge [sflag:s3], $0x2000  }
0xa5: {  	[sflag:s3] =	ssyncset.done $0x0  }
0xa6: {  	s0 =	rddreg [dreg:$0xe];
	[sflag:s3] =	ssyncadd.s32 $0xFFFFE000  }
0xa7: {  	[hbm4b:s0+s2] =	stream.linear.scatter [tilespmem:s12], [sflag:$0x2], $0x1000, $0x38;
	[tilespmem:$0x12480] =	vst v63  }
0xa8: {  	_ =	swait.ge [sflag:s3], $0x1000  }
0xa9: {  	[sflag:s3] =	ssyncset.done $0x0  }
0xaa: {  	s0 =	rddreg [dreg:$0xf];
	[sflag:s3] =	ssyncadd.s32 $0xFFFFF000  }
0xab: {  	[hbm4b:s0+s2] =	stream.linear.scatter [tilespmem:s6], [sflag:$0x2], $0x4000, $0x38;
	[tilespmem:$0x12480] =	vst v63  }
0xac: {  	_ =	swait.ge [sflag:s3], $0x4000  }
0xad: {  	[sflag:s3] =	ssyncset.done $0x0  }
0xae: {  	s0 =	rddreg [dreg:$0x10];
	[sflag:s3] =	ssyncadd.s32 $0xFFFFC000  }
0xaf: {  	[hbm4b:s0+s2] =	stream.linear.scatter [tilespmem:s7], [sflag:$0x2], $0x4000, $0x38;
	[tilespmem:$0x12480] =	vst v63  }
0xb0: {  	_ =	swait.ge [sflag:s3], $0x4000  }
0xb1: {  	[sflag:s3] =	ssyncset.done $0x0  }
0xb2: {  	[sflag:s3] =	ssyncadd.s32 $0xFFFFC000  }
0xb3: {  	[hbm4b:s25+s2] =	stream.linear.scatter [tilespmem:s8], [sflag:$0x2], $0x2000, $0x38;
	[tilespmem:$0x12480] =	vst v63  }
0xb4: {  	_ =	swait.ge [sflag:s3], $0x2000  }
0xb5: {  	[sflag:s3] =	ssyncset.done $0x0  }
0xb6: {  	s0 =	rddreg [dreg:$0x5];
	[sflag:s3] =	ssyncadd.s32 $0xFFFFE000  }
0xb7: {  	[tilespmem:s2], [sflag:$0x2] =	stream.linear.gather [hbm4b:s0+s2], $0x20, $0x38;
	[tilespmem:$0x12480] =	vst v63  }
0xb8: {  	_ =	swait.ge [sflag:s3], $0x20  }
0xb9: {  	[sflag:s3] =	ssyncset.done $0x0  }
0xba: {  	s0 =	rddreg [dreg:$0x6];
	[sflag:s3] =	ssyncadd.s32 $0xFFFFFFE0  }
0xbb: {  	[tilespmem:s4], [sflag:$0x2] =	stream.linear.gather [hbm4b:s0+s2], $0x20, $0x38;
	[tilespmem:$0x12480] =	vst v63  }
0xbc: {  	_ =	swait.ge [sflag:s3], $0x20  }
0xbd: {  	[sflag:s3] =	ssyncset.done $0x0  }
0xbe: {  	s0 =	rddreg [dreg:$0x7];
	[sflag:s3] =	ssyncadd.s32 $0xFFFFFFE0  }
0xbf: {  	[tilespmem:s5], [sflag:$0x2] =	stream.linear.gather [hbm4b:s0+s2], $0x140, $0x38;
	[tilespmem:$0x12480] =	vst v63  }
0xc0: {  	_ =	swait.ge [sflag:s3], $0x140  }
0xc1: {  	[sflag:s3] =	ssyncset.done $0x0  }
0xc2: {  	[sflag:s3] =	ssyncadd.s32 $0xFFFFFEC0  }
0xc3: {  	v20 =	vld [tilespmem:$0x0]  }
0xc4: {  	v21 =	vld [tilespmem:$0x170]  }
0xc5: {  	v22 =	vld [tilespmem:$0x30]  }
0xc6: {  	v23 =	vld [tilespmem:$0x40]  }
0xc7: {  	v24 =	vld [tilespmem:$0x160]  }
0xc8: {  	v27 =	vld [tilespmem:$0x60]  }
0xc9: {  	v41 =	vld [tilespmem:$0x70]  }
0xca: {  	v30 =	vld [tilespmem:$0x50];
	vm0 =	vlt.s32 v20, $0x186A0;
	v25 =	vadd.s32 $0xFFFE7960, v20;
	vm1 =	vlt.s32 v21, $0x186A0  }
0xcb: {  	v43 =	vld [tilespmem:$0xD0];
	v28 =	vadd.s32 $0xFFFE7960, v21;
	vm3 =	vlt.s32 v23, $0x186A0;
	v29 =	vadd.s32 $0xFFFE7960, v23  }
0xcc: {  	v35 =	vld [tilespmem:$0xA0];
	v31 =	vadd.s32 $0xFFFE7960, v22;
	vm4 =	vlt.s32 v22, $0x186A0;
	v23 =	vsel vm3, v23, v29  }
0xcd: {  	v46 =	vld [tilespmem:$0x90];
	v44 =	vadd.s32 $0xFFFE7960, v27;
	vm5 =	vlt.s32 v27, $0x186A0;
	v22 =	vsel vm4, v22, v31;
	[tilespmem:$0x200] =	vst v23  }
0xce: {  	v37 =	vld [tilespmem:$0x80];
	vm2 =	vlt.s32 v24, $0x186A0;
	v42 =	vadd.s32 $0xFFFE7960, v24;
	v27 =	vsel vm5, v27, v44;
	[tilespmem:$0x1B0] =	vst v22  }
0xcf: {  	v33 =	vld [tilespmem:$0xC0];
	v36 =	vadd.s32 $0xFFFE7960, v30;
	vm15 =	vlt.s32 v30, $0x186A0;
	v24 =	vsel vm2, v24, v42;
	[tilespmem:$0x220] =	vst v27  }
0xd0: {  	v34 =	vld [tilespmem:$0xB0];
	v45 =	vadd.s32 $0xFFFE7960, v41;
	vm14 =	vlt.s32 v41, $0x186A0;
	v30 =	vsel vm15, v30, v36;
	[tilespmem:$0x320] =	vst v24  }
0xd1: {  	v38 =	vadd.s32 $0xFFFE7960, v43;
	vm9 =	vlt.s32 v35, $0x186A0;
	v20 =	vsel vm0, v20, v25;
	[tilespmem:$0x210] =	vst v30  }
0xd2: {  	vm10 =	vlt.s32 v46, $0x186A0;
	v50 =	vadd.s32 $0xFFFE7960, v46;
	v28 =	vsel vm1, v21, v28;
	[tilespmem:$0x180] =	vst v20  }
0xd3: {  	vm13 =	vlt.s32 v37, $0x186A0;
	v56 =	vadd.s32 $0xFFFE7960, v37;
	v53 =	vsel vm10, v46, v50;
	[tilespmem:$0x330] =	vst v28  }
0xd4: {  	v49 =	vadd.s32 $0xFFFE7960, v33;
	vm6 =	vlt.s32 v33, $0x186A0;
	v57 =	vsel vm13, v37, v56;
	[tilespmem:$0x250] =	vst v53  }
0xd5: {  	vm12 =	vlt.s32 v34, $0x186A0;
	v21 =	vsel vm14, v41, v45;
	vm2 =	vlt.s32 v43, $0x186A0;
	[tilespmem:$0x240] =	vst v57  }
0xd6: {  	v26 =	vld [tilespmem:$0x20];
	vm0 =	vlt.s32 v20, $0x3E8;
	vm1 =	vlt.s32 v28, $0x3E8;
	v29 =	vsel vm2, v43, v38;
	[tilespmem:$0x230] =	vst v21  }
0xd7: {  	vm4 =	vlt.s32 v22, $0x3E8;
	v32 =	vsel vm1, v28, v16;
	[tilespmem:$0x290] =	vst v29;
	v20 =	vsel vm0, v20, v0  }
0xd8: {  	v62 =	vld [tilespmem:$0x100];
	vm5 =	vlt.s32 v27, $0x3E8;
	v22 =	vsel vm4, v22, v1;
	v32 =	vadd.s32 $0x3E8, v32;
	[tilespmem:$0x1C0] =	vst v20  }
0xd9: {  	v59 =	vld [tilespmem:$0x120];
	vm3 =	vlt.s32 v23, $0x3E8;
	v27 =	vsel vm5, v27, v2;
	v22 =	vadd.s32 $0x3E8, v22;
	[tilespmem:$0x470] =	vst v32  }
0xda: {  	v63 =	vld [tilespmem:$0xF0];
	vm11 =	vlt.s32 v24, $0x3E8;
	v23 =	vsel vm3, v23, v0;
	v47 =	vadd.s32 $0x3E8, v27;
	[tilespmem:$0x1F0] =	vst v22  }
0xdb: {  	v51 =	vadd.s32 $0xFFFE7960, v26;
	v24 =	vsel vm11, v24, v17;
	v23 =	vadd.s32 $0x3E8, v23;
	[tilespmem:$0x360] =	vst v47  }
0xdc: {  	v54 =	vadd.s32 $0xFFFE7960, v34;
	vm1 =	vlt.s32 v26, $0x186A0;
	v52 =	vadd.s32 $0x3E8, v24;
	[tilespmem:$0x340] =	vst v23  }
0xdd: {  	v58 =	vadd.s32 $0xFFFE7960, v35;
	v44 =	vadd.s32 $0xFFFE7960, v62;
	v55 =	vsel vm1, v26, v51;
	[tilespmem:$0x460] =	vst v52  }
0xde: {  	vm8 =	vlt.s32 v30, $0x3E8;
	vm14 =	vlt.s32 v53, $0x3E8;
	v26 =	vsel vm9, v35, v58;
	[tilespmem:$0x1A0] =	vst v55  }
0xdf: {  	v38 =	vadd.s32 $0xFFFE7960, v59;
	v43 =	vadd.s32 $0xFFFE7960, v63;
	v24 =	vsel vm12, v34, v54;
	[tilespmem:$0x260] =	vst v26  }
0xe0: {  	v48 =	vsel vm8, v30, v1;
	vm2 =	vlt.s32 v29, $0x3E8;
	v27 =	vsel vm6, v33, v49;
	[tilespmem:$0x270] =	vst v24  }
0xe1: {  	vm3 =	vlt.s32 v59, $0x186A0;
	v39 =	vsel vm2, v29, v9;
	v22 =	vadd.s32 $0x3E8, v48;
	[tilespmem:$0x280] =	vst v27  }
0xe2: {  	vm11 =	vlt.s32 v63, $0x186A0;
	vm12 =	vlt.s32 v62, $0x186A0;
	v40 =	vadd.s32 $0x3E8, v39;
	[tilespmem:$0x350] =	vst v22  }
0xe3: {  	vm6 =	vlt.s32 v57, $0x3E8;
	v23 =	vsel vm14, v53, v5;
	v29 =	vsel vm12, v62, v44;
	[tilespmem:$0x3D0] =	vst v40  }
0xe4: {  	v60 =	vld [tilespmem:$0x110];
	vm9 =	vlt.s32 v21, $0x3E8;
	vm7 =	vlt.s32 v24, $0x3E8;
	v23 =	vadd.s32 $0x3E8, v23;
	[tilespmem:$0x2C0] =	vst v29  }
0xe5: {  	vm8 =	vlt.s32 v27, $0x3E8;
	v61 =	vsel vm7, v24, v7;
	v24 =	vsel vm11, v63, v43;
	[tilespmem:$0x390] =	vst v23  }
0xe6: {  	v21 =	vsel vm9, v21, v3;
	v37 =	vsel vm8, v27, v8;
	v27 =	vsel vm3, v59, v38;
	[tilespmem:$0x2B0] =	vst v24  }
0xe7: {  	v36 =	vld [tilespmem:$0xE0];
	vm15 =	vlt.s32 v55, $0x3E8;
	v22 =	vsel vm6, v57, v4;
	v21 =	vadd.s32 $0x3E8, v21;
	[tilespmem:$0x2E0] =	vst v27  }
0xe8: {  	v50 =	vld [tilespmem:$0x130];
	v25 =	vsel vm15, v55, v0;
	v22 =	vadd.s32 $0x3E8, v22;
	[tilespmem:$0x370] =	vst v21  }
0xe9: {  	vm10 =	vlt.s32 v60, $0x186A0;
	v25 =	vadd.s32 $0x3E8, v25;
	[tilespmem:$0x380] =	vst v22  }
0xea: {  	v41 =	vadd.s32 $0xFFFE7960, v60;
	vm1 =	vlt.s32 v26, $0x3E8;
	v31 =	vadd.s32 $0x3E8, v61;
	[tilespmem:$0x1E0] =	vst v25  }
0xeb: {  	v26 =	vsel vm1, v26, v6;
	v23 =	vsel vm10, v60, v41;
	[tilespmem:$0x3B0] =	vst v31  }
0xec: {  	vm7 =	vlt.s32 v36, $0x186A0;
	v42 =	vadd.s32 $0xFFFE7960, v36;
	v55 =	vadd.s32 $0x3E8, v26;
	[tilespmem:$0x2D0] =	vst v23  }
0xed: {  	vm15 =	vlt.s32 v29, $0x3E8;
	v53 =	vadd.s32 $0xFFFE7960, v50;
	v25 =	vsel vm7, v36, v42;
	[tilespmem:$0x3A0] =	vst v55  }
0xee: {  	v47 =	vld [tilespmem:$0x140];
	vm14 =	vlt.s32 v24, $0x3E8;
	vm10 =	vlt.s32 v50, $0x186A0;
	v22 =	vadd.s32 $0x3E8, v37;
	[tilespmem:$0x2A0] =	vst v25  }
0xef: {  	v54 =	vld [tilespmem:$0x150];
	vm3 =	vlt.s32 v27, $0x3E8;
	v46 =	vsel vm14, v24, v11;
	v58 =	vsel vm10, v50, v53;
	[tilespmem:$0x3C0] =	vst v22  }
0xf0: {  	v49 =	vsel vm15, v29, v12;
	v28 =	vsel vm3, v27, v14;
	v48 =	vadd.s32 $0x3E8, v46;
	[tilespmem:$0x2F0] =	vst v58  }
0xf1: {  	vm8 =	vlt.s32 v23, $0x3E8;
	vm13 =	vlt.s32 v25, $0x3E8;
	v51 =	vadd.s32 $0x3E8, v28;
	[tilespmem:$0x3F0] =	vst v48  }
0xf2: {  	v57 =	vld [tilespmem:$0x10];
	v23 =	vsel vm8, v23, v13;
	v45 =	vsel vm13, v25, v10;
	v25 =	vadd.s32 $0x3E8, v49;
	[tilespmem:$0x420] =	vst v51  }
0xf3: {  	v23 =	vadd.s32 $0x3E8, v23;
	v52 =	vadd.s32 $0xFFFE7960, v47;
	vm9 =	vlt.s32 v47, $0x186A0;
	[tilespmem:$0x400] =	vst v25  }
0xf4: {  	vm12 =	vlt.s32 v58, $0x3E8;
	v60 =	vadd.s32 $0xFFFE7960, v54;
	v56 =	vsel vm9, v47, v52;
	[tilespmem:$0x410] =	vst v23  }
0xf5: {  	v27 =	vsel vm12, v58, v15;
	vm13 =	vlt.s32 v54, $0x186A0;
	v22 =	vadd.s32 $0x3E8, v45;
	[tilespmem:$0x300] =	vst v56  }
0xf6: {  	v59 =	vadd.s32 $0x3E8, v27;
	v61 =	vsel vm13, v54, v60;
	vm11 =	vlt.s32 v56, $0x3E8;
	[tilespmem:$0x3E0] =	vst v22  }
0xf7: {  	vm14 =	vlt.s32 v57, $0x186A0;
	vm15 =	vlt.s32 v61, $0x3E8;
	[tilespmem:$0x310] =	vst v61;
	v20 =	vsel vm11, v56, v18  }
0xf8: {  	v62 =	vadd.s32 $0xFFFE7960, v57;
	[tilespmem:$0x430] =	vst v59;
	v22 =	vsel vm15, v61, v19;
	v20 =	vadd.s32 $0x3E8, v20  }
0xf9: {  	v63 =	vadd.s32 $0x3E8, v22;
	[tilespmem:$0x440] =	vst v20;
	v20 =	vsel vm14, v57, v62  }
0xfa: {  	[tilespmem:$0x450] =	vst v63;
	vm0 =	vlt.s32 v20, $0x3E8  }
0xfb: {  	[tilespmem:$0x190] =	vst v20;
	v20 =	vsel vm0, v20, v1  }
0xfc: {  	s0 =	rddreg [dreg:$0x4];
	[tilespmem:$0x1D0] =	vst v20  }
0xfd: {  	[tilespmem:s14], [sflag:$0x1] =	stream.indirect.gather [hbm4b:s0+s4], $0x40, s16, s4, $0xb8;
	[tilespmem:$0x12480] =	vst v63  }
0xfe: {  	_ = 	snop  }
0xff: {  	[tilespmem:s15], [sflag:$0x1] =	stream.indirect.gather [hbm4b:s17+s4], $0x40, s18, s4, $0xb8;
	[tilespmem:$0x12480] =	vst v63  }
0x100: {  	_ = 	snop  }
0x101: {  	[tilespmem:s13], [sflag:$0x1] =	stream.indirect.gather [hbm4b:s19+s4], $0x80, s20, s4, $0xb8;
	[tilespmem:$0x12480] =	vst v63  }
0x102: {  	_ = 	snop  }
0x103: {  	[tilespmem:s10], [sflag:$0x1] =	stream.indirect.gather [hbm4b:s19+s4], $0x80, s21, s4, $0xb8;
	[tilespmem:$0x12480] =	vst v63  }
0x104: {  	_ = 	snop  }
0x105: {  	[tilespmem:s9], [sflag:$0x1] =	stream.indirect.gather [hbm4b:s17+s22], $0x40, s23, s22, $0xb8;
	[tilespmem:$0x12480] =	vst v63  }
0x106: {  	_ = 	snop  }
0x107: {  	[tilespmem:s6], [sflag:$0x1] =	stream.indirect.gather [hbm4b:s19+s22], $0x80, s24, s22, $0xb8;
	[tilespmem:$0x12480] =	vst v63  }
0x108: {  	_ = 	snop  }
0x109: {  	[tilespmem:s11], [sflag:$0x1] =	stream.indirect.gather [hbm4b:s17+s22], $0x40, s26, s22, $0xb8;
	[tilespmem:$0x12480] =	vst v63  }
0x10a: {  	_ = 	snop  }
0x10b: {  	[tilespmem:s7], [sflag:$0x1] =	stream.indirect.gather [hbm4b:s19+s22], $0x80, s28, s22, $0xb8;
	[tilespmem:$0x12480] =	vst v63  }
0x10c: {  	_ = 	snop  }
0x10d: {  	[tilespmem:s12], [sflag:$0x1] =	stream.indirect.gather [hbm4b:s17+s5], $0x40, s29, s5, $0xb8;
	[tilespmem:$0x12480] =	vst v63  }
0x10e: {  	_ = 	snop  }
0x10f: {  	[tilespmem:s8], [sflag:$0x1] =	stream.indirect.gather [hbm4b:s19+s5], $0x80, s31, s5, $0xb8;
	[tilespmem:$0x12480] =	vst v63  }
0x110: {  	_ =	swait.ge [sflag:s30], $0x800  }
0x111: {  	[sflag:s30] =	ssyncset.done $0x0  }
0x112: {  	[sflag:s30] =	ssyncadd.s32 $0xFFFFF800  }
0x113: {  	_ =	swait.ge [sflag:s30], $0x800  }
0x114: {  	[sflag:s30] =	ssyncset.done $0x0  }
0x115: {  	[sflag:s30] =	ssyncadd.s32 $0xFFFFF800  }
0x116: {  	_ =	swait.ge [sflag:s30], $0x1000  }
0x117: {  	[sflag:s30] =	ssyncset.done $0x0  }
0x118: {  	[sflag:s30] =	ssyncadd.s32 $0xFFFFF000  }
0x119: {  	_ =	swait.ge [sflag:s30], $0x1000  }
0x11a: {  	[sflag:s30] =	ssyncset.done $0x0  }
0x11b: {  	[sflag:s30] =	ssyncadd.s32 $0xFFFFF000  }
0x11c: {  	_ =	swait.ge [sflag:s30], $0x2000  }
0x11d: {  	[sflag:s30] =	ssyncset.done $0x0  }
0x11e: {  	[sflag:s30] =	ssyncadd.s32 $0xFFFFE000  }
0x11f: {  	_ =	swait.ge [sflag:s30], $0x4000  }
0x120: {  	[sflag:s30] =	ssyncset.done $0x0  }
0x121: {  	[sflag:s30] =	ssyncadd.s32 $0xFFFFC000  }
0x122: {  	_ =	swait.ge [sflag:s30], $0x2000  }
0x123: {  	[sflag:s30] =	ssyncset.done $0x0  }
0x124: {  	[sflag:s30] =	ssyncadd.s32 $0xFFFFE000  }
0x125: {  	_ =	swait.ge [sflag:s30], $0x4000  }
0x126: {  	p0 =	sne.s32 s1, $0x1;
	[sflag:s30] =	ssyncset.done $0x0  }
.Ltmp1:
0x127: {  	[sflag:s30] =	ssyncadd.s32 $0xFFFFC000;
	(pc) =	sbr.rel @p0 .LBB2_1-.Ltmp1, $4  }
0x128: {  	_ =	swait.ge [sflag:s30], $0x1000  }
0x129: {  	[sflag:s30] =	ssyncset.done $0x0  }
0x12a: {  	[sflag:s30] =	ssyncadd.s32 $0xFFFFF000  }
0x12b: {  	s1 =	sadd.s32 $0xFFFFFFFF, s1;
	_ =	swait.ge [sflag:s30], $0x2000  }
.LBB2_2:
0x12c: {  	[sflag:s30] =	ssyncset.done $0x0  }
0x12d: {  	s0 =	rddreg [dreg:$0x8];
	[sflag:s30] =	ssyncadd.s32 $0xFFFFE000  }
0x12e: {  	[hbm4b:s0+s2] =	stream.linear.scatter [tilespmem:s14], [sflag:$0x2], $0x800, $0x38;
	[tilespmem:$0x12480] =	vst v63  }
0x12f: {  	_ =	swait.ge [sflag:s3], $0x800  }
0x130: {  	[sflag:s3] =	ssyncset.done $0x0  }
0x131: {  	s21 =	rddreg [dreg:$0x9];
	[sflag:s3] =	ssyncadd.s32 $0xFFFFF800  }
0x132: {  	[hbm4b:s21+s2] =	stream.linear.scatter [tilespmem:s15], [sflag:$0x2], $0x800, $0x38;
	[tilespmem:$0x12480] =	vst v63  }
0x133: {  	_ =	swait.ge [sflag:s3], $0x800  }
0x134: {  	[sflag:s3] =	ssyncset.done $0x0  }
0x135: {  	s22 =	rddreg [dreg:$0xa];
	[sflag:s3] =	ssyncadd.s32 $0xFFFFF800  }
0x136: {  	[hbm4b:s22+s2] =	stream.linear.scatter [tilespmem:s13], [sflag:$0x2], $0x1000, $0x38;
	[tilespmem:$0x12480] =	vst v63  }
0x137: {  	_ =	swait.ge [sflag:s3], $0x1000  }
0x138: {  	[sflag:s3] =	ssyncset.done $0x0  }
0x139: {  	s23 =	rddreg [dreg:$0xb];
	[sflag:s3] =	ssyncadd.s32 $0xFFFFF000  }
0x13a: {  	[hbm4b:s23+s2] =	stream.linear.scatter [tilespmem:s10], [sflag:$0x2], $0x1000, $0x38;
	[tilespmem:$0x12480] =	vst v63  }
0x13b: {  	_ =	swait.ge [sflag:s3], $0x1000  }
0x13c: {  	[sflag:s3] =	ssyncset.done $0x0  }
0x13d: {  	s24 =	rddreg [dreg:$0xc];
	[sflag:s3] =	ssyncadd.s32 $0xFFFFF000  }
0x13e: {  	[hbm4b:s24+s2] =	stream.linear.scatter [tilespmem:s9], [sflag:$0x2], $0x2000, $0x38;
	[tilespmem:$0x12480] =	vst v63  }
0x13f: {  	_ =	swait.ge [sflag:s3], $0x2000  }
0x140: {  	[sflag:s3] =	ssyncset.done $0x0  }
0x141: {  	s26 =	rddreg [dreg:$0xd];
	[sflag:s3] =	ssyncadd.s32 $0xFFFFE000  }
0x142: {  	[hbm4b:s26+s2] =	stream.linear.scatter [tilespmem:s11], [sflag:$0x2], $0x2000, $0x38;
	[tilespmem:$0x12480] =	vst v63  }
0x143: {  	_ =	swait.ge [sflag:s3], $0x2000  }
0x144: {  	[sflag:s3] =	ssyncset.done $0x0  }
0x145: {  	s28 =	rddreg [dreg:$0xe];
	[sflag:s3] =	ssyncadd.s32 $0xFFFFE000  }
0x146: {  	[hbm4b:s28+s2] =	stream.linear.scatter [tilespmem:s12], [sflag:$0x2], $0x1000, $0x38;
	[tilespmem:$0x12480] =	vst v63  }
0x147: {  	_ =	swait.ge [sflag:s3], $0x1000  }
0x148: {  	[sflag:s3] =	ssyncset.done $0x0  }
0x149: {  	s29 =	rddreg [dreg:$0xf];
	[sflag:s3] =	ssyncadd.s32 $0xFFFFF000  }
0x14a: {  	[hbm4b:s29+s2] =	stream.linear.scatter [tilespmem:s6], [sflag:$0x2], $0x4000, $0x38;
	[tilespmem:$0x12480] =	vst v63  }
0x14b: {  	_ =	swait.ge [sflag:s3], $0x4000  }
0x14c: {  	[sflag:s3] =	ssyncset.done $0x0  }
0x14d: {  	s30 =	rddreg [dreg:$0x10];
	[sflag:s3] =	ssyncadd.s32 $0xFFFFC000  }
0x14e: {  	[hbm4b:s30+s2] =	stream.linear.scatter [tilespmem:s7], [sflag:$0x2], $0x4000, $0x38;
	[tilespmem:$0x12480] =	vst v63  }
0x14f: {  	_ =	swait.ge [sflag:s3], $0x4000  }
0x150: {  	[sflag:s3] =	ssyncset.done $0x0  }
0x151: {  	[sflag:s3] =	ssyncadd.s32 $0xFFFFC000  }
0x152: {  	[hbm4b:s25+s2] =	stream.linear.scatter [tilespmem:s8], [sflag:$0x2], $0x2000, $0x38;
	[tilespmem:$0x12480] =	vst v63  }
0x153: {  	_ =	swait.ge [sflag:s3], $0x2000  }
0x154: {  	[sflag:s3] =	ssyncset.done $0x0  }
0x155: {  	[sflag:s3] =	ssyncadd.s32 $0xFFFFE000  }
0x156: {  	_ =	sfence.sel $0x180000  }
0x157: {  	[bflag:$0x0] =	sbarrier.arrive $0xFFFF  }
0x158: {  	_ =	strace $0x90000047  }
0x159: {  	s31 =	stileid.u32;
	[bflag:$0x2] =	sbarrier.arrive $0xFFFF  }
0x15a: {  	p0 =	sne.s32 s31, $0x0;
	s0 =	rddreg [dreg:$0x3]  }
0x15b: {  	s0 =	sadd.s32 @!p0 $0x100000, s0  }
0x15c: {  	[sflag:s0] =	ssyncadd.tile.s32 @!p0 $0x1;
	_ =	shalt  }
.Lfunc_end2:
_tile_overlayer_lowered:
.L_overlay_start_2:
0x15d: {  	(tag) =	ssettag $0x2  }
0x15e: {  	s0 =	rddreg [dreg:$0x0];
	s2 =	stileid.u32  }
0x15f: {  	s1 =	rddreg [dreg:$0x1];
	p0 =	sne.s32 s2, $0x0  }
0x160: {  	s3 =	rddreg [dreg:$0x2];
	[bflag:$0x3] =	sbarrier.arrive $0xFFFF;
	s2 =	simm.s32 @!p0 $0x1C02  }
0x161: {  	[timem:s3], [sflag:s2] =	dma.local @!p0 [hbm:s0], s1  }
0x162: {  	s0 =	simm.s32 @!p0 $0x2  }
0x163: {  	_ =	swait.ge @!p0 [sflag:s0], s1  }
0x164: {  	s1 =	ssub.s32 @!p0 $0x0, s1;
	[sflag:s0] =	ssyncset.done @!p0 $0x0  }
0x165: {  	[sflag:s0] =	ssyncadd.s32 @!p0 s1  }
0x166: {  	[bflag:$0x3] =	sbarrier.arrive $0xFFFF  }
0x167: {  	_ =	shalt  }

</sc_bundles>
